<compile_context>
chip_gen: v7x
topology: tpu7x:2x2x1
jax: 0.10.2.dev20260603
libtpu: 0.0.44.dev20260713+nightly
codegen_flags: <defaults>
</compile_context>

<pallas_src>
import jax
import jax.numpy as jnp
from jax import lax
from jax.experimental import pallas as pl
from jax.experimental.pallas import tpu as pltpu
from jax.experimental.pallas import tpu_sc as plsc

_NC, _NS = 2, 16
_NW = _NC * _NS


def _dot0(a, b):
    return lax.dot_general(a, b, (((0,), (0,)), ((), ())),
                           preferred_element_type=jnp.float32)


def _prep_body(ttT_ref, wt_ref, wkt_ref, wwk_ref, ntT_ref, wn_ref,
               tp_ref, wp_ref, s_ref):
    tp_ref[:] = _dot0(ttT_ref[:], wt_ref[:])
    wproj = jnp.dot(wkt_ref[:], wwk_ref[:],
                    preferred_element_type=jnp.float32)
    wp_ref[:] = jnp.concatenate(
        [wproj, jnp.zeros((1, wproj.shape[1]), jnp.float32)], axis=0)
    s_ref[:] = _dot0(ntT_ref[:], wn_ref[:])


def _sc_gather_body(per, BT):
    def body(idx_hbm, tp_hbm, wp_hbm, out_hbm, ti_v, wi_v, rt_v, rw_v,
             s1, s2):
        wid = lax.axis_index("s") * _NC + lax.axis_index("c")
        base = wid * per
        pltpu.sync_copy(idx_hbm.at[pl.ds(base, per)], ti_v)
        pltpu.sync_copy(idx_hbm.at[pl.ds(BT + base, per)], wi_v)
        c1 = pltpu.async_copy(tp_hbm.at[ti_v], rt_v, s1)
        c2 = pltpu.async_copy(wp_hbm.at[wi_v], rw_v, s2)
        c1.wait()
        c2.wait()
        pltpu.sync_copy(rt_v, out_hbm.at[pl.ds(base, per)])
        pltpu.sync_copy(rw_v, out_hbm.at[pl.ds(BT + base, per)])
    return body


def _tc_body(g_ref, s_ref, out_ref):
    t = pl.program_id(0)
    N = out_ref.shape[1]
    B = out_ref.shape[2]
    BT = g_ref.shape[0] // 2

    tv = g_ref[pl.ds(t * B, B), :] + g_ref[pl.ds(BT + t * B, B), :]
    for n in range(N):
        out_ref[0, n] = tv + s_ref[n, :]


def kernel(time, weekday, time_table, W_time, weekday_table, W_weekday,
           node_table, W_node):
    B, T, _ = time.shape
    N, E = node_table.shape
    D = W_node.shape[1]
    BT = B * T
    per = BT // _NW
    Vt = time_table.shape[0]

    idx = jnp.concatenate(
        [time.reshape(B, T).T, weekday.reshape(B, T).T],
        axis=0).astype(jnp.int32).reshape(2 * BT)

    def full(shape):
        return pl.BlockSpec(shape, lambda *_: (0,) * len(shape))

    tproj, wproj, s = pl.pallas_call(
        _prep_body,
        in_specs=[full((E, Vt)), full(W_time.shape),
                  full(weekday_table.shape), full(W_weekday.shape),
                  full((E, N)), full(W_node.shape)],
        out_specs=[full((Vt, D)), full((8, D)), full((N, D))],
        out_shape=[jax.ShapeDtypeStruct((Vt, D), jnp.float32),
                   jax.ShapeDtypeStruct((8, D), jnp.float32),
                   jax.ShapeDtypeStruct((N, D), jnp.float32)],
    )(time_table.T, W_time, weekday_table, W_weekday, node_table.T, W_node)

    mesh = plsc.VectorSubcoreMesh(core_axis_name="c", subcore_axis_name="s")
    gathered = pl.kernel(
        _sc_gather_body(per, BT),
        out_type=jax.ShapeDtypeStruct((2 * BT, D), jnp.float32),
        mesh=mesh,
        scratch_types=[
            pltpu.VMEM((per,), jnp.int32),
            pltpu.VMEM((per,), jnp.int32),
            pltpu.VMEM((per, D), jnp.float32),
            pltpu.VMEM((per, D), jnp.float32),
            pltpu.SemaphoreType.DMA,
            pltpu.SemaphoreType.DMA,
        ],
    )(idx, tproj, wproj)

    out = pl.pallas_call(
        _tc_body,
        grid=(T,),
        in_specs=[full((2 * BT, D)), full((N, D))],
        out_specs=pl.BlockSpec((1, N, B, D), lambda t: (t, 0, 0, 0)),
        out_shape=jax.ShapeDtypeStruct((T, N, B, D), jnp.float32),
        compiler_params=pltpu.CompilerParams(
            dimension_semantics=("arbitrary",)),
    )(gathered, s)
    return jnp.transpose(out, (2, 0, 1, 3))

# --- scband reference (transcript-rebuilt; emitter-appended) ---
"""Pipeline reference for scband-stembedding-78924319031766 (READ-ONLY COPY).

The authoritative reference and input builder live on the scoring server;
editing this copy changes nothing except your own understanding.
"""

import jax, jax.numpy as jnp
import numpy as np

NUM_TIMES = 288
TIME_DIM = 32
WEEKDAY_DIM = 32
NUM_NODES = 207
NODE_DIM = 32
MODEL_DIM = 128
B = 64
T = 12


def setup_inputs(seed: int = 0) -> dict:
    key = jax.random.key(seed)
    ks = jax.random.split(key, 8)
    time = jax.random.randint(ks[0], (B, T, 1), 0, NUM_TIMES)
    weekday = jax.random.randint(ks[1], (B, T, 1), 0, 7)
    time_table = jax.random.normal(ks[2], (NUM_TIMES, TIME_DIM), dtype=jnp.float32)
    W_time = jax.random.normal(ks[3], (TIME_DIM, MODEL_DIM), dtype=jnp.float32) / np.sqrt(TIME_DIM)
    weekday_table = jax.random.normal(ks[4], (7, WEEKDAY_DIM), dtype=jnp.float32)
    W_weekday = jax.random.normal(ks[5], (WEEKDAY_DIM, MODEL_DIM), dtype=jnp.float32) / np.sqrt(WEEKDAY_DIM)
    node_table = jax.random.normal(ks[6], (NUM_NODES, NODE_DIM), dtype=jnp.float32)
    W_node = jax.random.normal(ks[7], (NODE_DIM, MODEL_DIM), dtype=jnp.float32) / np.sqrt(NODE_DIM)
    return {"time": time, "weekday": weekday, "time_table": time_table, "W_time": W_time,
            "weekday_table": weekday_table, "W_weekday": W_weekday,
            "node_table": node_table, "W_node": W_node}


def reference(time, weekday, time_table, W_time, weekday_table, W_weekday, node_table, W_node):
    # EmbeddingLinear(time): embedding lookup -> (dropout eval=identity) -> linear no bias
    emb_time = jnp.take(time_table, time, axis=0) @ W_time            # [B, T, 1, D]
    emb_weekday = jnp.take(weekday_table, weekday, axis=0) @ W_weekday  # [B, T, 1, D]
    t = emb_time + emb_weekday
    nodes = jnp.arange(NUM_NODES)
    s = jnp.take(node_table, nodes, axis=0) @ W_node                  # [N, D]
    return s + t                                                       # [B, T, N, D]

if __name__ == "__main__":
    import jax
    _d = setup_inputs()
    print(jax.jit(kernel)(*tuple(_d.values())))

</pallas_src>

<mosaic_0001>
#map = affine_map<(d0, d1) -> (0)>
#map1 = affine_map<(d0, d1) -> (0, 0)>
module attributes {stable_mosaic.version = 14 : i64} {
  func.func @body(%arg0: i32, %arg1: i32, %arg2: memref<1536xi32, #tpu.memory_space<hbm>>, %arg3: memref<288x128xf32, #tpu.memory_space<hbm>>, %arg4: memref<8x128xf32, #tpu.memory_space<hbm>>, %arg5: memref<1536x128xf32, #tpu.memory_space<hbm>>, %arg6: memref<24xi32, #tpu.memory_space<vmem>>, %arg7: memref<24xi32, #tpu.memory_space<vmem>>, %arg8: memref<24x128xf32, #tpu.memory_space<vmem>>, %arg9: memref<24x128xf32, #tpu.memory_space<vmem>>, %arg10: memref<!tpu.dma_semaphore, #tpu.memory_space<semaphore_mem>>, %arg11: memref<!tpu.dma_semaphore, #tpu.memory_space<semaphore_mem>>) attributes {dimension_semantics = [#tpu.dimension_semantics<core_parallel>, #tpu.dimension_semantics<subcore_parallel>], iteration_bounds = array<i64: 2, 16>, scalar_prefetch = 0 : i64, scratch_operands = 6 : i64, tpu.core_type = #tpu.core_type<sc_vector_subcore>, window_params = [{transform_indices = #map}, {transform_indices = #map1}, {transform_indices = #map1}, {transform_indices = #map1}]} {
    %mul3A = arith.constant 2 : i32
    %mul3A_0 = arith.muli %arg1, %mul3A : i32
    %add3A = arith.addi %mul3A_0, %arg0 : i32
    %mul3A_1 = arith.constant 24 : i32
    %mul3A_2 = arith.muli %add3A, %mul3A_1 : i32
    "tpu.region"() ({
      %run_scoped3A = tpu.sem_alloc : memref<!tpu.dma_semaphore, #tpu.memory_space<semaphore_mem>>
      %dma_start3A_17 = tpu.memref_slice %arg2[%mul3A_2] : memref<1536xi32, #tpu.memory_space<hbm>> -> memref<24xi32, #tpu.memory_space<hbm>>
      %dma_start3A_18 = tpu.memref_slice %arg2[%mul3A_2] : memref<1536xi32, #tpu.memory_space<hbm>> -> memref<24xi32, #tpu.memory_space<hbm>>
      tpu.enqueue_dma source(%dma_start3A_18 : memref<24xi32, #tpu.memory_space<hbm>>) target(%arg6 : memref<24xi32, #tpu.memory_space<vmem>>) target_semaphore(%run_scoped3A : memref<!tpu.dma_semaphore, #tpu.memory_space<semaphore_mem>>)
      %dma_wait3A_19 = tpu.memref_slice %arg2[%mul3A_2] : memref<1536xi32, #tpu.memory_space<hbm>> -> memref<24xi32, #tpu.memory_space<hbm>>
      %dma_wait3A_20 = tpu.memref_slice %arg2[%mul3A_2] : memref<1536xi32, #tpu.memory_space<hbm>> -> memref<24xi32, #tpu.memory_space<hbm>>
      tpu.wait_dma2 semaphore(%run_scoped3A : memref<!tpu.dma_semaphore, #tpu.memory_space<semaphore_mem>>) src(%dma_wait3A_20 : memref<24xi32, #tpu.memory_space<hbm>>) dst(%arg6 : memref<24xi32, #tpu.memory_space<vmem>>)
      tpu.yield
    }) : () -> ()
    %add3A_3 = arith.constant 768 : i32
    %add3A_4 = arith.addi %add3A_3, %mul3A_2 : i32
    "tpu.region"() ({
      %run_scoped3A = tpu.sem_alloc : memref<!tpu.dma_semaphore, #tpu.memory_space<semaphore_mem>>
      %dma_start3A_17 = tpu.memref_slice %arg2[%add3A_4] : memref<1536xi32, #tpu.memory_space<hbm>> -> memref<24xi32, #tpu.memory_space<hbm>>
      %dma_start3A_18 = tpu.memref_slice %arg2[%add3A_4] : memref<1536xi32, #tpu.memory_space<hbm>> -> memref<24xi32, #tpu.memory_space<hbm>>
      tpu.enqueue_dma source(%dma_start3A_18 : memref<24xi32, #tpu.memory_space<hbm>>) target(%arg7 : memref<24xi32, #tpu.memory_space<vmem>>) target_semaphore(%run_scoped3A : memref<!tpu.dma_semaphore, #tpu.memory_space<semaphore_mem>>)
      %dma_wait3A_19 = tpu.memref_slice %arg2[%add3A_4] : memref<1536xi32, #tpu.memory_space<hbm>> -> memref<24xi32, #tpu.memory_space<hbm>>
      %dma_wait3A_20 = tpu.memref_slice %arg2[%add3A_4] : memref<1536xi32, #tpu.memory_space<hbm>> -> memref<24xi32, #tpu.memory_space<hbm>>
      tpu.wait_dma2 semaphore(%run_scoped3A : memref<!tpu.dma_semaphore, #tpu.memory_space<semaphore_mem>>) src(%dma_wait3A_20 : memref<24xi32, #tpu.memory_space<hbm>>) dst(%arg7 : memref<24xi32, #tpu.memory_space<vmem>>)
      tpu.yield
    }) : () -> ()
    %dma_start3A = arith.constant 0 : i32
    %dma_start3A_5 = arith.constant 0 : i32
    %dma_start3A_6 = tpu.memref_slice %arg3[%dma_start3A, %dma_start3A_5] : memref<288x128xf32, #tpu.memory_space<hbm>> -> memref<288x128xf32, #tpu.memory_space<hbm>>
    tpu.enqueue_indirect_dma source(%dma_start3A_6 : memref<288x128xf32, #tpu.memory_space<hbm>>) target(%arg8 : memref<24x128xf32, #tpu.memory_space<vmem>>) offsets(%arg6 : memref<24xi32, #tpu.memory_space<vmem>>) semaphore(%arg10 : memref<!tpu.dma_semaphore, #tpu.memory_space<semaphore_mem>>)
    %dma_start3A_7 = arith.constant 0 : i32
    %dma_start3A_8 = arith.constant 0 : i32
    %dma_start3A_9 = tpu.memref_slice %arg4[%dma_start3A_7, %dma_start3A_8] : memref<8x128xf32, #tpu.memory_space<hbm>> -> memref<8x128xf32, #tpu.memory_space<hbm>>
    tpu.enqueue_indirect_dma source(%dma_start3A_9 : memref<8x128xf32, #tpu.memory_space<hbm>>) target(%arg9 : memref<24x128xf32, #tpu.memory_space<vmem>>) offsets(%arg7 : memref<24xi32, #tpu.memory_space<vmem>>) semaphore(%arg11 : memref<!tpu.dma_semaphore, #tpu.memory_space<semaphore_mem>>)
    %dma_wait3A = arith.constant 0 : i32
    %dma_wait3A_10 = arith.constant 0 : i32
    %dma_wait3A_11 = tpu.memref_slice %arg3[%dma_wait3A, %dma_wait3A_10] : memref<288x128xf32, #tpu.memory_space<hbm>> -> memref<288x128xf32, #tpu.memory_space<hbm>>
    tpu.wait_indirect_dma semaphore(%arg10 : memref<!tpu.dma_semaphore, #tpu.memory_space<semaphore_mem>>) src(%dma_wait3A_11 : memref<288x128xf32, #tpu.memory_space<hbm>>) dst(%arg8 : memref<24x128xf32, #tpu.memory_space<vmem>>)
    %dma_wait3A_12 = arith.constant 0 : i32
    %dma_wait3A_13 = arith.constant 0 : i32
    %dma_wait3A_14 = tpu.memref_slice %arg4[%dma_wait3A_12, %dma_wait3A_13] : memref<8x128xf32, #tpu.memory_space<hbm>> -> memref<8x128xf32, #tpu.memory_space<hbm>>
    tpu.wait_indirect_dma semaphore(%arg11 : memref<!tpu.dma_semaphore, #tpu.memory_space<semaphore_mem>>) src(%dma_wait3A_14 : memref<8x128xf32, #tpu.memory_space<hbm>>) dst(%arg9 : memref<24x128xf32, #tpu.memory_space<vmem>>)
    "tpu.region"() ({
      %run_scoped3A = tpu.sem_alloc : memref<!tpu.dma_semaphore, #tpu.memory_space<semaphore_mem>>
      %dma_start3A_17 = arith.constant 0 : i32
      %dma_start3A_18 = tpu.memref_slice %arg5[%mul3A_2, %dma_start3A_17] : memref<1536x128xf32, #tpu.memory_space<hbm>> -> memref<24x128xf32, #tpu.memory_space<hbm>>
      %dma_start3A_19 = arith.constant 0 : i32
      %dma_start3A_20 = tpu.memref_slice %arg5[%mul3A_2, %dma_start3A_19] : memref<1536x128xf32, #tpu.memory_space<hbm>> -> memref<24x128xf32, #tpu.memory_space<hbm>>
      tpu.enqueue_dma source(%arg8 : memref<24x128xf32, #tpu.memory_space<vmem>>) target(%dma_start3A_20 : memref<24x128xf32, #tpu.memory_space<hbm>>) target_semaphore(%run_scoped3A : memref<!tpu.dma_semaphore, #tpu.memory_space<semaphore_mem>>)
      %dma_wait3A_21 = arith.constant 0 : i32
      %dma_wait3A_22 = tpu.memref_slice %arg5[%mul3A_2, %dma_wait3A_21] : memref<1536x128xf32, #tpu.memory_space<hbm>> -> memref<24x128xf32, #tpu.memory_space<hbm>>
      %dma_wait3A_23 = arith.constant 0 : i32
      %dma_wait3A_24 = tpu.memref_slice %arg5[%mul3A_2, %dma_wait3A_23] : memref<1536x128xf32, #tpu.memory_space<hbm>> -> memref<24x128xf32, #tpu.memory_space<hbm>>
      tpu.wait_dma2 semaphore(%run_scoped3A : memref<!tpu.dma_semaphore, #tpu.memory_space<semaphore_mem>>) src(%arg8 : memref<24x128xf32, #tpu.memory_space<vmem>>) dst(%dma_wait3A_24 : memref<24x128xf32, #tpu.memory_space<hbm>>)
      tpu.yield
    }) : () -> ()
    %add3A_15 = arith.constant 768 : i32
    %add3A_16 = arith.addi %add3A_15, %mul3A_2 : i32
    "tpu.region"() ({
      %run_scoped3A = tpu.sem_alloc : memref<!tpu.dma_semaphore, #tpu.memory_space<semaphore_mem>>
      %dma_start3A_17 = arith.constant 0 : i32
      %dma_start3A_18 = tpu.memref_slice %arg5[%add3A_16, %dma_start3A_17] : memref<1536x128xf32, #tpu.memory_space<hbm>> -> memref<24x128xf32, #tpu.memory_space<hbm>>
      %dma_start3A_19 = arith.constant 0 : i32
      %dma_start3A_20 = tpu.memref_slice %arg5[%add3A_16, %dma_start3A_19] : memref<1536x128xf32, #tpu.memory_space<hbm>> -> memref<24x128xf32, #tpu.memory_space<hbm>>
      tpu.enqueue_dma source(%arg9 : memref<24x128xf32, #tpu.memory_space<vmem>>) target(%dma_start3A_20 : memref<24x128xf32, #tpu.memory_space<hbm>>) target_semaphore(%run_scoped3A : memref<!tpu.dma_semaphore, #tpu.memory_space<semaphore_mem>>)
      %dma_wait3A_21 = arith.constant 0 : i32
      %dma_wait3A_22 = tpu.memref_slice %arg5[%add3A_16, %dma_wait3A_21] : memref<1536x128xf32, #tpu.memory_space<hbm>> -> memref<24x128xf32, #tpu.memory_space<hbm>>
      %dma_wait3A_23 = arith.constant 0 : i32
      %dma_wait3A_24 = tpu.memref_slice %arg5[%add3A_16, %dma_wait3A_23] : memref<1536x128xf32, #tpu.memory_space<hbm>> -> memref<24x128xf32, #tpu.memory_space<hbm>>
      tpu.wait_dma2 semaphore(%run_scoped3A : memref<!tpu.dma_semaphore, #tpu.memory_space<semaphore_mem>>) src(%arg9 : memref<24x128xf32, #tpu.memory_space<vmem>>) dst(%dma_wait3A_24 : memref<24x128xf32, #tpu.memory_space<hbm>>)
      tpu.yield
    }) : () -> ()
    return
  }
}

module attributes {stable_mosaic.version = 14 : i64} {
  func.func @_prep_body(%arg0: memref<32x288xf32, #tpu.memory_space<vmem>>, %arg1: memref<32x128xf32, #tpu.memory_space<vmem>>, %arg2: memref<7x32xf32, #tpu.memory_space<vmem>>, %arg3: memref<32x128xf32, #tpu.memory_space<vmem>>, %arg4: memref<32x207xf32, #tpu.memory_space<vmem>>, %arg5: memref<32x128xf32, #tpu.memory_space<vmem>>, %arg6: memref<288x128xf32, #tpu.memory_space<vmem>>, %arg7: memref<8x128xf32, #tpu.memory_space<vmem>>, %arg8: memref<207x128xf32, #tpu.memory_space<vmem>>) attributes {dimension_semantics = [], scalar_prefetch = 0 : i64, scratch_operands = 0 : i64, tpu.core_type = #tpu.core_type<tc>} {
    %get3A = arith.constant 0 : index
    %get3A_0 = arith.constant 0 : index
    %get3A_1 = vector.load %arg0[%get3A, %get3A_0] : memref<32x288xf32, #tpu.memory_space<vmem>>, vector<32x288xf32>
    %get3A_2 = arith.constant 0 : index
    %get3A_3 = arith.constant 0 : index
    %get3A_4 = vector.load %arg1[%get3A_2, %get3A_3] : memref<32x128xf32, #tpu.memory_space<vmem>>, vector<32x128xf32>
    %dot_general3A = arith.constant dense<0.000000e+00> : vector<288x128xf32>
    %dot_general3A_5 = tpu.matmul %get3A_1, %get3A_4, %dot_general3A {dimension_numbers = #tpu.dot_dimension_numbers<[0], [0], [1], [1], [0, 1, 1, 1], [], []>, transpose_lhs_hint = false} : vector<32x288xf32>, vector<32x128xf32>, vector<288x128xf32> -> vector<288x128xf32>
    %swap3A = arith.constant 0 : index
    %swap3A_6 = arith.constant 0 : index
    %swap3A_7 = vector.load %arg6[%swap3A, %swap3A_6] : memref<288x128xf32, #tpu.memory_space<vmem>>, vector<288x128xf32>
    tpu.vector_store %arg6[%swap3A, %swap3A_6], %dot_general3A_5 {strides = array<i32>} : memref<288x128xf32, #tpu.memory_space<vmem>>, vector<288x128xf32>,
    %get3A_8 = arith.constant 0 : index
    %get3A_9 = arith.constant 0 : index
    %get3A_10 = vector.load %arg2[%get3A_8, %get3A_9] : memref<7x32xf32, #tpu.memory_space<vmem>>, vector<7x32xf32>
    %get3A_11 = arith.constant 0 : index
    %get3A_12 = arith.constant 0 : index
    %get3A_13 = vector.load %arg3[%get3A_11, %get3A_12] : memref<32x128xf32, #tpu.memory_space<vmem>>, vector<32x128xf32>
    %dot_general3A_14 = arith.constant dense<0.000000e+00> : vector<7x128xf32>
    %dot_general3A_15 = tpu.matmul %get3A_10, %get3A_13, %dot_general3A_14 {dimension_numbers = #tpu.dot_dimension_numbers<[1], [0], [0], [1], [0, 0, 1, 1], [], []>, transpose_lhs_hint = false} : vector<7x32xf32>, vector<32x128xf32>, vector<7x128xf32> -> vector<7x128xf32>
    %broadcast_in_dim3A = arith.constant 0.000000e+00 : f32
    %broadcast_in_dim3A_16 = vector.broadcast %broadcast_in_dim3A : f32 to vector<1x128xf32>
    %concatenate3A = tpu.concatenate %dot_general3A_15, %broadcast_in_dim3A_16 in 0 : vector<7x128xf32>, vector<1x128xf32> -> vector<8x128xf32>
    %swap3A_17 = arith.constant 0 : index
    %swap3A_18 = arith.constant 0 : index
    %swap3A_19 = vector.load %arg7[%swap3A_17, %swap3A_18] : memref<8x128xf32, #tpu.memory_space<vmem>>, vector<8x128xf32>
    tpu.vector_store %arg7[%swap3A_17, %swap3A_18], %concatenate3A {strides = array<i32>} : memref<8x128xf32, #tpu.memory_space<vmem>>, vector<8x128xf32>,
    %get3A_20 = arith.constant 0 : index
    %get3A_21 = arith.constant 0 : index
    %get3A_22 = vector.load %arg4[%get3A_20, %get3A_21] : memref<32x207xf32, #tpu.memory_space<vmem>>, vector<32x207xf32>
    %get3A_23 = arith.constant 0 : index
    %get3A_24 = arith.constant 0 : index
    %get3A_25 = vector.load %arg5[%get3A_23, %get3A_24] : memref<32x128xf32, #tpu.memory_space<vmem>>, vector<32x128xf32>
    %dot_general3A_26 = arith.constant dense<0.000000e+00> : vector<207x128xf32>
    %dot_general3A_27 = tpu.matmul %get3A_22, %get3A_25, %dot_general3A_26 {dimension_numbers = #tpu.dot_dimension_numbers<[0], [0], [1], [1], [0, 1, 1, 1], [], []>, transpose_lhs_hint = false} : vector<32x207xf32>, vector<32x128xf32>, vector<207x128xf32> -> vector<207x128xf32>
    %swap3A_28 = arith.constant 0 : index
    %swap3A_29 = arith.constant 0 : index
    %swap3A_30 = vector.load %arg8[%swap3A_28, %swap3A_29] : memref<207x128xf32, #tpu.memory_space<vmem>>, vector<207x128xf32>
    tpu.vector_store %arg8[%swap3A_28, %swap3A_29], %dot_general3A_27 {strides = array<i32>} : memref<207x128xf32, #tpu.memory_space<vmem>>, vector<207x128xf32>,
    return
  }
}

module attributes {stable_mosaic.version = 14 : i64} {
  func.func @_tc_body(%arg0: i32, %arg1: memref<1536x128xf32, #tpu.memory_space<vmem>>, %arg2: memref<207x128xf32, #tpu.memory_space<vmem>>, %arg3: memref<1x207x64x128xf32, #tpu.memory_space<vmem>>) attributes {dimension_semantics = [#tpu.dimension_semantics<arbitrary>], iteration_bounds = array<i64: 12>, scalar_prefetch = 0 : i64, scratch_operands = 0 : i64, tpu.core_type = #tpu.core_type<tc>, window_params = [{pipeline_mode = #tpu.pipeline_mode<synchronous>, transform_indices = @transform_0, window_bounds = array<i64: 1536, 128>}, {pipeline_mode = #tpu.pipeline_mode<synchronous>, transform_indices = @transform_1, window_bounds = array<i64: 207, 128>}, {transform_indices = @transform_2, window_bounds = array<i64: 1, 207, 64, 128>}]} {
    %mul3A = arith.constant 64 : i32
    %mul3A_0 = arith.muli %arg0, %mul3A : i32
    %get3A = arith.index_cast %mul3A_0 : i32 to index
    %get3A_1 = arith.constant 0 : index
    %get3A_2 = vector.load %arg1[%get3A, %get3A_1] : memref<1536x128xf32, #tpu.memory_space<vmem>>, vector<64x128xf32>
    %mul3A_3 = arith.constant 64 : i32
    %mul3A_4 = arith.muli %arg0, %mul3A_3 : i32
    %add3A = arith.constant 768 : i32
    %add3A_5 = arith.addi %add3A, %mul3A_4 : i32
    %get3A_6 = arith.index_cast %add3A_5 : i32 to index
    %get3A_7 = arith.constant 0 : index
    %get3A_8 = vector.load %arg1[%get3A_6, %get3A_7] : memref<1536x128xf32, #tpu.memory_space<vmem>>, vector<64x128xf32>
    %add3A_9 = arith.addf %get3A_2, %get3A_8 : vector<64x128xf32>
    %get3A_10 = arith.constant 0 : index
    %get3A_11 = arith.constant 0 : index
    %get3A_12 = vector.load %arg2[%get3A_10, %get3A_11] : memref<207x128xf32, #tpu.memory_space<vmem>>, vector<1x128xf32>
    %get3A_13 = vector.shape_cast %get3A_12 : vector<1x128xf32> to vector<128xf32>
    %broadcast_in_dim3A = vector.shape_cast %get3A_13 : vector<128xf32> to vector<1x128xf32>
    %add3A_14 = vector.broadcast %broadcast_in_dim3A : vector<1x128xf32> to vector<64x128xf32>
    %add3A_15 = arith.addf %add3A_9, %add3A_14 : vector<64x128xf32>
    %swap3A = arith.constant 0 : index
    %swap3A_16 = arith.constant 0 : index
    %swap3A_17 = arith.constant 0 : index
    %swap3A_18 = arith.constant 0 : index
    %swap3A_19 = vector.load %arg3[%swap3A, %swap3A_16, %swap3A_17, %swap3A_18] : memref<1x207x64x128xf32, #tpu.memory_space<vmem>>, vector<1x1x64x128xf32>
    %swap3A_20 = vector.shape_cast %swap3A_19 : vector<1x1x64x128xf32> to vector<64x128xf32>
    %swap3A_21 = vector.shape_cast %add3A_15 : vector<64x128xf32> to vector<1x1x64x128xf32>
    tpu.vector_store %arg3[%swap3A, %swap3A_16, %swap3A_17, %swap3A_18], %swap3A_21 {strides = array<i32>} : memref<1x207x64x128xf32, #tpu.memory_space<vmem>>, vector<1x1x64x128xf32>,
    %get3A_22 = arith.constant 1 : index
    %get3A_23 = arith.constant 0 : index
    %get3A_24 = vector.load %arg2[%get3A_22, %get3A_23] : memref<207x128xf32, #tpu.memory_space<vmem>>, vector<1x128xf32>
    %get3A_25 = vector.shape_cast %get3A_24 : vector<1x128xf32> to vector<128xf32>
    %broadcast_in_dim3A_26 = vector.shape_cast %get3A_25 : vector<128xf32> to vector<1x128xf32>
    %add3A_27 = vector.broadcast %broadcast_in_dim3A_26 : vector<1x128xf32> to vector<64x128xf32>
    %add3A_28 = arith.addf %add3A_9, %add3A_27 : vector<64x128xf32>
    %swap3A_29 = arith.constant 0 : index
    %swap3A_30 = arith.constant 1 : index
    %swap3A_31 = arith.constant 0 : index
    %swap3A_32 = arith.constant 0 : index
    %swap3A_33 = vector.load %arg3[%swap3A_29, %swap3A_30, %swap3A_31, %swap3A_32] : memref<1x207x64x128xf32, #tpu.memory_space<vmem>>, vector<1x1x64x128xf32>
    %swap3A_34 = vector.shape_cast %swap3A_33 : vector<1x1x64x128xf32> to vector<64x128xf32>
    %swap3A_35 = vector.shape_cast %add3A_28 : vector<64x128xf32> to vector<1x1x64x128xf32>
    tpu.vector_store %arg3[%swap3A_29, %swap3A_30, %swap3A_31, %swap3A_32], %swap3A_35 {strides = array<i32>} : memref<1x207x64x128xf32, #tpu.memory_space<vmem>>, vector<1x1x64x128xf32>,
    %get3A_36 = arith.constant 2 : index
    %get3A_37 = arith.constant 0 : index
    %get3A_38 = vector.load %arg2[%get3A_36, %get3A_37] : memref<207x128xf32, #tpu.memory_space<vmem>>, vector<1x128xf32>
    %get3A_39 = vector.shape_cast %get3A_38 : vector<1x128xf32> to vector<128xf32>
    %broadcast_in_dim3A_40 = vector.shape_cast %get3A_39 : vector<128xf32> to vector<1x128xf32>
    %add3A_41 = vector.broadcast %broadcast_in_dim3A_40 : vector<1x128xf32> to vector<64x128xf32>
    %add3A_42 = arith.addf %add3A_9, %add3A_41 : vector<64x128xf32>
    %swap3A_43 = arith.constant 0 : index
    %swap3A_44 = arith.constant 2 : index
    %swap3A_45 = arith.constant 0 : index
    %swap3A_46 = arith.constant 0 : index
    %swap3A_47 = vector.load %arg3[%swap3A_43, %swap3A_44, %swap3A_45, %swap3A_46] : memref<1x207x64x128xf32, #tpu.memory_space<vmem>>, vector<1x1x64x128xf32>
    %swap3A_48 = vector.shape_cast %swap3A_47 : vector<1x1x64x128xf32> to vector<64x128xf32>
    %swap3A_49 = vector.shape_cast %add3A_42 : vector<64x128xf32> to vector<1x1x64x128xf32>
    tpu.vector_store %arg3[%swap3A_43, %swap3A_44, %swap3A_45, %swap3A_46], %swap3A_49 {strides = array<i32>} : memref<1x207x64x128xf32, #tpu.memory_space<vmem>>, vector<1x1x64x128xf32>,
    %get3A_50 = arith.constant 3 : index
    %get3A_51 = arith.constant 0 : index
    %get3A_52 = vector.load %arg2[%get3A_50, %get3A_51] : memref<207x128xf32, #tpu.memory_space<vmem>>, vector<1x128xf32>
    %get3A_53 = vector.shape_cast %get3A_52 : vector<1x128xf32> to vector<128xf32>
    %broadcast_in_dim3A_54 = vector.shape_cast %get3A_53 : vector<128xf32> to vector<1x128xf32>
    %add3A_55 = vector.broadcast %broadcast_in_dim3A_54 : vector<1x128xf32> to vector<64x128xf32>
    %add3A_56 = arith.addf %add3A_9, %add3A_55 : vector<64x128xf32>
    %swap3A_57 = arith.constant 0 : index
    %swap3A_58 = arith.constant 3 : index
    %swap3A_59 = arith.constant 0 : index
    %swap3A_60 = arith.constant 0 : index
    %swap3A_61 = vector.load %arg3[%swap3A_57, %swap3A_58, %swap3A_59, %swap3A_60] : memref<1x207x64x128xf32, #tpu.memory_space<vmem>>, vector<1x1x64x128xf32>
    %swap3A_62 = vector.shape_cast %swap3A_61 : vector<1x1x64x128xf32> to vector<64x128xf32>
    %swap3A_63 = vector.shape_cast %add3A_56 : vector<64x128xf32> to vector<1x1x64x128xf32>
    tpu.vector_store %arg3[%swap3A_57, %swap3A_58, %swap3A_59, %swap3A_60], %swap3A_63 {strides = array<i32>} : memref<1x207x64x128xf32, #tpu.memory_space<vmem>>, vector<1x1x64x128xf32>,
    %get3A_64 = arith.constant 4 : index
    %get3A_65 = arith.constant 0 : index
    %get3A_66 = vector.load %arg2[%get3A_64, %get3A_65] : memref<207x128xf32, #tpu.memory_space<vmem>>, vector<1x128xf32>
    %get3A_67 = vector.shape_cast %get3A_66 : vector<1x128xf32> to vector<128xf32>
    %broadcast_in_dim3A_68 = vector.shape_cast %get3A_67 : vector<128xf32> to vector<1x128xf32>
    %add3A_69 = vector.broadcast %broadcast_in_dim3A_68 : vector<1x128xf32> to vector<64x128xf32>
    %add3A_70 = arith.addf %add3A_9, %add3A_69 : vector<64x128xf32>
    %swap3A_71 = arith.constant 0 : index
    %swap3A_72 = arith.constant 4 : index
    %swap3A_73 = arith.constant 0 : index
    %swap3A_74 = arith.constant 0 : index
    %swap3A_75 = vector.load %arg3[%swap3A_71, %swap3A_72, %swap3A_73, %swap3A_74] : memref<1x207x64x128xf32, #tpu.memory_space<vmem>>, vector<1x1x64x128xf32>
    %swap3A_76 = vector.shape_cast %swap3A_75 : vector<1x1x64x128xf32> to vector<64x128xf32>
    %swap3A_77 = vector.shape_cast %add3A_70 : vector<64x128xf32> to vector<1x1x64x128xf32>
    tpu.vector_store %arg3[%swap3A_71, %swap3A_72, %swap3A_73, %swap3A_74], %swap3A_77 {strides = array<i32>} : memref<1x207x64x128xf32, #tpu.memory_space<vmem>>, vector<1x1x64x128xf32>,
    %get3A_78 = arith.constant 5 : index
    %get3A_79 = arith.constant 0 : index
    %get3A_80 = vector.load %arg2[%get3A_78, %get3A_79] : memref<207x128xf32, #tpu.memory_space<vmem>>, vector<1x128xf32>
    %get3A_81 = vector.shape_cast %get3A_80 : vector<1x128xf32> to vector<128xf32>
    %broadcast_in_dim3A_82 = vector.shape_cast %get3A_81 : vector<128xf32> to vector<1x128xf32>
    %add3A_83 = vector.broadcast %broadcast_in_dim3A_82 : vector<1x128xf32> to vector<64x128xf32>
    %add3A_84 = arith.addf %add3A_9, %add3A_83 : vector<64x128xf32>
    %swap3A_85 = arith.constant 0 : index
    %swap3A_86 = arith.constant 5 : index
    %swap3A_87 = arith.constant 0 : index
    %swap3A_88 = arith.constant 0 : index
    %swap3A_89 = vector.load %arg3[%swap3A_85, %swap3A_86, %swap3A_87, %swap3A_88] : memref<1x207x64x128xf32, #tpu.memory_space<vmem>>, vector<1x1x64x128xf32>
    %swap3A_90 = vector.shape_cast %swap3A_89 : vector<1x1x64x128xf32> to vector<64x128xf32>
    %swap3A_91 = vector.shape_cast %add3A_84 : vector<64x128xf32> to vector<1x1x64x128xf32>
    tpu.vector_store %arg3[%swap3A_85, %swap3A_86, %swap3A_87, %swap3A_88], %swap3A_91 {strides = array<i32>} : memref<1x207x64x128xf32, #tpu.memory_space<vmem>>, vector<1x1x64x128xf32>,
    %get3A_92 = arith.constant 6 : index
    %get3A_93 = arith.constant 0 : index
    %get3A_94 = vector.load %arg2[%get3A_92, %get3A_93] : memref<207x128xf32, #tpu.memory_space<vmem>>, vector<1x128xf32>
    %get3A_95 = vector.shape_cast %get3A_94 : vector<1x128xf32> to vector<128xf32>
    %broadcast_in_dim3A_96 = vector.shape_cast %get3A_95 : vector<128xf32> to vector<1x128xf32>
    %add3A_97 = vector.broadcast %broadcast_in_dim3A_96 : vector<1x128xf32> to vector<64x128xf32>
    %add3A_98 = arith.addf %add3A_9, %add3A_97 : vector<64x128xf32>
    %swap3A_99 = arith.constant 0 : index
    %swap3A_100 = arith.constant 6 : index
    %swap3A_101 = arith.constant 0 : index
    %swap3A_102 = arith.constant 0 : index
    %swap3A_103 = vector.load %arg3[%swap3A_99, %swap3A_100, %swap3A_101, %swap3A_102] : memref<1x207x64x128xf32, #tpu.memory_space<vmem>>, vector<1x1x64x128xf32>
    %swap3A_104 = vector.shape_cast %swap3A_103 : vector<1x1x64x128xf32> to vector<64x128xf32>
    %swap3A_105 = vector.shape_cast %add3A_98 : vector<64x128xf32> to vector<1x1x64x128xf32>
    tpu.vector_store %arg3[%swap3A_99, %swap3A_100, %swap3A_101, %swap3A_102], %swap3A_105 {strides = array<i32>} : memref<1x207x64x128xf32, #tpu.memory_space<vmem>>, vector<1x1x64x128xf32>,
    %get3A_106 = arith.constant 7 : index
    %get3A_107 = arith.constant 0 : index
    %get3A_108 = vector.load %arg2[%get3A_106, %get3A_107] : memref<207x128xf32, #tpu.memory_space<vmem>>, vector<1x128xf32>
    %get3A_109 = vector.shape_cast %get3A_108 : vector<1x128xf32> to vector<128xf32>
    %broadcast_in_dim3A_110 = vector.shape_cast %get3A_109 : vector<128xf32> to vector<1x128xf32>
    %add3A_111 = vector.broadcast %broadcast_in_dim3A_110 : vector<1x128xf32> to vector<64x128xf32>
    %add3A_112 = arith.addf %add3A_9, %add3A_111 : vector<64x128xf32>
    %swap3A_113 = arith.constant 0 : index
    %swap3A_114 = arith.constant 7 : index
    %swap3A_115 = arith.constant 0 : index
    %swap3A_116 = arith.constant 0 : index
    %swap3A_117 = vector.load %arg3[%swap3A_113, %swap3A_114, %swap3A_115, %swap3A_116] : memref<1x207x64x128xf32, #tpu.memory_space<vmem>>, vector<1x1x64x128xf32>
    %swap3A_118 = vector.shape_cast %swap3A_117 : vector<1x1x64x128xf32> to vector<64x128xf32>
    %swap3A_119 = vector.shape_cast %add3A_112 : vector<64x128xf32> to vector<1x1x64x128xf32>
    tpu.vector_store %arg3[%swap3A_113, %swap3A_114, %swap3A_115, %swap3A_116], %swap3A_119 {strides = array<i32>} : memref<1x207x64x128xf32, #tpu.memory_space<vmem>>, vector<1x1x64x128xf32>,
    %get3A_120 = arith.constant 8 : index
    %get3A_121 = arith.constant 0 : index
    %get3A_122 = vector.load %arg2[%get3A_120, %get3A_121] : memref<207x128xf32, #tpu.memory_space<vmem>>, vector<1x128xf32>
    %get3A_123 = vector.shape_cast %get3A_122 : vector<1x128xf32> to vector<128xf32>
    %broadcast_in_dim3A_124 = vector.shape_cast %get3A_123 : vector<128xf32> to vector<1x128xf32>
    %add3A_125 = vector.broadcast %broadcast_in_dim3A_124 : vector<1x128xf32> to vector<64x128xf32>
    %add3A_126 = arith.addf %add3A_9, %add3A_125 : vector<64x128xf32>
    %swap3A_127 = arith.constant 0 : index
    %swap3A_128 = arith.constant 8 : index
    %swap3A_129 = arith.constant 0 : index
    %swap3A_130 = arith.constant 0 : index
    %swap3A_131 = vector.load %arg3[%swap3A_127, %swap3A_128, %swap3A_129, %swap3A_130] : memref<1x207x64x128xf32, #tpu.memory_space<vmem>>, vector<1x1x64x128xf32>
    %swap3A_132 = vector.shape_cast %swap3A_131 : vector<1x1x64x128xf32> to vector<64x128xf32>
    %swap3A_133 = vector.shape_cast %add3A_126 : vector<64x128xf32> to vector<1x1x64x128xf32>
    tpu.vector_store %arg3[%swap3A_127, %swap3A_128, %swap3A_129, %swap3A_130], %swap3A_133 {strides = array<i32>} : memref<1x207x64x128xf32, #tpu.memory_space<vmem>>, vector<1x1x64x128xf32>,
    %get3A_134 = arith.constant 9 : index
    %get3A_135 = arith.constant 0 : index
    %get3A_136 = vector.load %arg2[%get3A_134, %get3A_135] : memref<207x128xf32, #tpu.memory_space<vmem>>, vector<1x128xf32>
    %get3A_137 = vector.shape_cast %get3A_136 : vector<1x128xf32> to vector<128xf32>
    %broadcast_in_dim3A_138 = vector.shape_cast %get3A_137 : vector<128xf32> to vector<1x128xf32>
    %add3A_139 = vector.broadcast %broadcast_in_dim3A_138 : vector<1x128xf32> to vector<64x128xf32>
    %add3A_140 = arith.addf %add3A_9, %add3A_139 : vector<64x128xf32>
    %swap3A_141 = arith.constant 0 : index
    %swap3A_142 = arith.constant 9 : index
    %swap3A_143 = arith.constant 0 : index
    %swap3A_144 = arith.constant 0 : index
    %swap3A_145 = vector.load %arg3[%swap3A_141, %swap3A_142, %swap3A_143, %swap3A_144] : memref<1x207x64x128xf32, #tpu.memory_space<vmem>>, vector<1x1x64x128xf32>
    %swap3A_146 = vector.shape_cast %swap3A_145 : vector<1x1x64x128xf32> to vector<64x128xf32>
    %swap3A_147 = vector.shape_cast %add3A_140 : vector<64x128xf32> to vector<1x1x64x128xf32>
    tpu.vector_store %arg3[%swap3A_141, %swap3A_142, %swap3A_143, %swap3A_144], %swap3A_147 {strides = array<i32>} : memref<1x207x64x128xf32, #tpu.memory_space<vmem>>, vector<1x1x64x128xf32>,
    %get3A_148 = arith.constant 10 : index
    %get3A_149 = arith.constant 0 : index
    %get3A_150 = vector.load %arg2[%get3A_148, %get3A_149] : memref<207x128xf32, #tpu.memory_space<vmem>>, vector<1x128xf32>
    %get3A_151 = vector.shape_cast %get3A_150 : vector<1x128xf32> to vector<128xf32>
    %broadcast_in_dim3A_152 = vector.shape_cast %get3A_151 : vector<128xf32> to vector<1x128xf32>
    %add3A_153 = vector.broadcast %broadcast_in_dim3A_152 : vector<1x128xf32> to vector<64x128xf32>
    %add3A_154 = arith.addf %add3A_9, %add3A_153 : vector<64x128xf32>
    %swap3A_155 = arith.constant 0 : index
    %swap3A_156 = arith.constant 10 : index
    %swap3A_157 = arith.constant 0 : index
    %swap3A_158 = arith.constant 0 : index
    %swap3A_159 = vector.load %arg3[%swap3A_155, %swap3A_156, %swap3A_157, %swap3A_158] : memref<1x207x64x128xf32, #tpu.memory_space<vmem>>, vector<1x1x64x128xf32>
    %swap3A_160 = vector.shape_cast %swap3A_159 : vector<1x1x64x128xf32> to vector<64x128xf32>
    %swap3A_161 = vector.shape_cast %add3A_154 : vector<64x128xf32> to vector<1x1x64x128xf32>
    tpu.vector_store %arg3[%swap3A_155, %swap3A_156, %swap3A_157, %swap3A_158], %swap3A_161 {strides = array<i32>} : memref<1x207x64x128xf32, #tpu.memory_space<vmem>>, vector<1x1x64x128xf32>,
    %get3A_162 = arith.constant 11 : index
    %get3A_163 = arith.constant 0 : index
    %get3A_164 = vector.load %arg2[%get3A_162, %get3A_163] : memref<207x128xf32, #tpu.memory_space<vmem>>, vector<1x128xf32>
    %get3A_165 = vector.shape_cast %get3A_164 : vector<1x128xf32> to vector<128xf32>
    %broadcast_in_dim3A_166 = vector.shape_cast %get3A_165 : vector<128xf32> to vector<1x128xf32>
    %add3A_167 = vector.broadcast %broadcast_in_dim3A_166 : vector<1x128xf32> to vector<64x128xf32>
    %add3A_168 = arith.addf %add3A_9, %add3A_167 : vector<64x128xf32>
    %swap3A_169 = arith.constant 0 : index
    %swap3A_170 = arith.constant 11 : index
    %swap3A_171 = arith.constant 0 : index
    %swap3A_172 = arith.constant 0 : index
    %swap3A_173 = vector.load %arg3[%swap3A_169, %swap3A_170, %swap3A_171, %swap3A_172] : memref<1x207x64x128xf32, #tpu.memory_space<vmem>>, vector<1x1x64x128xf32>
    %swap3A_174 = vector.shape_cast %swap3A_173 : vector<1x1x64x128xf32> to vector<64x128xf32>
    %swap3A_175 = vector.shape_cast %add3A_168 : vector<64x128xf32> to vector<1x1x64x128xf32>
    tpu.vector_store %arg3[%swap3A_169, %swap3A_170, %swap3A_171, %swap3A_172], %swap3A_175 {strides = array<i32>} : memref<1x207x64x128xf32, #tpu.memory_space<vmem>>, vector<1x1x64x128xf32>,
    %get3A_176 = arith.constant 12 : index
    %get3A_177 = arith.constant 0 : index
    %get3A_178 = vector.load %arg2[%get3A_176, %get3A_177] : memref<207x128xf32, #tpu.memory_space<vmem>>, vector<1x128xf32>
    %get3A_179 = vector.shape_cast %get3A_178 : vector<1x128xf32> to vector<128xf32>
    %broadcast_in_dim3A_180 = vector.shape_cast %get3A_179 : vector<128xf32> to vector<1x128xf32>
    %add3A_181 = vector.broadcast %broadcast_in_dim3A_180 : vector<1x128xf32> to vector<64x128xf32>
    %add3A_182 = arith.addf %add3A_9, %add3A_181 : vector<64x128xf32>
    %swap3A_183 = arith.constant 0 : index
    %swap3A_184 = arith.constant 12 : index
    %swap3A_185 = arith.constant 0 : index
    %swap3A_186 = arith.constant 0 : index
    %swap3A_187 = vector.load %arg3[%swap3A_183, %swap3A_184, %swap3A_185, %swap3A_186] : memref<1x207x64x128xf32, #tpu.memory_space<vmem>>, vector<1x1x64x128xf32>
    %swap3A_188 = vector.shape_cast %swap3A_187 : vector<1x1x64x128xf32> to vector<64x128xf32>
    %swap3A_189 = vector.shape_cast %add3A_182 : vector<64x128xf32> to vector<1x1x64x128xf32>
    tpu.vector_store %arg3[%swap3A_183, %swap3A_184, %swap3A_185, %swap3A_186], %swap3A_189 {strides = array<i32>} : memref<1x207x64x128xf32, #tpu.memory_space<vmem>>, vector<1x1x64x128xf32>,
    %get3A_190 = arith.constant 13 : index
    %get3A_191 = arith.constant 0 : index
    %get3A_192 = vector.load %arg2[%get3A_190, %get3A_191] : memref<207x128xf32, #tpu.memory_space<vmem>>, vector<1x128xf32>
    %get3A_193 = vector.shape_cast %get3A_192 : vector<1x128xf32> to vector<128xf32>
    %broadcast_in_dim3A_194 = vector.shape_cast %get3A_193 : vector<128xf32> to vector<1x128xf32>
    %add3A_195 = vector.broadcast %broadcast_in_dim3A_194 : vector<1x128xf32> to vector<64x128xf32>
    %add3A_196 = arith.addf %add3A_9, %add3A_195 : vector<64x128xf32>
    %swap3A_197 = arith.constant 0 : index
    %swap3A_198 = arith.constant 13 : index
    %swap3A_199 = arith.constant 0 : index
    %swap3A_200 = arith.constant 0 : index
    %swap3A_201 = vector.load %arg3[%swap3A_197, %swap3A_198, %swap3A_199, %swap3A_200] : memref<1x207x64x128xf32, #tpu.memory_space<vmem>>, vector<1x1x64x128xf32>
    %swap3A_202 = vector.shape_cast %swap3A_201 : vector<1x1x64x128xf32> to vector<64x128xf32>
    %swap3A_203 = vector.shape_cast %add3A_196 : vector<64x128xf32> to vector<1x1x64x128xf32>
    tpu.vector_store %arg3[%swap3A_197, %swap3A_198, %swap3A_199, %swap3A_200], %swap3A_203 {strides = array<i32>} : memref<1x207x64x128xf32, #tpu.memory_space<vmem>>, vector<1x1x64x128xf32>,
    %get3A_204 = arith.constant 14 : index
    %get3A_205 = arith.constant 0 : index
    %get3A_206 = vector.load %arg2[%get3A_204, %get3A_205] : memref<207x128xf32, #tpu.memory_space<vmem>>, vector<1x128xf32>
    %get3A_207 = vector.shape_cast %get3A_206 : vector<1x128xf32> to vector<128xf32>
    %broadcast_in_dim3A_208 = vector.shape_cast %get3A_207 : vector<128xf32> to vector<1x128xf32>
    %add3A_209 = vector.broadcast %broadcast_in_dim3A_208 : vector<1x128xf32> to vector<64x128xf32>
    %add3A_210 = arith.addf %add3A_9, %add3A_209 : vector<64x128xf32>
    %swap3A_211 = arith.constant 0 : index
    %swap3A_212 = arith.constant 14 : index
    %swap3A_213 = arith.constant 0 : index
    %swap3A_214 = arith.constant 0 : index
    %swap3A_215 = vector.load %arg3[%swap3A_211, %swap3A_212, %swap3A_213, %swap3A_214] : memref<1x207x64x128xf32, #tpu.memory_space<vmem>>, vector<1x1x64x128xf32>
    %swap3A_216 = vector.shape_cast %swap3A_215 : vector<1x1x64x128xf32> to vector<64x128xf32>
    %swap3A_217 = vector.shape_cast %add3A_210 : vector<64x128xf32> to vector<1x1x64x128xf32>
    tpu.vector_store %arg3[%swap3A_211, %swap3A_212, %swap3A_213, %swap3A_214], %swap3A_217 {strides = array<i32>} : memref<1x207x64x128xf32, #tpu.memory_space<vmem>>, vector<1x1x64x128xf32>,
    %get3A_218 = arith.constant 15 : index
    %get3A_219 = arith.constant 0 : index
    %get3A_220 = vector.load %arg2[%get3A_218, %get3A_219] : memref<207x128xf32, #tpu.memory_space<vmem>>, vector<1x128xf32>
    %get3A_221 = vector.shape_cast %get3A_220 : vector<1x128xf32> to vector<128xf32>
    %broadcast_in_dim3A_222 = vector.shape_cast %get3A_221 : vector<128xf32> to vector<1x128xf32>
    %add3A_223 = vector.broadcast %broadcast_in_dim3A_222 : vector<1x128xf32> to vector<64x128xf32>
    %add3A_224 = arith.addf %add3A_9, %add3A_223 : vector<64x128xf32>
    %swap3A_225 = arith.constant 0 : index
    %swap3A_226 = arith.constant 15 : index
    %swap3A_227 = arith.constant 0 : index
    %swap3A_228 = arith.constant 0 : index
    %swap3A_229 = vector.load %arg3[%swap3A_225, %swap3A_226, %swap3A_227, %swap3A_228] : memref<1x207x64x128xf32, #tpu.memory_space<vmem>>, vector<1x1x64x128xf32>
    %swap3A_230 = vector.shape_cast %swap3A_229 : vector<1x1x64x128xf32> to vector<64x128xf32>
    %swap3A_231 = vector.shape_cast %add3A_224 : vector<64x128xf32> to vector<1x1x64x128xf32>
    tpu.vector_store %arg3[%swap3A_225, %swap3A_226, %swap3A_227, %swap3A_228], %swap3A_231 {strides = array<i32>} : memref<1x207x64x128xf32, #tpu.memory_space<vmem>>, vector<1x1x64x128xf32>,
    %get3A_232 = arith.constant 16 : index
    %get3A_233 = arith.constant 0 : index
    %get3A_234 = vector.load %arg2[%get3A_232, %get3A_233] : memref<207x128xf32, #tpu.memory_space<vmem>>, vector<1x128xf32>
    %get3A_235 = vector.shape_cast %get3A_234 : vector<1x128xf32> to vector<128xf32>
    %broadcast_in_dim3A_236 = vector.shape_cast %get3A_235 : vector<128xf32> to vector<1x128xf32>
    %add3A_237 = vector.broadcast %broadcast_in_dim3A_236 : vector<1x128xf32> to vector<64x128xf32>
    %add3A_238 = arith.addf %add3A_9, %add3A_237 : vector<64x128xf32>
    %swap3A_239 = arith.constant 0 : index
    %swap3A_240 = arith.constant 16 : index
    %swap3A_241 = arith.constant 0 : index
    %swap3A_242 = arith.constant 0 : index
    %swap3A_243 = vector.load %arg3[%swap3A_239, %swap3A_240, %swap3A_241, %swap3A_242] : memref<1x207x64x128xf32, #tpu.memory_space<vmem>>, vector<1x1x64x128xf32>
    %swap3A_244 = vector.shape_cast %swap3A_243 : vector<1x1x64x128xf32> to vector<64x128xf32>
    %swap3A_245 = vector.shape_cast %add3A_238 : vector<64x128xf32> to vector<1x1x64x128xf32>
    tpu.vector_store %arg3[%swap3A_239, %swap3A_240, %swap3A_241, %swap3A_242], %swap3A_245 {strides = array<i32>} : memref<1x207x64x128xf32, #tpu.memory_space<vmem>>, vector<1x1x64x128xf32>,
    %get3A_246 = arith.constant 17 : index
    %get3A_247 = arith.constant 0 : index
    %get3A_248 = vector.load %arg2[%get3A_246, %get3A_247] : memref<207x128xf32, #tpu.memory_space<vmem>>, vector<1x128xf32>
    %get3A_249 = vector.shape_cast %get3A_248 : vector<1x128xf32> to vector<128xf32>
    %broadcast_in_dim3A_250 = vector.shape_cast %get3A_249 : vector<128xf32> to vector<1x128xf32>
    %add3A_251 = vector.broadcast %broadcast_in_dim3A_250 : vector<1x128xf32> to vector<64x128xf32>
    %add3A_252 = arith.addf %add3A_9, %add3A_251 : vector<64x128xf32>
    %swap3A_253 = arith.constant 0 : index
    %swap3A_254 = arith.constant 17 : index
    %swap3A_255 = arith.constant 0 : index
    %swap3A_256 = arith.constant 0 : index
    %swap3A_257 = vector.load %arg3[%swap3A_253, %swap3A_254, %swap3A_255, %swap3A_256] : memref<1x207x64x128xf32, #tpu.memory_space<vmem>>, vector<1x1x64x128xf32>
    %swap3A_258 = vector.shape_cast %swap3A_257 : vector<1x1x64x128xf32> to vector<64x128xf32>
    %swap3A_259 = vector.shape_cast %add3A_252 : vector<64x128xf32> to vector<1x1x64x128xf32>
    tpu.vector_store %arg3[%swap3A_253, %swap3A_254, %swap3A_255, %swap3A_256], %swap3A_259 {strides = array<i32>} : memref<1x207x64x128xf32, #tpu.memory_space<vmem>>, vector<1x1x64x128xf32>,
    %get3A_260 = arith.constant 18 : index
    %get3A_261 = arith.constant 0 : index
    %get3A_262 = vector.load %arg2[%get3A_260, %get3A_261] : memref<207x128xf32, #tpu.memory_space<vmem>>, vector<1x128xf32>
    %get3A_263 = vector.shape_cast %get3A_262 : vector<1x128xf32> to vector<128xf32>
    %broadcast_in_dim3A_264 = vector.shape_cast %get3A_263 : vector<128xf32> to vector<1x128xf32>
    %add3A_265 = vector.broadcast %broadcast_in_dim3A_264 : vector<1x128xf32> to vector<64x128xf32>
    %add3A_266 = arith.addf %add3A_9, %add3A_265 : vector<64x128xf32>
    %swap3A_267 = arith.constant 0 : index
    %swap3A_268 = arith.constant 18 : index
    %swap3A_269 = arith.constant 0 : index
    %swap3A_270 = arith.constant 0 : index
    %swap3A_271 = vector.load %arg3[%swap3A_267, %swap3A_268, %swap3A_269, %swap3A_270] : memref<1x207x64x128xf32, #tpu.memory_space<vmem>>, vector<1x1x64x128xf32>
    %swap3A_272 = vector.shape_cast %swap3A_271 : vector<1x1x64x128xf32> to vector<64x128xf32>
    %swap3A_273 = vector.shape_cast %add3A_266 : vector<64x128xf32> to vector<1x1x64x128xf32>
    tpu.vector_store %arg3[%swap3A_267, %swap3A_268, %swap3A_269, %swap3A_270], %swap3A_273 {strides = array<i32>} : memref<1x207x64x128xf32, #tpu.memory_space<vmem>>, vector<1x1x64x128xf32>,
    %get3A_274 = arith.constant 19 : index
    %get3A_275 = arith.constant 0 : index
    %get3A_276 = vector.load %arg2[%get3A_274, %get3A_275] : memref<207x128xf32, #tpu.memory_space<vmem>>, vector<1x128xf32>
    %get3A_277 = vector.shape_cast %get3A_276 : vector<1x128xf32> to vector<128xf32>
    %broadcast_in_dim3A_278 = vector.shape_cast %get3A_277 : vector<128xf32> to vector<1x128xf32>
    %add3A_279 = vector.broadcast %broadcast_in_dim3A_278 : vector<1x128xf32> to vector<64x128xf32>
    %add3A_280 = arith.addf %add3A_9, %add3A_279 : vector<64x128xf32>
    %swap3A_281 = arith.constant 0 : index
    %swap3A_282 = arith.constant 19 : index
    %swap3A_283 = arith.constant 0 : index
    %swap3A_284 = arith.constant 0 : index
    %swap3A_285 = vector.load %arg3[%swap3A_281, %swap3A_282, %swap3A_283, %swap3A_284] : memref<1x207x64x128xf32, #tpu.memory_space<vmem>>, vector<1x1x64x128xf32>
    %swap3A_286 = vector.shape_cast %swap3A_285 : vector<1x1x64x128xf32> to vector<64x128xf32>
    %swap3A_287 = vector.shape_cast %add3A_280 : vector<64x128xf32> to vector<1x1x64x128xf32>
    tpu.vector_store %arg3[%swap3A_281, %swap3A_282, %swap3A_283, %swap3A_284], %swap3A_287 {strides = array<i32>} : memref<1x207x64x128xf32, #tpu.memory_space<vmem>>, vector<1x1x64x128xf32>,
    %get3A_288 = arith.constant 20 : index
    %get3A_289 = arith.constant 0 : index
    %get3A_290 = vector.load %arg2[%get3A_288, %get3A_289] : memref<207x128xf32, #tpu.memory_space<vmem>>, vector<1x128xf32>
    %get3A_291 = vector.shape_cast %get3A_290 : vector<1x128xf32> to vector<128xf32>
    %broadcast_in_dim3A_292 = vector.shape_cast %get3A_291 : vector<128xf32> to vector<1x128xf32>
    %add3A_293 = vector.broadcast %broadcast_in_dim3A_292 : vector<1x128xf32> to vector<64x128xf32>
    %add3A_294 = arith.addf %add3A_9, %add3A_293 : vector<64x128xf32>
    %swap3A_295 = arith.constant 0 : index
    %swap3A_296 = arith.constant 20 : index
    %swap3A_297 = arith.constant 0 : index
    %swap3A_298 = arith.constant 0 : index
    %swap3A_299 = vector.load %arg3[%swap3A_295, %swap3A_296, %swap3A_297, %swap3A_298] : memref<1x207x64x128xf32, #tpu.memory_space<vmem>>, vector<1x1x64x128xf32>
    %swap3A_300 = vector.shape_cast %swap3A_299 : vector<1x1x64x128xf32> to vector<64x128xf32>
    %swap3A_301 = vector.shape_cast %add3A_294 : vector<64x128xf32> to vector<1x1x64x128xf32>
    tpu.vector_store %arg3[%swap3A_295, %swap3A_296, %swap3A_297, %swap3A_298], %swap3A_301 {strides = array<i32>} : memref<1x207x64x128xf32, #tpu.memory_space<vmem>>, vector<1x1x64x128xf32>,
    %get3A_302 = arith.constant 21 : index
    %get3A_303 = arith.constant 0 : index
    %get3A_304 = vector.load %arg2[%get3A_302, %get3A_303] : memref<207x128xf32, #tpu.memory_space<vmem>>, vector<1x128xf32>
    %get3A_305 = vector.shape_cast %get3A_304 : vector<1x128xf32> to vector<128xf32>
    %broadcast_in_dim3A_306 = vector.shape_cast %get3A_305 : vector<128xf32> to vector<1x128xf32>
    %add3A_307 = vector.broadcast %broadcast_in_dim3A_306 : vector<1x128xf32> to vector<64x128xf32>
    %add3A_308 = arith.addf %add3A_9, %add3A_307 : vector<64x128xf32>
    %swap3A_309 = arith.constant 0 : index
    %swap3A_310 = arith.constant 21 : index
    %swap3A_311 = arith.constant 0 : index
    %swap3A_312 = arith.constant 0 : index
    %swap3A_313 = vector.load %arg3[%swap3A_309, %swap3A_310, %swap3A_311, %swap3A_312] : memref<1x207x64x128xf32, #tpu.memory_space<vmem>>, vector<1x1x64x128xf32>
    %swap3A_314 = vector.shape_cast %swap3A_313 : vector<1x1x64x128xf32> to vector<64x128xf32>
    %swap3A_315 = vector.shape_cast %add3A_308 : vector<64x128xf32> to vector<1x1x64x128xf32>
    tpu.vector_store %arg3[%swap3A_309, %swap3A_310, %swap3A_311, %swap3A_312], %swap3A_315 {strides = array<i32>} : memref<1x207x64x128xf32, #tpu.memory_space<vmem>>, vector<1x1x64x128xf32>,
    %get3A_316 = arith.constant 22 : index
    %get3A_317 = arith.constant 0 : index
    %get3A_318 = vector.load %arg2[%get3A_316, %get3A_317] : memref<207x128xf32, #tpu.memory_space<vmem>>, vector<1x128xf32>
    %get3A_319 = vector.shape_cast %get3A_318 : vector<1x128xf32> to vector<128xf32>
    %broadcast_in_dim3A_320 = vector.shape_cast %get3A_319 : vector<128xf32> to vector<1x128xf32>
    %add3A_321 = vector.broadcast %broadcast_in_dim3A_320 : vector<1x128xf32> to vector<64x128xf32>
    %add3A_322 = arith.addf %add3A_9, %add3A_321 : vector<64x128xf32>
    %swap3A_323 = arith.constant 0 : index
    %swap3A_324 = arith.constant 22 : index
    %swap3A_325 = arith.constant 0 : index
    %swap3A_326 = arith.constant 0 : index
    %swap3A_327 = vector.load %arg3[%swap3A_323, %swap3A_324, %swap3A_325, %swap3A_326] : memref<1x207x64x128xf32, #tpu.memory_space<vmem>>, vector<1x1x64x128xf32>
    %swap3A_328 = vector.shape_cast %swap3A_327 : vector<1x1x64x128xf32> to vector<64x128xf32>
    %swap3A_329 = vector.shape_cast %add3A_322 : vector<64x128xf32> to vector<1x1x64x128xf32>
    tpu.vector_store %arg3[%swap3A_323, %swap3A_324, %swap3A_325, %swap3A_326], %swap3A_329 {strides = array<i32>} : memref<1x207x64x128xf32, #tpu.memory_space<vmem>>, vector<1x1x64x128xf32>,
    %get3A_330 = arith.constant 23 : index
    %get3A_331 = arith.constant 0 : index
    %get3A_332 = vector.load %arg2[%get3A_330, %get3A_331] : memref<207x128xf32, #tpu.memory_space<vmem>>, vector<1x128xf32>
    %get3A_333 = vector.shape_cast %get3A_332 : vector<1x128xf32> to vector<128xf32>
    %broadcast_in_dim3A_334 = vector.shape_cast %get3A_333 : vector<128xf32> to vector<1x128xf32>
    %add3A_335 = vector.broadcast %broadcast_in_dim3A_334 : vector<1x128xf32> to vector<64x128xf32>
    %add3A_336 = arith.addf %add3A_9, %add3A_335 : vector<64x128xf32>
    %swap3A_337 = arith.constant 0 : index
    %swap3A_338 = arith.constant 23 : index
    %swap3A_339 = arith.constant 0 : index
    %swap3A_340 = arith.constant 0 : index
    %swap3A_341 = vector.load %arg3[%swap3A_337, %swap3A_338, %swap3A_339, %swap3A_340] : memref<1x207x64x128xf32, #tpu.memory_space<vmem>>, vector<1x1x64x128xf32>
    %swap3A_342 = vector.shape_cast %swap3A_341 : vector<1x1x64x128xf32> to vector<64x128xf32>
    %swap3A_343 = vector.shape_cast %add3A_336 : vector<64x128xf32> to vector<1x1x64x128xf32>
    tpu.vector_store %arg3[%swap3A_337, %swap3A_338, %swap3A_339, %swap3A_340], %swap3A_343 {strides = array<i32>} : memref<1x207x64x128xf32, #tpu.memory_space<vmem>>, vector<1x1x64x128xf32>,
    %get3A_344 = arith.constant 24 : index
    %get3A_345 = arith.constant 0 : index
    %get3A_346 = vector.load %arg2[%get3A_344, %get3A_345] : memref<207x128xf32, #tpu.memory_space<vmem>>, vector<1x128xf32>
    %get3A_347 = vector.shape_cast %get3A_346 : vector<1x128xf32> to vector<128xf32>
    %broadcast_in_dim3A_348 = vector.shape_cast %get3A_347 : vector<128xf32> to vector<1x128xf32>
    %add3A_349 = vector.broadcast %broadcast_in_dim3A_348 : vector<1x128xf32> to vector<64x128xf32>
    %add3A_350 = arith.addf %add3A_9, %add3A_349 : vector<64x128xf32>
    %swap3A_351 = arith.constant 0 : index
    %swap3A_352 = arith.constant 24 : index
    %swap3A_353 = arith.constant 0 : index
    %swap3A_354 = arith.constant 0 : index
    %swap3A_355 = vector.load %arg3[%swap3A_351, %swap3A_352, %swap3A_353, %swap3A_354] : memref<1x207x64x128xf32, #tpu.memory_space<vmem>>, vector<1x1x64x128xf32>
    %swap3A_356 = vector.shape_cast %swap3A_355 : vector<1x1x64x128xf32> to vector<64x128xf32>
    %swap3A_357 = vector.shape_cast %add3A_350 : vector<64x128xf32> to vector<1x1x64x128xf32>
    tpu.vector_store %arg3[%swap3A_351, %swap3A_352, %swap3A_353, %swap3A_354], %swap3A_357 {strides = array<i32>} : memref<1x207x64x128xf32, #tpu.memory_space<vmem>>, vector<1x1x64x128xf32>,
    %get3A_358 = arith.constant 25 : index
    %get3A_359 = arith.constant 0 : index
    %get3A_360 = vector.load %arg2[%get3A_358, %get3A_359] : memref<207x128xf32, #tpu.memory_space<vmem>>, vector<1x128xf32>
    %get3A_361 = vector.shape_cast %get3A_360 : vector<1x128xf32> to vector<128xf32>
    %broadcast_in_dim3A_362 = vector.shape_cast %get3A_361 : vector<128xf32> to vector<1x128xf32>
    %add3A_363 = vector.broadcast %broadcast_in_dim3A_362 : vector<1x128xf32> to vector<64x128xf32>
    %add3A_364 = arith.addf %add3A_9, %add3A_363 : vector<64x128xf32>
    %swap3A_365 = arith.constant 0 : index
    %swap3A_366 = arith.constant 25 : index
    %swap3A_367 = arith.constant 0 : index
    %swap3A_368 = arith.constant 0 : index
    %swap3A_369 = vector.load %arg3[%swap3A_365, %swap3A_366, %swap3A_367, %swap3A_368] : memref<1x207x64x128xf32, #tpu.memory_space<vmem>>, vector<1x1x64x128xf32>
    %swap3A_370 = vector.shape_cast %swap3A_369 : vector<1x1x64x128xf32> to vector<64x128xf32>
    %swap3A_371 = vector.shape_cast %add3A_364 : vector<64x128xf32> to vector<1x1x64x128xf32>
    tpu.vector_store %arg3[%swap3A_365, %swap3A_366, %swap3A_367, %swap3A_368], %swap3A_371 {strides = array<i32>} : memref<1x207x64x128xf32, #tpu.memory_space<vmem>>, vector<1x1x64x128xf32>,
    %get3A_372 = arith.constant 26 : index
    %get3A_373 = arith.constant 0 : index
    %get3A_374 = vector.load %arg2[%get3A_372, %get3A_373] : memref<207x128xf32, #tpu.memory_space<vmem>>, vector<1x128xf32>
    %get3A_375 = vector.shape_cast %get3A_374 : vector<1x128xf32> to vector<128xf32>
    %broadcast_in_dim3A_376 = vector.shape_cast %get3A_375 : vector<128xf32> to vector<1x128xf32>
    %add3A_377 = vector.broadcast %broadcast_in_dim3A_376 : vector<1x128xf32> to vector<64x128xf32>
    %add3A_378 = arith.addf %add3A_9, %add3A_377 : vector<64x128xf32>
    %swap3A_379 = arith.constant 0 : index
    %swap3A_380 = arith.constant 26 : index
    %swap3A_381 = arith.constant 0 : index
    %swap3A_382 = arith.constant 0 : index
    %swap3A_383 = vector.load %arg3[%swap3A_379, %swap3A_380, %swap3A_381, %swap3A_382] : memref<1x207x64x128xf32, #tpu.memory_space<vmem>>, vector<1x1x64x128xf32>
    %swap3A_384 = vector.shape_cast %swap3A_383 : vector<1x1x64x128xf32> to vector<64x128xf32>
    %swap3A_385 = vector.shape_cast %add3A_378 : vector<64x128xf32> to vector<1x1x64x128xf32>
    tpu.vector_store %arg3[%swap3A_379, %swap3A_380, %swap3A_381, %swap3A_382], %swap3A_385 {strides = array<i32>} : memref<1x207x64x128xf32, #tpu.memory_space<vmem>>, vector<1x1x64x128xf32>,
    %get3A_386 = arith.constant 27 : index
    %get3A_387 = arith.constant 0 : index
    %get3A_388 = vector.load %arg2[%get3A_386, %get3A_387] : memref<207x128xf32, #tpu.memory_space<vmem>>, vector<1x128xf32>
    %get3A_389 = vector.shape_cast %get3A_388 : vector<1x128xf32> to vector<128xf32>
    %broadcast_in_dim3A_390 = vector.shape_cast %get3A_389 : vector<128xf32> to vector<1x128xf32>
    %add3A_391 = vector.broadcast %broadcast_in_dim3A_390 : vector<1x128xf32> to vector<64x128xf32>
    %add3A_392 = arith.addf %add3A_9, %add3A_391 : vector<64x128xf32>
    %swap3A_393 = arith.constant 0 : index
    %swap3A_394 = arith.constant 27 : index
    %swap3A_395 = arith.constant 0 : index
    %swap3A_396 = arith.constant 0 : index
    %swap3A_397 = vector.load %arg3[%swap3A_393, %swap3A_394, %swap3A_395, %swap3A_396] : memref<1x207x64x128xf32, #tpu.memory_space<vmem>>, vector<1x1x64x128xf32>
    %swap3A_398 = vector.shape_cast %swap3A_397 : vector<1x1x64x128xf32> to vector<64x128xf32>
    %swap3A_399 = vector.shape_cast %add3A_392 : vector<64x128xf32> to vector<1x1x64x128xf32>
    tpu.vector_store %arg3[%swap3A_393, %swap3A_394, %swap3A_395, %swap3A_396], %swap3A_399 {strides = array<i32>} : memref<1x207x64x128xf32, #tpu.memory_space<vmem>>, vector<1x1x64x128xf32>,
    %get3A_400 = arith.constant 28 : index
    %get3A_401 = arith.constant 0 : index
    %get3A_402 = vector.load %arg2[%get3A_400, %get3A_401] : memref<207x128xf32, #tpu.memory_space<vmem>>, vector<1x128xf32>
    %get3A_403 = vector.shape_cast %get3A_402 : vector<1x128xf32> to vector<128xf32>
    %broadcast_in_dim3A_404 = vector.shape_cast %get3A_403 : vector<128xf32> to vector<1x128xf32>
    %add3A_405 = vector.broadcast %broadcast_in_dim3A_404 : vector<1x128xf32> to vector<64x128xf32>
    %add3A_406 = arith.addf %add3A_9, %add3A_405 : vector<64x128xf32>
    %swap3A_407 = arith.constant 0 : index
    %swap3A_408 = arith.constant 28 : index
    %swap3A_409 = arith.constant 0 : index
    %swap3A_410 = arith.constant 0 : index
    %swap3A_411 = vector.load %arg3[%swap3A_407, %swap3A_408, %swap3A_409, %swap3A_410] : memref<1x207x64x128xf32, #tpu.memory_space<vmem>>, vector<1x1x64x128xf32>
    %swap3A_412 = vector.shape_cast %swap3A_411 : vector<1x1x64x128xf32> to vector<64x128xf32>
    %swap3A_413 = vector.shape_cast %add3A_406 : vector<64x128xf32> to vector<1x1x64x128xf32>
    tpu.vector_store %arg3[%swap3A_407, %swap3A_408, %swap3A_409, %swap3A_410], %swap3A_413 {strides = array<i32>} : memref<1x207x64x128xf32, #tpu.memory_space<vmem>>, vector<1x1x64x128xf32>,
    %get3A_414 = arith.constant 29 : index
    %get3A_415 = arith.constant 0 : index
    %get3A_416 = vector.load %arg2[%get3A_414, %get3A_415] : memref<207x128xf32, #tpu.memory_space<vmem>>, vector<1x128xf32>
    %get3A_417 = vector.shape_cast %get3A_416 : vector<1x128xf32> to vector<128xf32>
    %broadcast_in_dim3A_418 = vector.shape_cast %get3A_417 : vector<128xf32> to vector<1x128xf32>
    %add3A_419 = vector.broadcast %broadcast_in_dim3A_418 : vector<1x128xf32> to vector<64x128xf32>
    %add3A_420 = arith.addf %add3A_9, %add3A_419 : vector<64x128xf32>
    %swap3A_421 = arith.constant 0 : index
    %swap3A_422 = arith.constant 29 : index
    %swap3A_423 = arith.constant 0 : index
    %swap3A_424 = arith.constant 0 : index
    %swap3A_425 = vector.load %arg3[%swap3A_421, %swap3A_422, %swap3A_423, %swap3A_424] : memref<1x207x64x128xf32, #tpu.memory_space<vmem>>, vector<1x1x64x128xf32>
    %swap3A_426 = vector.shape_cast %swap3A_425 : vector<1x1x64x128xf32> to vector<64x128xf32>
    %swap3A_427 = vector.shape_cast %add3A_420 : vector<64x128xf32> to vector<1x1x64x128xf32>
    tpu.vector_store %arg3[%swap3A_421, %swap3A_422, %swap3A_423, %swap3A_424], %swap3A_427 {strides = array<i32>} : memref<1x207x64x128xf32, #tpu.memory_space<vmem>>, vector<1x1x64x128xf32>,
    %get3A_428 = arith.constant 30 : index
    %get3A_429 = arith.constant 0 : index
    %get3A_430 = vector.load %arg2[%get3A_428, %get3A_429] : memref<207x128xf32, #tpu.memory_space<vmem>>, vector<1x128xf32>
    %get3A_431 = vector.shape_cast %get3A_430 : vector<1x128xf32> to vector<128xf32>
    %broadcast_in_dim3A_432 = vector.shape_cast %get3A_431 : vector<128xf32> to vector<1x128xf32>
    %add3A_433 = vector.broadcast %broadcast_in_dim3A_432 : vector<1x128xf32> to vector<64x128xf32>
    %add3A_434 = arith.addf %add3A_9, %add3A_433 : vector<64x128xf32>
    %swap3A_435 = arith.constant 0 : index
    %swap3A_436 = arith.constant 30 : index
    %swap3A_437 = arith.constant 0 : index
    %swap3A_438 = arith.constant 0 : index
    %swap3A_439 = vector.load %arg3[%swap3A_435, %swap3A_436, %swap3A_437, %swap3A_438] : memref<1x207x64x128xf32, #tpu.memory_space<vmem>>, vector<1x1x64x128xf32>
    %swap3A_440 = vector.shape_cast %swap3A_439 : vector<1x1x64x128xf32> to vector<64x128xf32>
    %swap3A_441 = vector.shape_cast %add3A_434 : vector<64x128xf32> to vector<1x1x64x128xf32>
    tpu.vector_store %arg3[%swap3A_435, %swap3A_436, %swap3A_437, %swap3A_438], %swap3A_441 {strides = array<i32>} : memref<1x207x64x128xf32, #tpu.memory_space<vmem>>, vector<1x1x64x128xf32>,
    %get3A_442 = arith.constant 31 : index
    %get3A_443 = arith.constant 0 : index
    %get3A_444 = vector.load %arg2[%get3A_442, %get3A_443] : memref<207x128xf32, #tpu.memory_space<vmem>>, vector<1x128xf32>
    %get3A_445 = vector.shape_cast %get3A_444 : vector<1x128xf32> to vector<128xf32>
    %broadcast_in_dim3A_446 = vector.shape_cast %get3A_445 : vector<128xf32> to vector<1x128xf32>
    %add3A_447 = vector.broadcast %broadcast_in_dim3A_446 : vector<1x128xf32> to vector<64x128xf32>
    %add3A_448 = arith.addf %add3A_9, %add3A_447 : vector<64x128xf32>
    %swap3A_449 = arith.constant 0 : index
    %swap3A_450 = arith.constant 31 : index
    %swap3A_451 = arith.constant 0 : index
    %swap3A_452 = arith.constant 0 : index
    %swap3A_453 = vector.load %arg3[%swap3A_449, %swap3A_450, %swap3A_451, %swap3A_452] : memref<1x207x64x128xf32, #tpu.memory_space<vmem>>, vector<1x1x64x128xf32>
    %swap3A_454 = vector.shape_cast %swap3A_453 : vector<1x1x64x128xf32> to vector<64x128xf32>
    %swap3A_455 = vector.shape_cast %add3A_448 : vector<64x128xf32> to vector<1x1x64x128xf32>
    tpu.vector_store %arg3[%swap3A_449, %swap3A_450, %swap3A_451, %swap3A_452], %swap3A_455 {strides = array<i32>} : memref<1x207x64x128xf32, #tpu.memory_space<vmem>>, vector<1x1x64x128xf32>,
    %get3A_456 = arith.constant 32 : index
    %get3A_457 = arith.constant 0 : index
    %get3A_458 = vector.load %arg2[%get3A_456, %get3A_457] : memref<207x128xf32, #tpu.memory_space<vmem>>, vector<1x128xf32>
    %get3A_459 = vector.shape_cast %get3A_458 : vector<1x128xf32> to vector<128xf32>
    %broadcast_in_dim3A_460 = vector.shape_cast %get3A_459 : vector<128xf32> to vector<1x128xf32>
    %add3A_461 = vector.broadcast %broadcast_in_dim3A_460 : vector<1x128xf32> to vector<64x128xf32>
    %add3A_462 = arith.addf %add3A_9, %add3A_461 : vector<64x128xf32>
    %swap3A_463 = arith.constant 0 : index
    %swap3A_464 = arith.constant 32 : index
    %swap3A_465 = arith.constant 0 : index
    %swap3A_466 = arith.constant 0 : index
    %swap3A_467 = vector.load %arg3[%swap3A_463, %swap3A_464, %swap3A_465, %swap3A_466] : memref<1x207x64x128xf32, #tpu.memory_space<vmem>>, vector<1x1x64x128xf32>
    %swap3A_468 = vector.shape_cast %swap3A_467 : vector<1x1x64x128xf32> to vector<64x128xf32>
    %swap3A_469 = vector.shape_cast %add3A_462 : vector<64x128xf32> to vector<1x1x64x128xf32>
    tpu.vector_store %arg3[%swap3A_463, %swap3A_464, %swap3A_465, %swap3A_466], %swap3A_469 {strides = array<i32>} : memref<1x207x64x128xf32, #tpu.memory_space<vmem>>, vector<1x1x64x128xf32>,
    %get3A_470 = arith.constant 33 : index
    %get3A_471 = arith.constant 0 : index
    %get3A_472 = vector.load %arg2[%get3A_470, %get3A_471] : memref<207x128xf32, #tpu.memory_space<vmem>>, vector<1x128xf32>
    %get3A_473 = vector.shape_cast %get3A_472 : vector<1x128xf32> to vector<128xf32>
    %broadcast_in_dim3A_474 = vector.shape_cast %get3A_473 : vector<128xf32> to vector<1x128xf32>
    %add3A_475 = vector.broadcast %broadcast_in_dim3A_474 : vector<1x128xf32> to vector<64x128xf32>
    %add3A_476 = arith.addf %add3A_9, %add3A_475 : vector<64x128xf32>
    %swap3A_477 = arith.constant 0 : index
    %swap3A_478 = arith.constant 33 : index
    %swap3A_479 = arith.constant 0 : index
    %swap3A_480 = arith.constant 0 : index
    %swap3A_481 = vector.load %arg3[%swap3A_477, %swap3A_478, %swap3A_479, %swap3A_480] : memref<1x207x64x128xf32, #tpu.memory_space<vmem>>, vector<1x1x64x128xf32>
    %swap3A_482 = vector.shape_cast %swap3A_481 : vector<1x1x64x128xf32> to vector<64x128xf32>
    %swap3A_483 = vector.shape_cast %add3A_476 : vector<64x128xf32> to vector<1x1x64x128xf32>
    tpu.vector_store %arg3[%swap3A_477, %swap3A_478, %swap3A_479, %swap3A_480], %swap3A_483 {strides = array<i32>} : memref<1x207x64x128xf32, #tpu.memory_space<vmem>>, vector<1x1x64x128xf32>,
    %get3A_484 = arith.constant 34 : index
    %get3A_485 = arith.constant 0 : index
    %get3A_486 = vector.load %arg2[%get3A_484, %get3A_485] : memref<207x128xf32, #tpu.memory_space<vmem>>, vector<1x128xf32>
    %get3A_487 = vector.shape_cast %get3A_486 : vector<1x128xf32> to vector<128xf32>
    %broadcast_in_dim3A_488 = vector.shape_cast %get3A_487 : vector<128xf32> to vector<1x128xf32>
    %add3A_489 = vector.broadcast %broadcast_in_dim3A_488 : vector<1x128xf32> to vector<64x128xf32>
    %add3A_490 = arith.addf %add3A_9, %add3A_489 : vector<64x128xf32>
    %swap3A_491 = arith.constant 0 : index
    %swap3A_492 = arith.constant 34 : index
    %swap3A_493 = arith.constant 0 : index
    %swap3A_494 = arith.constant 0 : index
    %swap3A_495 = vector.load %arg3[%swap3A_491, %swap3A_492, %swap3A_493, %swap3A_494] : memref<1x207x64x128xf32, #tpu.memory_space<vmem>>, vector<1x1x64x128xf32>
    %swap3A_496 = vector.shape_cast %swap3A_495 : vector<1x1x64x128xf32> to vector<64x128xf32>
    %swap3A_497 = vector.shape_cast %add3A_490 : vector<64x128xf32> to vector<1x1x64x128xf32>
    tpu.vector_store %arg3[%swap3A_491, %swap3A_492, %swap3A_493, %swap3A_494], %swap3A_497 {strides = array<i32>} : memref<1x207x64x128xf32, #tpu.memory_space<vmem>>, vector<1x1x64x128xf32>,
    %get3A_498 = arith.constant 35 : index
    %get3A_499 = arith.constant 0 : index
    %get3A_500 = vector.load %arg2[%get3A_498, %get3A_499] : memref<207x128xf32, #tpu.memory_space<vmem>>, vector<1x128xf32>
    %get3A_501 = vector.shape_cast %get3A_500 : vector<1x128xf32> to vector<128xf32>
    %broadcast_in_dim3A_502 = vector.shape_cast %get3A_501 : vector<128xf32> to vector<1x128xf32>
    %add3A_503 = vector.broadcast %broadcast_in_dim3A_502 : vector<1x128xf32> to vector<64x128xf32>
    %add3A_504 = arith.addf %add3A_9, %add3A_503 : vector<64x128xf32>
    %swap3A_505 = arith.constant 0 : index
    %swap3A_506 = arith.constant 35 : index
    %swap3A_507 = arith.constant 0 : index
    %swap3A_508 = arith.constant 0 : index
    %swap3A_509 = vector.load %arg3[%swap3A_505, %swap3A_506, %swap3A_507, %swap3A_508] : memref<1x207x64x128xf32, #tpu.memory_space<vmem>>, vector<1x1x64x128xf32>
    %swap3A_510 = vector.shape_cast %swap3A_509 : vector<1x1x64x128xf32> to vector<64x128xf32>
    %swap3A_511 = vector.shape_cast %add3A_504 : vector<64x128xf32> to vector<1x1x64x128xf32>
    tpu.vector_store %arg3[%swap3A_505, %swap3A_506, %swap3A_507, %swap3A_508], %swap3A_511 {strides = array<i32>} : memref<1x207x64x128xf32, #tpu.memory_space<vmem>>, vector<1x1x64x128xf32>,
    %get3A_512 = arith.constant 36 : index
    %get3A_513 = arith.constant 0 : index
    %get3A_514 = vector.load %arg2[%get3A_512, %get3A_513] : memref<207x128xf32, #tpu.memory_space<vmem>>, vector<1x128xf32>
    %get3A_515 = vector.shape_cast %get3A_514 : vector<1x128xf32> to vector<128xf32>
    %broadcast_in_dim3A_516 = vector.shape_cast %get3A_515 : vector<128xf32> to vector<1x128xf32>
    %add3A_517 = vector.broadcast %broadcast_in_dim3A_516 : vector<1x128xf32> to vector<64x128xf32>
    %add3A_518 = arith.addf %add3A_9, %add3A_517 : vector<64x128xf32>
    %swap3A_519 = arith.constant 0 : index
    %swap3A_520 = arith.constant 36 : index
    %swap3A_521 = arith.constant 0 : index
    %swap3A_522 = arith.constant 0 : index
    %swap3A_523 = vector.load %arg3[%swap3A_519, %swap3A_520, %swap3A_521, %swap3A_522] : memref<1x207x64x128xf32, #tpu.memory_space<vmem>>, vector<1x1x64x128xf32>
    %swap3A_524 = vector.shape_cast %swap3A_523 : vector<1x1x64x128xf32> to vector<64x128xf32>
    %swap3A_525 = vector.shape_cast %add3A_518 : vector<64x128xf32> to vector<1x1x64x128xf32>
    tpu.vector_store %arg3[%swap3A_519, %swap3A_520, %swap3A_521, %swap3A_522], %swap3A_525 {strides = array<i32>} : memref<1x207x64x128xf32, #tpu.memory_space<vmem>>, vector<1x1x64x128xf32>,
    %get3A_526 = arith.constant 37 : index
    %get3A_527 = arith.constant 0 : index
    %get3A_528 = vector.load %arg2[%get3A_526, %get3A_527] : memref<207x128xf32, #tpu.memory_space<vmem>>, vector<1x128xf32>
    %get3A_529 = vector.shape_cast %get3A_528 : vector<1x128xf32> to vector<128xf32>
    %broadcast_in_dim3A_530 = vector.shape_cast %get3A_529 : vector<128xf32> to vector<1x128xf32>
    %add3A_531 = vector.broadcast %broadcast_in_dim3A_530 : vector<1x128xf32> to vector<64x128xf32>
    %add3A_532 = arith.addf %add3A_9, %add3A_531 : vector<64x128xf32>
    %swap3A_533 = arith.constant 0 : index
    %swap3A_534 = arith.constant 37 : index
    %swap3A_535 = arith.constant 0 : index
    %swap3A_536 = arith.constant 0 : index
    %swap3A_537 = vector.load %arg3[%swap3A_533, %swap3A_534, %swap3A_535, %swap3A_536] : memref<1x207x64x128xf32, #tpu.memory_space<vmem>>, vector<1x1x64x128xf32>
    %swap3A_538 = vector.shape_cast %swap3A_537 : vector<1x1x64x128xf32> to vector<64x128xf32>
    %swap3A_539 = vector.shape_cast %add3A_532 : vector<64x128xf32> to vector<1x1x64x128xf32>
    tpu.vector_store %arg3[%swap3A_533, %swap3A_534, %swap3A_535, %swap3A_536], %swap3A_539 {strides = array<i32>} : memref<1x207x64x128xf32, #tpu.memory_space<vmem>>, vector<1x1x64x128xf32>,
    %get3A_540 = arith.constant 38 : index
    %get3A_541 = arith.constant 0 : index
    %get3A_542 = vector.load %arg2[%get3A_540, %get3A_541] : memref<207x128xf32, #tpu.memory_space<vmem>>, vector<1x128xf32>
    %get3A_543 = vector.shape_cast %get3A_542 : vector<1x128xf32> to vector<128xf32>
    %broadcast_in_dim3A_544 = vector.shape_cast %get3A_543 : vector<128xf32> to vector<1x128xf32>
    %add3A_545 = vector.broadcast %broadcast_in_dim3A_544 : vector<1x128xf32> to vector<64x128xf32>
    %add3A_546 = arith.addf %add3A_9, %add3A_545 : vector<64x128xf32>
    %swap3A_547 = arith.constant 0 : index
    %swap3A_548 = arith.constant 38 : index
    %swap3A_549 = arith.constant 0 : index
    %swap3A_550 = arith.constant 0 : index
    %swap3A_551 = vector.load %arg3[%swap3A_547, %swap3A_548, %swap3A_549, %swap3A_550] : memref<1x207x64x128xf32, #tpu.memory_space<vmem>>, vector<1x1x64x128xf32>
    %swap3A_552 = vector.shape_cast %swap3A_551 : vector<1x1x64x128xf32> to vector<64x128xf32>
    %swap3A_553 = vector.shape_cast %add3A_546 : vector<64x128xf32> to vector<1x1x64x128xf32>
    tpu.vector_store %arg3[%swap3A_547, %swap3A_548, %swap3A_549, %swap3A_550], %swap3A_553 {strides = array<i32>} : memref<1x207x64x128xf32, #tpu.memory_space<vmem>>, vector<1x1x64x128xf32>,
    %get3A_554 = arith.constant 39 : index
    %get3A_555 = arith.constant 0 : index
    %get3A_556 = vector.load %arg2[%get3A_554, %get3A_555] : memref<207x128xf32, #tpu.memory_space<vmem>>, vector<1x128xf32>
    %get3A_557 = vector.shape_cast %get3A_556 : vector<1x128xf32> to vector<128xf32>
    %broadcast_in_dim3A_558 = vector.shape_cast %get3A_557 : vector<128xf32> to vector<1x128xf32>
    %add3A_559 = vector.broadcast %broadcast_in_dim3A_558 : vector<1x128xf32> to vector<64x128xf32>
    %add3A_560 = arith.addf %add3A_9, %add3A_559 : vector<64x128xf32>
    %swap3A_561 = arith.constant 0 : index
    %swap3A_562 = arith.constant 39 : index
    %swap3A_563 = arith.constant 0 : index
    %swap3A_564 = arith.constant 0 : index
    %swap3A_565 = vector.load %arg3[%swap3A_561, %swap3A_562, %swap3A_563, %swap3A_564] : memref<1x207x64x128xf32, #tpu.memory_space<vmem>>, vector<1x1x64x128xf32>
    %swap3A_566 = vector.shape_cast %swap3A_565 : vector<1x1x64x128xf32> to vector<64x128xf32>
    %swap3A_567 = vector.shape_cast %add3A_560 : vector<64x128xf32> to vector<1x1x64x128xf32>
    tpu.vector_store %arg3[%swap3A_561, %swap3A_562, %swap3A_563, %swap3A_564], %swap3A_567 {strides = array<i32>} : memref<1x207x64x128xf32, #tpu.memory_space<vmem>>, vector<1x1x64x128xf32>,
    %get3A_568 = arith.constant 40 : index
    %get3A_569 = arith.constant 0 : index
    %get3A_570 = vector.load %arg2[%get3A_568, %get3A_569] : memref<207x128xf32, #tpu.memory_space<vmem>>, vector<1x128xf32>
    %get3A_571 = vector.shape_cast %get3A_570 : vector<1x128xf32> to vector<128xf32>
    %broadcast_in_dim3A_572 = vector.shape_cast %get3A_571 : vector<128xf32> to vector<1x128xf32>
    %add3A_573 = vector.broadcast %broadcast_in_dim3A_572 : vector<1x128xf32> to vector<64x128xf32>
    %add3A_574 = arith.addf %add3A_9, %add3A_573 : vector<64x128xf32>
    %swap3A_575 = arith.constant 0 : index
    %swap3A_576 = arith.constant 40 : index
    %swap3A_577 = arith.constant 0 : index
    %swap3A_578 = arith.constant 0 : index
    %swap3A_579 = vector.load %arg3[%swap3A_575, %swap3A_576, %swap3A_577, %swap3A_578] : memref<1x207x64x128xf32, #tpu.memory_space<vmem>>, vector<1x1x64x128xf32>
    %swap3A_580 = vector.shape_cast %swap3A_579 : vector<1x1x64x128xf32> to vector<64x128xf32>
    %swap3A_581 = vector.shape_cast %add3A_574 : vector<64x128xf32> to vector<1x1x64x128xf32>
    tpu.vector_store %arg3[%swap3A_575, %swap3A_576, %swap3A_577, %swap3A_578], %swap3A_581 {strides = array<i32>} : memref<1x207x64x128xf32, #tpu.memory_space<vmem>>, vector<1x1x64x128xf32>,
    %get3A_582 = arith.constant 41 : index
    %get3A_583 = arith.constant 0 : index
    %get3A_584 = vector.load %arg2[%get3A_582, %get3A_583] : memref<207x128xf32, #tpu.memory_space<vmem>>, vector<1x128xf32>
    %get3A_585 = vector.shape_cast %get3A_584 : vector<1x128xf32> to vector<128xf32>
    %broadcast_in_dim3A_586 = vector.shape_cast %get3A_585 : vector<128xf32> to vector<1x128xf32>
    %add3A_587 = vector.broadcast %broadcast_in_dim3A_586 : vector<1x128xf32> to vector<64x128xf32>
    %add3A_588 = arith.addf %add3A_9, %add3A_587 : vector<64x128xf32>
    %swap3A_589 = arith.constant 0 : index
    %swap3A_590 = arith.constant 41 : index
    %swap3A_591 = arith.constant 0 : index
    %swap3A_592 = arith.constant 0 : index
    %swap3A_593 = vector.load %arg3[%swap3A_589, %swap3A_590, %swap3A_591, %swap3A_592] : memref<1x207x64x128xf32, #tpu.memory_space<vmem>>, vector<1x1x64x128xf32>
    %swap3A_594 = vector.shape_cast %swap3A_593 : vector<1x1x64x128xf32> to vector<64x128xf32>
    %swap3A_595 = vector.shape_cast %add3A_588 : vector<64x128xf32> to vector<1x1x64x128xf32>
    tpu.vector_store %arg3[%swap3A_589, %swap3A_590, %swap3A_591, %swap3A_592], %swap3A_595 {strides = array<i32>} : memref<1x207x64x128xf32, #tpu.memory_space<vmem>>, vector<1x1x64x128xf32>,
    %get3A_596 = arith.constant 42 : index
    %get3A_597 = arith.constant 0 : index
    %get3A_598 = vector.load %arg2[%get3A_596, %get3A_597] : memref<207x128xf32, #tpu.memory_space<vmem>>, vector<1x128xf32>
    %get3A_599 = vector.shape_cast %get3A_598 : vector<1x128xf32> to vector<128xf32>
    %broadcast_in_dim3A_600 = vector.shape_cast %get3A_599 : vector<128xf32> to vector<1x128xf32>
    %add3A_601 = vector.broadcast %broadcast_in_dim3A_600 : vector<1x128xf32> to vector<64x128xf32>
    %add3A_602 = arith.addf %add3A_9, %add3A_601 : vector<64x128xf32>
    %swap3A_603 = arith.constant 0 : index
    %swap3A_604 = arith.constant 42 : index
    %swap3A_605 = arith.constant 0 : index
    %swap3A_606 = arith.constant 0 : index
    %swap3A_607 = vector.load %arg3[%swap3A_603, %swap3A_604, %swap3A_605, %swap3A_606] : memref<1x207x64x128xf32, #tpu.memory_space<vmem>>, vector<1x1x64x128xf32>
    %swap3A_608 = vector.shape_cast %swap3A_607 : vector<1x1x64x128xf32> to vector<64x128xf32>
    %swap3A_609 = vector.shape_cast %add3A_602 : vector<64x128xf32> to vector<1x1x64x128xf32>
    tpu.vector_store %arg3[%swap3A_603, %swap3A_604, %swap3A_605, %swap3A_606], %swap3A_609 {strides = array<i32>} : memref<1x207x64x128xf32, #tpu.memory_space<vmem>>, vector<1x1x64x128xf32>,
    %get3A_610 = arith.constant 43 : index
    %get3A_611 = arith.constant 0 : index
    %get3A_612 = vector.load %arg2[%get3A_610, %get3A_611] : memref<207x128xf32, #tpu.memory_space<vmem>>, vector<1x128xf32>
    %get3A_613 = vector.shape_cast %get3A_612 : vector<1x128xf32> to vector<128xf32>
    %broadcast_in_dim3A_614 = vector.shape_cast %get3A_613 : vector<128xf32> to vector<1x128xf32>
    %add3A_615 = vector.broadcast %broadcast_in_dim3A_614 : vector<1x128xf32> to vector<64x128xf32>
    %add3A_616 = arith.addf %add3A_9, %add3A_615 : vector<64x128xf32>
    %swap3A_617 = arith.constant 0 : index
    %swap3A_618 = arith.constant 43 : index
    %swap3A_619 = arith.constant 0 : index
    %swap3A_620 = arith.constant 0 : index
    %swap3A_621 = vector.load %arg3[%swap3A_617, %swap3A_618, %swap3A_619, %swap3A_620] : memref<1x207x64x128xf32, #tpu.memory_space<vmem>>, vector<1x1x64x128xf32>
    %swap3A_622 = vector.shape_cast %swap3A_621 : vector<1x1x64x128xf32> to vector<64x128xf32>
    %swap3A_623 = vector.shape_cast %add3A_616 : vector<64x128xf32> to vector<1x1x64x128xf32>
    tpu.vector_store %arg3[%swap3A_617, %swap3A_618, %swap3A_619, %swap3A_620], %swap3A_623 {strides = array<i32>} : memref<1x207x64x128xf32, #tpu.memory_space<vmem>>, vector<1x1x64x128xf32>,
    %get3A_624 = arith.constant 44 : index
    %get3A_625 = arith.constant 0 : index
    %get3A_626 = vector.load %arg2[%get3A_624, %get3A_625] : memref<207x128xf32, #tpu.memory_space<vmem>>, vector<1x128xf32>
    %get3A_627 = vector.shape_cast %get3A_626 : vector<1x128xf32> to vector<128xf32>
    %broadcast_in_dim3A_628 = vector.shape_cast %get3A_627 : vector<128xf32> to vector<1x128xf32>
    %add3A_629 = vector.broadcast %broadcast_in_dim3A_628 : vector<1x128xf32> to vector<64x128xf32>
    %add3A_630 = arith.addf %add3A_9, %add3A_629 : vector<64x128xf32>
    %swap3A_631 = arith.constant 0 : index
    %swap3A_632 = arith.constant 44 : index
    %swap3A_633 = arith.constant 0 : index
    %swap3A_634 = arith.constant 0 : index
    %swap3A_635 = vector.load %arg3[%swap3A_631, %swap3A_632, %swap3A_633, %swap3A_634] : memref<1x207x64x128xf32, #tpu.memory_space<vmem>>, vector<1x1x64x128xf32>
    %swap3A_636 = vector.shape_cast %swap3A_635 : vector<1x1x64x128xf32> to vector<64x128xf32>
    %swap3A_637 = vector.shape_cast %add3A_630 : vector<64x128xf32> to vector<1x1x64x128xf32>
    tpu.vector_store %arg3[%swap3A_631, %swap3A_632, %swap3A_633, %swap3A_634], %swap3A_637 {strides = array<i32>} : memref<1x207x64x128xf32, #tpu.memory_space<vmem>>, vector<1x1x64x128xf32>,
    %get3A_638 = arith.constant 45 : index
    %get3A_639 = arith.constant 0 : index
    %get3A_640 = vector.load %arg2[%get3A_638, %get3A_639] : memref<207x128xf32, #tpu.memory_space<vmem>>, vector<1x128xf32>
    %get3A_641 = vector.shape_cast %get3A_640 : vector<1x128xf32> to vector<128xf32>
    %broadcast_in_dim3A_642 = vector.shape_cast %get3A_641 : vector<128xf32> to vector<1x128xf32>
    %add3A_643 = vector.broadcast %broadcast_in_dim3A_642 : vector<1x128xf32> to vector<64x128xf32>
    %add3A_644 = arith.addf %add3A_9, %add3A_643 : vector<64x128xf32>
    %swap3A_645 = arith.constant 0 : index
    %swap3A_646 = arith.constant 45 : index
    %swap3A_647 = arith.constant 0 : index
    %swap3A_648 = arith.constant 0 : index
    %swap3A_649 = vector.load %arg3[%swap3A_645, %swap3A_646, %swap3A_647, %swap3A_648] : memref<1x207x64x128xf32, #tpu.memory_space<vmem>>, vector<1x1x64x128xf32>
    %swap3A_650 = vector.shape_cast %swap3A_649 : vector<1x1x64x128xf32> to vector<64x128xf32>
    %swap3A_651 = vector.shape_cast %add3A_644 : vector<64x128xf32> to vector<1x1x64x128xf32>
    tpu.vector_store %arg3[%swap3A_645, %swap3A_646, %swap3A_647, %swap3A_648], %swap3A_651 {strides = array<i32>} : memref<1x207x64x128xf32, #tpu.memory_space<vmem>>, vector<1x1x64x128xf32>,
    %get3A_652 = arith.constant 46 : index
    %get3A_653 = arith.constant 0 : index
    %get3A_654 = vector.load %arg2[%get3A_652, %get3A_653] : memref<207x128xf32, #tpu.memory_space<vmem>>, vector<1x128xf32>
    %get3A_655 = vector.shape_cast %get3A_654 : vector<1x128xf32> to vector<128xf32>
    %broadcast_in_dim3A_656 = vector.shape_cast %get3A_655 : vector<128xf32> to vector<1x128xf32>
    %add3A_657 = vector.broadcast %broadcast_in_dim3A_656 : vector<1x128xf32> to vector<64x128xf32>
    %add3A_658 = arith.addf %add3A_9, %add3A_657 : vector<64x128xf32>
    %swap3A_659 = arith.constant 0 : index
    %swap3A_660 = arith.constant 46 : index
    %swap3A_661 = arith.constant 0 : index
    %swap3A_662 = arith.constant 0 : index
    %swap3A_663 = vector.load %arg3[%swap3A_659, %swap3A_660, %swap3A_661, %swap3A_662] : memref<1x207x64x128xf32, #tpu.memory_space<vmem>>, vector<1x1x64x128xf32>
    %swap3A_664 = vector.shape_cast %swap3A_663 : vector<1x1x64x128xf32> to vector<64x128xf32>
    %swap3A_665 = vector.shape_cast %add3A_658 : vector<64x128xf32> to vector<1x1x64x128xf32>
    tpu.vector_store %arg3[%swap3A_659, %swap3A_660, %swap3A_661, %swap3A_662], %swap3A_665 {strides = array<i32>} : memref<1x207x64x128xf32, #tpu.memory_space<vmem>>, vector<1x1x64x128xf32>,
    %get3A_666 = arith.constant 47 : index
    %get3A_667 = arith.constant 0 : index
    %get3A_668 = vector.load %arg2[%get3A_666, %get3A_667] : memref<207x128xf32, #tpu.memory_space<vmem>>, vector<1x128xf32>
    %get3A_669 = vector.shape_cast %get3A_668 : vector<1x128xf32> to vector<128xf32>
    %broadcast_in_dim3A_670 = vector.shape_cast %get3A_669 : vector<128xf32> to vector<1x128xf32>
    %add3A_671 = vector.broadcast %broadcast_in_dim3A_670 : vector<1x128xf32> to vector<64x128xf32>
    %add3A_672 = arith.addf %add3A_9, %add3A_671 : vector<64x128xf32>
    %swap3A_673 = arith.constant 0 : index
    %swap3A_674 = arith.constant 47 : index
    %swap3A_675 = arith.constant 0 : index
    %swap3A_676 = arith.constant 0 : index
    %swap3A_677 = vector.load %arg3[%swap3A_673, %swap3A_674, %swap3A_675, %swap3A_676] : memref<1x207x64x128xf32, #tpu.memory_space<vmem>>, vector<1x1x64x128xf32>
    %swap3A_678 = vector.shape_cast %swap3A_677 : vector<1x1x64x128xf32> to vector<64x128xf32>
    %swap3A_679 = vector.shape_cast %add3A_672 : vector<64x128xf32> to vector<1x1x64x128xf32>
    tpu.vector_store %arg3[%swap3A_673, %swap3A_674, %swap3A_675, %swap3A_676], %swap3A_679 {strides = array<i32>} : memref<1x207x64x128xf32, #tpu.memory_space<vmem>>, vector<1x1x64x128xf32>,
    %get3A_680 = arith.constant 48 : index
    %get3A_681 = arith.constant 0 : index
    %get3A_682 = vector.load %arg2[%get3A_680, %get3A_681] : memref<207x128xf32, #tpu.memory_space<vmem>>, vector<1x128xf32>
    %get3A_683 = vector.shape_cast %get3A_682 : vector<1x128xf32> to vector<128xf32>
    %broadcast_in_dim3A_684 = vector.shape_cast %get3A_683 : vector<128xf32> to vector<1x128xf32>
    %add3A_685 = vector.broadcast %broadcast_in_dim3A_684 : vector<1x128xf32> to vector<64x128xf32>
    %add3A_686 = arith.addf %add3A_9, %add3A_685 : vector<64x128xf32>
    %swap3A_687 = arith.constant 0 : index
    %swap3A_688 = arith.constant 48 : index
    %swap3A_689 = arith.constant 0 : index
    %swap3A_690 = arith.constant 0 : index
    %swap3A_691 = vector.load %arg3[%swap3A_687, %swap3A_688, %swap3A_689, %swap3A_690] : memref<1x207x64x128xf32, #tpu.memory_space<vmem>>, vector<1x1x64x128xf32>
    %swap3A_692 = vector.shape_cast %swap3A_691 : vector<1x1x64x128xf32> to vector<64x128xf32>
    %swap3A_693 = vector.shape_cast %add3A_686 : vector<64x128xf32> to vector<1x1x64x128xf32>
    tpu.vector_store %arg3[%swap3A_687, %swap3A_688, %swap3A_689, %swap3A_690], %swap3A_693 {strides = array<i32>} : memref<1x207x64x128xf32, #tpu.memory_space<vmem>>, vector<1x1x64x128xf32>,
    %get3A_694 = arith.constant 49 : index
    %get3A_695 = arith.constant 0 : index
    %get3A_696 = vector.load %arg2[%get3A_694, %get3A_695] : memref<207x128xf32, #tpu.memory_space<vmem>>, vector<1x128xf32>
    %get3A_697 = vector.shape_cast %get3A_696 : vector<1x128xf32> to vector<128xf32>
    %broadcast_in_dim3A_698 = vector.shape_cast %get3A_697 : vector<128xf32> to vector<1x128xf32>
    %add3A_699 = vector.broadcast %broadcast_in_dim3A_698 : vector<1x128xf32> to vector<64x128xf32>
    %add3A_700 = arith.addf %add3A_9, %add3A_699 : vector<64x128xf32>
    %swap3A_701 = arith.constant 0 : index
    %swap3A_702 = arith.constant 49 : index
    %swap3A_703 = arith.constant 0 : index
    %swap3A_704 = arith.constant 0 : index
    %swap3A_705 = vector.load %arg3[%swap3A_701, %swap3A_702, %swap3A_703, %swap3A_704] : memref<1x207x64x128xf32, #tpu.memory_space<vmem>>, vector<1x1x64x128xf32>
    %swap3A_706 = vector.shape_cast %swap3A_705 : vector<1x1x64x128xf32> to vector<64x128xf32>
    %swap3A_707 = vector.shape_cast %add3A_700 : vector<64x128xf32> to vector<1x1x64x128xf32>
    tpu.vector_store %arg3[%swap3A_701, %swap3A_702, %swap3A_703, %swap3A_704], %swap3A_707 {strides = array<i32>} : memref<1x207x64x128xf32, #tpu.memory_space<vmem>>, vector<1x1x64x128xf32>,
    %get3A_708 = arith.constant 50 : index
    %get3A_709 = arith.constant 0 : index
    %get3A_710 = vector.load %arg2[%get3A_708, %get3A_709] : memref<207x128xf32, #tpu.memory_space<vmem>>, vector<1x128xf32>
    %get3A_711 = vector.shape_cast %get3A_710 : vector<1x128xf32> to vector<128xf32>
    %broadcast_in_dim3A_712 = vector.shape_cast %get3A_711 : vector<128xf32> to vector<1x128xf32>
    %add3A_713 = vector.broadcast %broadcast_in_dim3A_712 : vector<1x128xf32> to vector<64x128xf32>
    %add3A_714 = arith.addf %add3A_9, %add3A_713 : vector<64x128xf32>
    %swap3A_715 = arith.constant 0 : index
    %swap3A_716 = arith.constant 50 : index
    %swap3A_717 = arith.constant 0 : index
    %swap3A_718 = arith.constant 0 : index
    %swap3A_719 = vector.load %arg3[%swap3A_715, %swap3A_716, %swap3A_717, %swap3A_718] : memref<1x207x64x128xf32, #tpu.memory_space<vmem>>, vector<1x1x64x128xf32>
    %swap3A_720 = vector.shape_cast %swap3A_719 : vector<1x1x64x128xf32> to vector<64x128xf32>
    %swap3A_721 = vector.shape_cast %add3A_714 : vector<64x128xf32> to vector<1x1x64x128xf32>
    tpu.vector_store %arg3[%swap3A_715, %swap3A_716, %swap3A_717, %swap3A_718], %swap3A_721 {strides = array<i32>} : memref<1x207x64x128xf32, #tpu.memory_space<vmem>>, vector<1x1x64x128xf32>,
    %get3A_722 = arith.constant 51 : index
    %get3A_723 = arith.constant 0 : index
    %get3A_724 = vector.load %arg2[%get3A_722, %get3A_723] : memref<207x128xf32, #tpu.memory_space<vmem>>, vector<1x128xf32>
    %get3A_725 = vector.shape_cast %get3A_724 : vector<1x128xf32> to vector<128xf32>
    %broadcast_in_dim3A_726 = vector.shape_cast %get3A_725 : vector<128xf32> to vector<1x128xf32>
    %add3A_727 = vector.broadcast %broadcast_in_dim3A_726 : vector<1x128xf32> to vector<64x128xf32>
    %add3A_728 = arith.addf %add3A_9, %add3A_727 : vector<64x128xf32>
    %swap3A_729 = arith.constant 0 : index
    %swap3A_730 = arith.constant 51 : index
    %swap3A_731 = arith.constant 0 : index
    %swap3A_732 = arith.constant 0 : index
    %swap3A_733 = vector.load %arg3[%swap3A_729, %swap3A_730, %swap3A_731, %swap3A_732] : memref<1x207x64x128xf32, #tpu.memory_space<vmem>>, vector<1x1x64x128xf32>
    %swap3A_734 = vector.shape_cast %swap3A_733 : vector<1x1x64x128xf32> to vector<64x128xf32>
    %swap3A_735 = vector.shape_cast %add3A_728 : vector<64x128xf32> to vector<1x1x64x128xf32>
    tpu.vector_store %arg3[%swap3A_729, %swap3A_730, %swap3A_731, %swap3A_732], %swap3A_735 {strides = array<i32>} : memref<1x207x64x128xf32, #tpu.memory_space<vmem>>, vector<1x1x64x128xf32>,
    %get3A_736 = arith.constant 52 : index
    %get3A_737 = arith.constant 0 : index
    %get3A_738 = vector.load %arg2[%get3A_736, %get3A_737] : memref<207x128xf32, #tpu.memory_space<vmem>>, vector<1x128xf32>
    %get3A_739 = vector.shape_cast %get3A_738 : vector<1x128xf32> to vector<128xf32>
    %broadcast_in_dim3A_740 = vector.shape_cast %get3A_739 : vector<128xf32> to vector<1x128xf32>
    %add3A_741 = vector.broadcast %broadcast_in_dim3A_740 : vector<1x128xf32> to vector<64x128xf32>
    %add3A_742 = arith.addf %add3A_9, %add3A_741 : vector<64x128xf32>
    %swap3A_743 = arith.constant 0 : index
    %swap3A_744 = arith.constant 52 : index
    %swap3A_745 = arith.constant 0 : index
    %swap3A_746 = arith.constant 0 : index
    %swap3A_747 = vector.load %arg3[%swap3A_743, %swap3A_744, %swap3A_745, %swap3A_746] : memref<1x207x64x128xf32, #tpu.memory_space<vmem>>, vector<1x1x64x128xf32>
    %swap3A_748 = vector.shape_cast %swap3A_747 : vector<1x1x64x128xf32> to vector<64x128xf32>
    %swap3A_749 = vector.shape_cast %add3A_742 : vector<64x128xf32> to vector<1x1x64x128xf32>
    tpu.vector_store %arg3[%swap3A_743, %swap3A_744, %swap3A_745, %swap3A_746], %swap3A_749 {strides = array<i32>} : memref<1x207x64x128xf32, #tpu.memory_space<vmem>>, vector<1x1x64x128xf32>,
    %get3A_750 = arith.constant 53 : index
    %get3A_751 = arith.constant 0 : index
    %get3A_752 = vector.load %arg2[%get3A_750, %get3A_751] : memref<207x128xf32, #tpu.memory_space<vmem>>, vector<1x128xf32>
    %get3A_753 = vector.shape_cast %get3A_752 : vector<1x128xf32> to vector<128xf32>
    %broadcast_in_dim3A_754 = vector.shape_cast %get3A_753 : vector<128xf32> to vector<1x128xf32>
    %add3A_755 = vector.broadcast %broadcast_in_dim3A_754 : vector<1x128xf32> to vector<64x128xf32>
    %add3A_756 = arith.addf %add3A_9, %add3A_755 : vector<64x128xf32>
    %swap3A_757 = arith.constant 0 : index
    %swap3A_758 = arith.constant 53 : index
    %swap3A_759 = arith.constant 0 : index
    %swap3A_760 = arith.constant 0 : index
    %swap3A_761 = vector.load %arg3[%swap3A_757, %swap3A_758, %swap3A_759, %swap3A_760] : memref<1x207x64x128xf32, #tpu.memory_space<vmem>>, vector<1x1x64x128xf32>
    %swap3A_762 = vector.shape_cast %swap3A_761 : vector<1x1x64x128xf32> to vector<64x128xf32>
    %swap3A_763 = vector.shape_cast %add3A_756 : vector<64x128xf32> to vector<1x1x64x128xf32>
    tpu.vector_store %arg3[%swap3A_757, %swap3A_758, %swap3A_759, %swap3A_760], %swap3A_763 {strides = array<i32>} : memref<1x207x64x128xf32, #tpu.memory_space<vmem>>, vector<1x1x64x128xf32>,
    %get3A_764 = arith.constant 54 : index
    %get3A_765 = arith.constant 0 : index
    %get3A_766 = vector.load %arg2[%get3A_764, %get3A_765] : memref<207x128xf32, #tpu.memory_space<vmem>>, vector<1x128xf32>
    %get3A_767 = vector.shape_cast %get3A_766 : vector<1x128xf32> to vector<128xf32>
    %broadcast_in_dim3A_768 = vector.shape_cast %get3A_767 : vector<128xf32> to vector<1x128xf32>
    %add3A_769 = vector.broadcast %broadcast_in_dim3A_768 : vector<1x128xf32> to vector<64x128xf32>
    %add3A_770 = arith.addf %add3A_9, %add3A_769 : vector<64x128xf32>
    %swap3A_771 = arith.constant 0 : index
    %swap3A_772 = arith.constant 54 : index
    %swap3A_773 = arith.constant 0 : index
    %swap3A_774 = arith.constant 0 : index
    %swap3A_775 = vector.load %arg3[%swap3A_771, %swap3A_772, %swap3A_773, %swap3A_774] : memref<1x207x64x128xf32, #tpu.memory_space<vmem>>, vector<1x1x64x128xf32>
    %swap3A_776 = vector.shape_cast %swap3A_775 : vector<1x1x64x128xf32> to vector<64x128xf32>
    %swap3A_777 = vector.shape_cast %add3A_770 : vector<64x128xf32> to vector<1x1x64x128xf32>
    tpu.vector_store %arg3[%swap3A_771, %swap3A_772, %swap3A_773, %swap3A_774], %swap3A_777 {strides = array<i32>} : memref<1x207x64x128xf32, #tpu.memory_space<vmem>>, vector<1x1x64x128xf32>,
    %get3A_778 = arith.constant 55 : index
    %get3A_779 = arith.constant 0 : index
    %get3A_780 = vector.load %arg2[%get3A_778, %get3A_779] : memref<207x128xf32, #tpu.memory_space<vmem>>, vector<1x128xf32>
    %get3A_781 = vector.shape_cast %get3A_780 : vector<1x128xf32> to vector<128xf32>
    %broadcast_in_dim3A_782 = vector.shape_cast %get3A_781 : vector<128xf32> to vector<1x128xf32>
    %add3A_783 = vector.broadcast %broadcast_in_dim3A_782 : vector<1x128xf32> to vector<64x128xf32>
    %add3A_784 = arith.addf %add3A_9, %add3A_783 : vector<64x128xf32>
    %swap3A_785 = arith.constant 0 : index
    %swap3A_786 = arith.constant 55 : index
    %swap3A_787 = arith.constant 0 : index
    %swap3A_788 = arith.constant 0 : index
    %swap3A_789 = vector.load %arg3[%swap3A_785, %swap3A_786, %swap3A_787, %swap3A_788] : memref<1x207x64x128xf32, #tpu.memory_space<vmem>>, vector<1x1x64x128xf32>
    %swap3A_790 = vector.shape_cast %swap3A_789 : vector<1x1x64x128xf32> to vector<64x128xf32>
    %swap3A_791 = vector.shape_cast %add3A_784 : vector<64x128xf32> to vector<1x1x64x128xf32>
    tpu.vector_store %arg3[%swap3A_785, %swap3A_786, %swap3A_787, %swap3A_788], %swap3A_791 {strides = array<i32>} : memref<1x207x64x128xf32, #tpu.memory_space<vmem>>, vector<1x1x64x128xf32>,
    %get3A_792 = arith.constant 56 : index
    %get3A_793 = arith.constant 0 : index
    %get3A_794 = vector.load %arg2[%get3A_792, %get3A_793] : memref<207x128xf32, #tpu.memory_space<vmem>>, vector<1x128xf32>
    %get3A_795 = vector.shape_cast %get3A_794 : vector<1x128xf32> to vector<128xf32>
    %broadcast_in_dim3A_796 = vector.shape_cast %get3A_795 : vector<128xf32> to vector<1x128xf32>
    %add3A_797 = vector.broadcast %broadcast_in_dim3A_796 : vector<1x128xf32> to vector<64x128xf32>
    %add3A_798 = arith.addf %add3A_9, %add3A_797 : vector<64x128xf32>
    %swap3A_799 = arith.constant 0 : index
    %swap3A_800 = arith.constant 56 : index
    %swap3A_801 = arith.constant 0 : index
    %swap3A_802 = arith.constant 0 : index
    %swap3A_803 = vector.load %arg3[%swap3A_799, %swap3A_800, %swap3A_801, %swap3A_802] : memref<1x207x64x128xf32, #tpu.memory_space<vmem>>, vector<1x1x64x128xf32>
    %swap3A_804 = vector.shape_cast %swap3A_803 : vector<1x1x64x128xf32> to vector<64x128xf32>
    %swap3A_805 = vector.shape_cast %add3A_798 : vector<64x128xf32> to vector<1x1x64x128xf32>
    tpu.vector_store %arg3[%swap3A_799, %swap3A_800, %swap3A_801, %swap3A_802], %swap3A_805 {strides = array<i32>} : memref<1x207x64x128xf32, #tpu.memory_space<vmem>>, vector<1x1x64x128xf32>,
    %get3A_806 = arith.constant 57 : index
    %get3A_807 = arith.constant 0 : index
    %get3A_808 = vector.load %arg2[%get3A_806, %get3A_807] : memref<207x128xf32, #tpu.memory_space<vmem>>, vector<1x128xf32>
    %get3A_809 = vector.shape_cast %get3A_808 : vector<1x128xf32> to vector<128xf32>
    %broadcast_in_dim3A_810 = vector.shape_cast %get3A_809 : vector<128xf32> to vector<1x128xf32>
    %add3A_811 = vector.broadcast %broadcast_in_dim3A_810 : vector<1x128xf32> to vector<64x128xf32>
    %add3A_812 = arith.addf %add3A_9, %add3A_811 : vector<64x128xf32>
    %swap3A_813 = arith.constant 0 : index
    %swap3A_814 = arith.constant 57 : index
    %swap3A_815 = arith.constant 0 : index
    %swap3A_816 = arith.constant 0 : index
    %swap3A_817 = vector.load %arg3[%swap3A_813, %swap3A_814, %swap3A_815, %swap3A_816] : memref<1x207x64x128xf32, #tpu.memory_space<vmem>>, vector<1x1x64x128xf32>
    %swap3A_818 = vector.shape_cast %swap3A_817 : vector<1x1x64x128xf32> to vector<64x128xf32>
    %swap3A_819 = vector.shape_cast %add3A_812 : vector<64x128xf32> to vector<1x1x64x128xf32>
    tpu.vector_store %arg3[%swap3A_813, %swap3A_814, %swap3A_815, %swap3A_816], %swap3A_819 {strides = array<i32>} : memref<1x207x64x128xf32, #tpu.memory_space<vmem>>, vector<1x1x64x128xf32>,
    %get3A_820 = arith.constant 58 : index
    %get3A_821 = arith.constant 0 : index
    %get3A_822 = vector.load %arg2[%get3A_820, %get3A_821] : memref<207x128xf32, #tpu.memory_space<vmem>>, vector<1x128xf32>
    %get3A_823 = vector.shape_cast %get3A_822 : vector<1x128xf32> to vector<128xf32>
    %broadcast_in_dim3A_824 = vector.shape_cast %get3A_823 : vector<128xf32> to vector<1x128xf32>
    %add3A_825 = vector.broadcast %broadcast_in_dim3A_824 : vector<1x128xf32> to vector<64x128xf32>
    %add3A_826 = arith.addf %add3A_9, %add3A_825 : vector<64x128xf32>
    %swap3A_827 = arith.constant 0 : index
    %swap3A_828 = arith.constant 58 : index
    %swap3A_829 = arith.constant 0 : index
    %swap3A_830 = arith.constant 0 : index
    %swap3A_831 = vector.load %arg3[%swap3A_827, %swap3A_828, %swap3A_829, %swap3A_830] : memref<1x207x64x128xf32, #tpu.memory_space<vmem>>, vector<1x1x64x128xf32>
    %swap3A_832 = vector.shape_cast %swap3A_831 : vector<1x1x64x128xf32> to vector<64x128xf32>
    %swap3A_833 = vector.shape_cast %add3A_826 : vector<64x128xf32> to vector<1x1x64x128xf32>
    tpu.vector_store %arg3[%swap3A_827, %swap3A_828, %swap3A_829, %swap3A_830], %swap3A_833 {strides = array<i32>} : memref<1x207x64x128xf32, #tpu.memory_space<vmem>>, vector<1x1x64x128xf32>,
    %get3A_834 = arith.constant 59 : index
    %get3A_835 = arith.constant 0 : index
    %get3A_836 = vector.load %arg2[%get3A_834, %get3A_835] : memref<207x128xf32, #tpu.memory_space<vmem>>, vector<1x128xf32>
    %get3A_837 = vector.shape_cast %get3A_836 : vector<1x128xf32> to vector<128xf32>
    %broadcast_in_dim3A_838 = vector.shape_cast %get3A_837 : vector<128xf32> to vector<1x128xf32>
    %add3A_839 = vector.broadcast %broadcast_in_dim3A_838 : vector<1x128xf32> to vector<64x128xf32>
    %add3A_840 = arith.addf %add3A_9, %add3A_839 : vector<64x128xf32>
    %swap3A_841 = arith.constant 0 : index
    %swap3A_842 = arith.constant 59 : index
    %swap3A_843 = arith.constant 0 : index
    %swap3A_844 = arith.constant 0 : index
    %swap3A_845 = vector.load %arg3[%swap3A_841, %swap3A_842, %swap3A_843, %swap3A_844] : memref<1x207x64x128xf32, #tpu.memory_space<vmem>>, vector<1x1x64x128xf32>
    %swap3A_846 = vector.shape_cast %swap3A_845 : vector<1x1x64x128xf32> to vector<64x128xf32>
    %swap3A_847 = vector.shape_cast %add3A_840 : vector<64x128xf32> to vector<1x1x64x128xf32>
    tpu.vector_store %arg3[%swap3A_841, %swap3A_842, %swap3A_843, %swap3A_844], %swap3A_847 {strides = array<i32>} : memref<1x207x64x128xf32, #tpu.memory_space<vmem>>, vector<1x1x64x128xf32>,
    %get3A_848 = arith.constant 60 : index
    %get3A_849 = arith.constant 0 : index
    %get3A_850 = vector.load %arg2[%get3A_848, %get3A_849] : memref<207x128xf32, #tpu.memory_space<vmem>>, vector<1x128xf32>
    %get3A_851 = vector.shape_cast %get3A_850 : vector<1x128xf32> to vector<128xf32>
    %broadcast_in_dim3A_852 = vector.shape_cast %get3A_851 : vector<128xf32> to vector<1x128xf32>
    %add3A_853 = vector.broadcast %broadcast_in_dim3A_852 : vector<1x128xf32> to vector<64x128xf32>
    %add3A_854 = arith.addf %add3A_9, %add3A_853 : vector<64x128xf32>
    %swap3A_855 = arith.constant 0 : index
    %swap3A_856 = arith.constant 60 : index
    %swap3A_857 = arith.constant 0 : index
    %swap3A_858 = arith.constant 0 : index
    %swap3A_859 = vector.load %arg3[%swap3A_855, %swap3A_856, %swap3A_857, %swap3A_858] : memref<1x207x64x128xf32, #tpu.memory_space<vmem>>, vector<1x1x64x128xf32>
    %swap3A_860 = vector.shape_cast %swap3A_859 : vector<1x1x64x128xf32> to vector<64x128xf32>
    %swap3A_861 = vector.shape_cast %add3A_854 : vector<64x128xf32> to vector<1x1x64x128xf32>
    tpu.vector_store %arg3[%swap3A_855, %swap3A_856, %swap3A_857, %swap3A_858], %swap3A_861 {strides = array<i32>} : memref<1x207x64x128xf32, #tpu.memory_space<vmem>>, vector<1x1x64x128xf32>,
    %get3A_862 = arith.constant 61 : index
    %get3A_863 = arith.constant 0 : index
    %get3A_864 = vector.load %arg2[%get3A_862, %get3A_863] : memref<207x128xf32, #tpu.memory_space<vmem>>, vector<1x128xf32>
    %get3A_865 = vector.shape_cast %get3A_864 : vector<1x128xf32> to vector<128xf32>
    %broadcast_in_dim3A_866 = vector.shape_cast %get3A_865 : vector<128xf32> to vector<1x128xf32>
    %add3A_867 = vector.broadcast %broadcast_in_dim3A_866 : vector<1x128xf32> to vector<64x128xf32>
    %add3A_868 = arith.addf %add3A_9, %add3A_867 : vector<64x128xf32>
    %swap3A_869 = arith.constant 0 : index
    %swap3A_870 = arith.constant 61 : index
    %swap3A_871 = arith.constant 0 : index
    %swap3A_872 = arith.constant 0 : index
    %swap3A_873 = vector.load %arg3[%swap3A_869, %swap3A_870, %swap3A_871, %swap3A_872] : memref<1x207x64x128xf32, #tpu.memory_space<vmem>>, vector<1x1x64x128xf32>
    %swap3A_874 = vector.shape_cast %swap3A_873 : vector<1x1x64x128xf32> to vector<64x128xf32>
    %swap3A_875 = vector.shape_cast %add3A_868 : vector<64x128xf32> to vector<1x1x64x128xf32>
    tpu.vector_store %arg3[%swap3A_869, %swap3A_870, %swap3A_871, %swap3A_872], %swap3A_875 {strides = array<i32>} : memref<1x207x64x128xf32, #tpu.memory_space<vmem>>, vector<1x1x64x128xf32>,
    %get3A_876 = arith.constant 62 : index
    %get3A_877 = arith.constant 0 : index
    %get3A_878 = vector.load %arg2[%get3A_876, %get3A_877] : memref<207x128xf32, #tpu.memory_space<vmem>>, vector<1x128xf32>
    %get3A_879 = vector.shape_cast %get3A_878 : vector<1x128xf32> to vector<128xf32>
    %broadcast_in_dim3A_880 = vector.shape_cast %get3A_879 : vector<128xf32> to vector<1x128xf32>
    %add3A_881 = vector.broadcast %broadcast_in_dim3A_880 : vector<1x128xf32> to vector<64x128xf32>
    %add3A_882 = arith.addf %add3A_9, %add3A_881 : vector<64x128xf32>
    %swap3A_883 = arith.constant 0 : index
    %swap3A_884 = arith.constant 62 : index
    %swap3A_885 = arith.constant 0 : index
    %swap3A_886 = arith.constant 0 : index
    %swap3A_887 = vector.load %arg3[%swap3A_883, %swap3A_884, %swap3A_885, %swap3A_886] : memref<1x207x64x128xf32, #tpu.memory_space<vmem>>, vector<1x1x64x128xf32>
    %swap3A_888 = vector.shape_cast %swap3A_887 : vector<1x1x64x128xf32> to vector<64x128xf32>
    %swap3A_889 = vector.shape_cast %add3A_882 : vector<64x128xf32> to vector<1x1x64x128xf32>
    tpu.vector_store %arg3[%swap3A_883, %swap3A_884, %swap3A_885, %swap3A_886], %swap3A_889 {strides = array<i32>} : memref<1x207x64x128xf32, #tpu.memory_space<vmem>>, vector<1x1x64x128xf32>,
    %get3A_890 = arith.constant 63 : index
    %get3A_891 = arith.constant 0 : index
    %get3A_892 = vector.load %arg2[%get3A_890, %get3A_891] : memref<207x128xf32, #tpu.memory_space<vmem>>, vector<1x128xf32>
    %get3A_893 = vector.shape_cast %get3A_892 : vector<1x128xf32> to vector<128xf32>
    %broadcast_in_dim3A_894 = vector.shape_cast %get3A_893 : vector<128xf32> to vector<1x128xf32>
    %add3A_895 = vector.broadcast %broadcast_in_dim3A_894 : vector<1x128xf32> to vector<64x128xf32>
    %add3A_896 = arith.addf %add3A_9, %add3A_895 : vector<64x128xf32>
    %swap3A_897 = arith.constant 0 : index
    %swap3A_898 = arith.constant 63 : index
    %swap3A_899 = arith.constant 0 : index
    %swap3A_900 = arith.constant 0 : index
    %swap3A_901 = vector.load %arg3[%swap3A_897, %swap3A_898, %swap3A_899, %swap3A_900] : memref<1x207x64x128xf32, #tpu.memory_space<vmem>>, vector<1x1x64x128xf32>
    %swap3A_902 = vector.shape_cast %swap3A_901 : vector<1x1x64x128xf32> to vector<64x128xf32>
    %swap3A_903 = vector.shape_cast %add3A_896 : vector<64x128xf32> to vector<1x1x64x128xf32>
    tpu.vector_store %arg3[%swap3A_897, %swap3A_898, %swap3A_899, %swap3A_900], %swap3A_903 {strides = array<i32>} : memref<1x207x64x128xf32, #tpu.memory_space<vmem>>, vector<1x1x64x128xf32>,
    %get3A_904 = arith.constant 64 : index
    %get3A_905 = arith.constant 0 : index
    %get3A_906 = vector.load %arg2[%get3A_904, %get3A_905] : memref<207x128xf32, #tpu.memory_space<vmem>>, vector<1x128xf32>
    %get3A_907 = vector.shape_cast %get3A_906 : vector<1x128xf32> to vector<128xf32>
    %broadcast_in_dim3A_908 = vector.shape_cast %get3A_907 : vector<128xf32> to vector<1x128xf32>
    %add3A_909 = vector.broadcast %broadcast_in_dim3A_908 : vector<1x128xf32> to vector<64x128xf32>
    %add3A_910 = arith.addf %add3A_9, %add3A_909 : vector<64x128xf32>
    %swap3A_911 = arith.constant 0 : index
    %swap3A_912 = arith.constant 64 : index
    %swap3A_913 = arith.constant 0 : index
    %swap3A_914 = arith.constant 0 : index
    %swap3A_915 = vector.load %arg3[%swap3A_911, %swap3A_912, %swap3A_913, %swap3A_914] : memref<1x207x64x128xf32, #tpu.memory_space<vmem>>, vector<1x1x64x128xf32>
    %swap3A_916 = vector.shape_cast %swap3A_915 : vector<1x1x64x128xf32> to vector<64x128xf32>
    %swap3A_917 = vector.shape_cast %add3A_910 : vector<64x128xf32> to vector<1x1x64x128xf32>
    tpu.vector_store %arg3[%swap3A_911, %swap3A_912, %swap3A_913, %swap3A_914], %swap3A_917 {strides = array<i32>} : memref<1x207x64x128xf32, #tpu.memory_space<vmem>>, vector<1x1x64x128xf32>,
    %get3A_918 = arith.constant 65 : index
    %get3A_919 = arith.constant 0 : index
    %get3A_920 = vector.load %arg2[%get3A_918, %get3A_919] : memref<207x128xf32, #tpu.memory_space<vmem>>, vector<1x128xf32>
    %get3A_921 = vector.shape_cast %get3A_920 : vector<1x128xf32> to vector<128xf32>
    %broadcast_in_dim3A_922 = vector.shape_cast %get3A_921 : vector<128xf32> to vector<1x128xf32>
    %add3A_923 = vector.broadcast %broadcast_in_dim3A_922 : vector<1x128xf32> to vector<64x128xf32>
    %add3A_924 = arith.addf %add3A_9, %add3A_923 : vector<64x128xf32>
    %swap3A_925 = arith.constant 0 : index
    %swap3A_926 = arith.constant 65 : index
    %swap3A_927 = arith.constant 0 : index
    %swap3A_928 = arith.constant 0 : index
    %swap3A_929 = vector.load %arg3[%swap3A_925, %swap3A_926, %swap3A_927, %swap3A_928] : memref<1x207x64x128xf32, #tpu.memory_space<vmem>>, vector<1x1x64x128xf32>
    %swap3A_930 = vector.shape_cast %swap3A_929 : vector<1x1x64x128xf32> to vector<64x128xf32>
    %swap3A_931 = vector.shape_cast %add3A_924 : vector<64x128xf32> to vector<1x1x64x128xf32>
    tpu.vector_store %arg3[%swap3A_925, %swap3A_926, %swap3A_927, %swap3A_928], %swap3A_931 {strides = array<i32>} : memref<1x207x64x128xf32, #tpu.memory_space<vmem>>, vector<1x1x64x128xf32>,
    %get3A_932 = arith.constant 66 : index
    %get3A_933 = arith.constant 0 : index
    %get3A_934 = vector.load %arg2[%get3A_932, %get3A_933] : memref<207x128xf32, #tpu.memory_space<vmem>>, vector<1x128xf32>
    %get3A_935 = vector.shape_cast %get3A_934 : vector<1x128xf32> to vector<128xf32>
    %broadcast_in_dim3A_936 = vector.shape_cast %get3A_935 : vector<128xf32> to vector<1x128xf32>
    %add3A_937 = vector.broadcast %broadcast_in_dim3A_936 : vector<1x128xf32> to vector<64x128xf32>
    %add3A_938 = arith.addf %add3A_9, %add3A_937 : vector<64x128xf32>
    %swap3A_939 = arith.constant 0 : index
    %swap3A_940 = arith.constant 66 : index
    %swap3A_941 = arith.constant 0 : index
    %swap3A_942 = arith.constant 0 : index
    %swap3A_943 = vector.load %arg3[%swap3A_939, %swap3A_940, %swap3A_941, %swap3A_942] : memref<1x207x64x128xf32, #tpu.memory_space<vmem>>, vector<1x1x64x128xf32>
    %swap3A_944 = vector.shape_cast %swap3A_943 : vector<1x1x64x128xf32> to vector<64x128xf32>
    %swap3A_945 = vector.shape_cast %add3A_938 : vector<64x128xf32> to vector<1x1x64x128xf32>
    tpu.vector_store %arg3[%swap3A_939, %swap3A_940, %swap3A_941, %swap3A_942], %swap3A_945 {strides = array<i32>} : memref<1x207x64x128xf32, #tpu.memory_space<vmem>>, vector<1x1x64x128xf32>,
    %get3A_946 = arith.constant 67 : index
    %get3A_947 = arith.constant 0 : index
    %get3A_948 = vector.load %arg2[%get3A_946, %get3A_947] : memref<207x128xf32, #tpu.memory_space<vmem>>, vector<1x128xf32>
    %get3A_949 = vector.shape_cast %get3A_948 : vector<1x128xf32> to vector<128xf32>
    %broadcast_in_dim3A_950 = vector.shape_cast %get3A_949 : vector<128xf32> to vector<1x128xf32>
    %add3A_951 = vector.broadcast %broadcast_in_dim3A_950 : vector<1x128xf32> to vector<64x128xf32>
    %add3A_952 = arith.addf %add3A_9, %add3A_951 : vector<64x128xf32>
    %swap3A_953 = arith.constant 0 : index
    %swap3A_954 = arith.constant 67 : index
    %swap3A_955 = arith.constant 0 : index
    %swap3A_956 = arith.constant 0 : index
    %swap3A_957 = vector.load %arg3[%swap3A_953, %swap3A_954, %swap3A_955, %swap3A_956] : memref<1x207x64x128xf32, #tpu.memory_space<vmem>>, vector<1x1x64x128xf32>
    %swap3A_958 = vector.shape_cast %swap3A_957 : vector<1x1x64x128xf32> to vector<64x128xf32>
    %swap3A_959 = vector.shape_cast %add3A_952 : vector<64x128xf32> to vector<1x1x64x128xf32>
    tpu.vector_store %arg3[%swap3A_953, %swap3A_954, %swap3A_955, %swap3A_956], %swap3A_959 {strides = array<i32>} : memref<1x207x64x128xf32, #tpu.memory_space<vmem>>, vector<1x1x64x128xf32>,
    %get3A_960 = arith.constant 68 : index
    %get3A_961 = arith.constant 0 : index
    %get3A_962 = vector.load %arg2[%get3A_960, %get3A_961] : memref<207x128xf32, #tpu.memory_space<vmem>>, vector<1x128xf32>
    %get3A_963 = vector.shape_cast %get3A_962 : vector<1x128xf32> to vector<128xf32>
    %broadcast_in_dim3A_964 = vector.shape_cast %get3A_963 : vector<128xf32> to vector<1x128xf32>
    %add3A_965 = vector.broadcast %broadcast_in_dim3A_964 : vector<1x128xf32> to vector<64x128xf32>
    %add3A_966 = arith.addf %add3A_9, %add3A_965 : vector<64x128xf32>
    %swap3A_967 = arith.constant 0 : index
    %swap3A_968 = arith.constant 68 : index
    %swap3A_969 = arith.constant 0 : index
    %swap3A_970 = arith.constant 0 : index
    %swap3A_971 = vector.load %arg3[%swap3A_967, %swap3A_968, %swap3A_969, %swap3A_970] : memref<1x207x64x128xf32, #tpu.memory_space<vmem>>, vector<1x1x64x128xf32>
    %swap3A_972 = vector.shape_cast %swap3A_971 : vector<1x1x64x128xf32> to vector<64x128xf32>
    %swap3A_973 = vector.shape_cast %add3A_966 : vector<64x128xf32> to vector<1x1x64x128xf32>
    tpu.vector_store %arg3[%swap3A_967, %swap3A_968, %swap3A_969, %swap3A_970], %swap3A_973 {strides = array<i32>} : memref<1x207x64x128xf32, #tpu.memory_space<vmem>>, vector<1x1x64x128xf32>,
    %get3A_974 = arith.constant 69 : index
    %get3A_975 = arith.constant 0 : index
    %get3A_976 = vector.load %arg2[%get3A_974, %get3A_975] : memref<207x128xf32, #tpu.memory_space<vmem>>, vector<1x128xf32>
    %get3A_977 = vector.shape_cast %get3A_976 : vector<1x128xf32> to vector<128xf32>
    %broadcast_in_dim3A_978 = vector.shape_cast %get3A_977 : vector<128xf32> to vector<1x128xf32>
    %add3A_979 = vector.broadcast %broadcast_in_dim3A_978 : vector<1x128xf32> to vector<64x128xf32>
    %add3A_980 = arith.addf %add3A_9, %add3A_979 : vector<64x128xf32>
    %swap3A_981 = arith.constant 0 : index
    %swap3A_982 = arith.constant 69 : index
    %swap3A_983 = arith.constant 0 : index
    %swap3A_984 = arith.constant 0 : index
    %swap3A_985 = vector.load %arg3[%swap3A_981, %swap3A_982, %swap3A_983, %swap3A_984] : memref<1x207x64x128xf32, #tpu.memory_space<vmem>>, vector<1x1x64x128xf32>
    %swap3A_986 = vector.shape_cast %swap3A_985 : vector<1x1x64x128xf32> to vector<64x128xf32>
    %swap3A_987 = vector.shape_cast %add3A_980 : vector<64x128xf32> to vector<1x1x64x128xf32>
    tpu.vector_store %arg3[%swap3A_981, %swap3A_982, %swap3A_983, %swap3A_984], %swap3A_987 {strides = array<i32>} : memref<1x207x64x128xf32, #tpu.memory_space<vmem>>, vector<1x1x64x128xf32>,
    %get3A_988 = arith.constant 70 : index
    %get3A_989 = arith.constant 0 : index
    %get3A_990 = vector.load %arg2[%get3A_988, %get3A_989] : memref<207x128xf32, #tpu.memory_space<vmem>>, vector<1x128xf32>
    %get3A_991 = vector.shape_cast %get3A_990 : vector<1x128xf32> to vector<128xf32>
    %broadcast_in_dim3A_992 = vector.shape_cast %get3A_991 : vector<128xf32> to vector<1x128xf32>
    %add3A_993 = vector.broadcast %broadcast_in_dim3A_992 : vector<1x128xf32> to vector<64x128xf32>
    %add3A_994 = arith.addf %add3A_9, %add3A_993 : vector<64x128xf32>
    %swap3A_995 = arith.constant 0 : index
    %swap3A_996 = arith.constant 70 : index
    %swap3A_997 = arith.constant 0 : index
    %swap3A_998 = arith.constant 0 : index
    %swap3A_999 = vector.load %arg3[%swap3A_995, %swap3A_996, %swap3A_997, %swap3A_998] : memref<1x207x64x128xf32, #tpu.memory_space<vmem>>, vector<1x1x64x128xf32>
    %swap3A_1000 = vector.shape_cast %swap3A_999 : vector<1x1x64x128xf32> to vector<64x128xf32>
    %swap3A_1001 = vector.shape_cast %add3A_994 : vector<64x128xf32> to vector<1x1x64x128xf32>
    tpu.vector_store %arg3[%swap3A_995, %swap3A_996, %swap3A_997, %swap3A_998], %swap3A_1001 {strides = array<i32>} : memref<1x207x64x128xf32, #tpu.memory_space<vmem>>, vector<1x1x64x128xf32>,
    %get3A_1002 = arith.constant 71 : index
    %get3A_1003 = arith.constant 0 : index
    %get3A_1004 = vector.load %arg2[%get3A_1002, %get3A_1003] : memref<207x128xf32, #tpu.memory_space<vmem>>, vector<1x128xf32>
    %get3A_1005 = vector.shape_cast %get3A_1004 : vector<1x128xf32> to vector<128xf32>
    %broadcast_in_dim3A_1006 = vector.shape_cast %get3A_1005 : vector<128xf32> to vector<1x128xf32>
    %add3A_1007 = vector.broadcast %broadcast_in_dim3A_1006 : vector<1x128xf32> to vector<64x128xf32>
    %add3A_1008 = arith.addf %add3A_9, %add3A_1007 : vector<64x128xf32>
    %swap3A_1009 = arith.constant 0 : index
    %swap3A_1010 = arith.constant 71 : index
    %swap3A_1011 = arith.constant 0 : index
    %swap3A_1012 = arith.constant 0 : index
    %swap3A_1013 = vector.load %arg3[%swap3A_1009, %swap3A_1010, %swap3A_1011, %swap3A_1012] : memref<1x207x64x128xf32, #tpu.memory_space<vmem>>, vector<1x1x64x128xf32>
    %swap3A_1014 = vector.shape_cast %swap3A_1013 : vector<1x1x64x128xf32> to vector<64x128xf32>
    %swap3A_1015 = vector.shape_cast %add3A_1008 : vector<64x128xf32> to vector<1x1x64x128xf32>
    tpu.vector_store %arg3[%swap3A_1009, %swap3A_1010, %swap3A_1011, %swap3A_1012], %swap3A_1015 {strides = array<i32>} : memref<1x207x64x128xf32, #tpu.memory_space<vmem>>, vector<1x1x64x128xf32>,
    %get3A_1016 = arith.constant 72 : index
    %get3A_1017 = arith.constant 0 : index
    %get3A_1018 = vector.load %arg2[%get3A_1016, %get3A_1017] : memref<207x128xf32, #tpu.memory_space<vmem>>, vector<1x128xf32>
    %get3A_1019 = vector.shape_cast %get3A_1018 : vector<1x128xf32> to vector<128xf32>
    %broadcast_in_dim3A_1020 = vector.shape_cast %get3A_1019 : vector<128xf32> to vector<1x128xf32>
    %add3A_1021 = vector.broadcast %broadcast_in_dim3A_1020 : vector<1x128xf32> to vector<64x128xf32>
    %add3A_1022 = arith.addf %add3A_9, %add3A_1021 : vector<64x128xf32>
    %swap3A_1023 = arith.constant 0 : index
    %swap3A_1024 = arith.constant 72 : index
    %swap3A_1025 = arith.constant 0 : index
    %swap3A_1026 = arith.constant 0 : index
    %swap3A_1027 = vector.load %arg3[%swap3A_1023, %swap3A_1024, %swap3A_1025, %swap3A_1026] : memref<1x207x64x128xf32, #tpu.memory_space<vmem>>, vector<1x1x64x128xf32>
    %swap3A_1028 = vector.shape_cast %swap3A_1027 : vector<1x1x64x128xf32> to vector<64x128xf32>
    %swap3A_1029 = vector.shape_cast %add3A_1022 : vector<64x128xf32> to vector<1x1x64x128xf32>
    tpu.vector_store %arg3[%swap3A_1023, %swap3A_1024, %swap3A_1025, %swap3A_1026], %swap3A_1029 {strides = array<i32>} : memref<1x207x64x128xf32, #tpu.memory_space<vmem>>, vector<1x1x64x128xf32>,
    %get3A_1030 = arith.constant 73 : index
    %get3A_1031 = arith.constant 0 : index
    %get3A_1032 = vector.load %arg2[%get3A_1030, %get3A_1031] : memref<207x128xf32, #tpu.memory_space<vmem>>, vector<1x128xf32>
    %get3A_1033 = vector.shape_cast %get3A_1032 : vector<1x128xf32> to vector<128xf32>
    %broadcast_in_dim3A_1034 = vector.shape_cast %get3A_1033 : vector<128xf32> to vector<1x128xf32>
    %add3A_1035 = vector.broadcast %broadcast_in_dim3A_1034 : vector<1x128xf32> to vector<64x128xf32>
    %add3A_1036 = arith.addf %add3A_9, %add3A_1035 : vector<64x128xf32>
    %swap3A_1037 = arith.constant 0 : index
    %swap3A_1038 = arith.constant 73 : index
    %swap3A_1039 = arith.constant 0 : index
    %swap3A_1040 = arith.constant 0 : index
    %swap3A_1041 = vector.load %arg3[%swap3A_1037, %swap3A_1038, %swap3A_1039, %swap3A_1040] : memref<1x207x64x128xf32, #tpu.memory_space<vmem>>, vector<1x1x64x128xf32>
    %swap3A_1042 = vector.shape_cast %swap3A_1041 : vector<1x1x64x128xf32> to vector<64x128xf32>
    %swap3A_1043 = vector.shape_cast %add3A_1036 : vector<64x128xf32> to vector<1x1x64x128xf32>
    tpu.vector_store %arg3[%swap3A_1037, %swap3A_1038, %swap3A_1039, %swap3A_1040], %swap3A_1043 {strides = array<i32>} : memref<1x207x64x128xf32, #tpu.memory_space<vmem>>, vector<1x1x64x128xf32>,
    %get3A_1044 = arith.constant 74 : index
    %get3A_1045 = arith.constant 0 : index
    %get3A_1046 = vector.load %arg2[%get3A_1044, %get3A_1045] : memref<207x128xf32, #tpu.memory_space<vmem>>, vector<1x128xf32>
    %get3A_1047 = vector.shape_cast %get3A_1046 : vector<1x128xf32> to vector<128xf32>
    %broadcast_in_dim3A_1048 = vector.shape_cast %get3A_1047 : vector<128xf32> to vector<1x128xf32>
    %add3A_1049 = vector.broadcast %broadcast_in_dim3A_1048 : vector<1x128xf32> to vector<64x128xf32>
    %add3A_1050 = arith.addf %add3A_9, %add3A_1049 : vector<64x128xf32>
    %swap3A_1051 = arith.constant 0 : index
    %swap3A_1052 = arith.constant 74 : index
    %swap3A_1053 = arith.constant 0 : index
    %swap3A_1054 = arith.constant 0 : index
    %swap3A_1055 = vector.load %arg3[%swap3A_1051, %swap3A_1052, %swap3A_1053, %swap3A_1054] : memref<1x207x64x128xf32, #tpu.memory_space<vmem>>, vector<1x1x64x128xf32>
    %swap3A_1056 = vector.shape_cast %swap3A_1055 : vector<1x1x64x128xf32> to vector<64x128xf32>
    %swap3A_1057 = vector.shape_cast %add3A_1050 : vector<64x128xf32> to vector<1x1x64x128xf32>
    tpu.vector_store %arg3[%swap3A_1051, %swap3A_1052, %swap3A_1053, %swap3A_1054], %swap3A_1057 {strides = array<i32>} : memref<1x207x64x128xf32, #tpu.memory_space<vmem>>, vector<1x1x64x128xf32>,
    %get3A_1058 = arith.constant 75 : index
    %get3A_1059 = arith.constant 0 : index
    %get3A_1060 = vector.load %arg2[%get3A_1058, %get3A_1059] : memref<207x128xf32, #tpu.memory_space<vmem>>, vector<1x128xf32>
    %get3A_1061 = vector.shape_cast %get3A_1060 : vector<1x128xf32> to vector<128xf32>
    %broadcast_in_dim3A_1062 = vector.shape_cast %get3A_1061 : vector<128xf32> to vector<1x128xf32>
    %add3A_1063 = vector.broadcast %broadcast_in_dim3A_1062 : vector<1x128xf32> to vector<64x128xf32>
    %add3A_1064 = arith.addf %add3A_9, %add3A_1063 : vector<64x128xf32>
    %swap3A_1065 = arith.constant 0 : index
    %swap3A_1066 = arith.constant 75 : index
    %swap3A_1067 = arith.constant 0 : index
    %swap3A_1068 = arith.constant 0 : index
    %swap3A_1069 = vector.load %arg3[%swap3A_1065, %swap3A_1066, %swap3A_1067, %swap3A_1068] : memref<1x207x64x128xf32, #tpu.memory_space<vmem>>, vector<1x1x64x128xf32>
    %swap3A_1070 = vector.shape_cast %swap3A_1069 : vector<1x1x64x128xf32> to vector<64x128xf32>
    %swap3A_1071 = vector.shape_cast %add3A_1064 : vector<64x128xf32> to vector<1x1x64x128xf32>
    tpu.vector_store %arg3[%swap3A_1065, %swap3A_1066, %swap3A_1067, %swap3A_1068], %swap3A_1071 {strides = array<i32>} : memref<1x207x64x128xf32, #tpu.memory_space<vmem>>, vector<1x1x64x128xf32>,
    %get3A_1072 = arith.constant 76 : index
    %get3A_1073 = arith.constant 0 : index
    %get3A_1074 = vector.load %arg2[%get3A_1072, %get3A_1073] : memref<207x128xf32, #tpu.memory_space<vmem>>, vector<1x128xf32>
    %get3A_1075 = vector.shape_cast %get3A_1074 : vector<1x128xf32> to vector<128xf32>
    %broadcast_in_dim3A_1076 = vector.shape_cast %get3A_1075 : vector<128xf32> to vector<1x128xf32>
    %add3A_1077 = vector.broadcast %broadcast_in_dim3A_1076 : vector<1x128xf32> to vector<64x128xf32>
    %add3A_1078 = arith.addf %add3A_9, %add3A_1077 : vector<64x128xf32>
    %swap3A_1079 = arith.constant 0 : index
    %swap3A_1080 = arith.constant 76 : index
    %swap3A_1081 = arith.constant 0 : index
    %swap3A_1082 = arith.constant 0 : index
    %swap3A_1083 = vector.load %arg3[%swap3A_1079, %swap3A_1080, %swap3A_1081, %swap3A_1082] : memref<1x207x64x128xf32, #tpu.memory_space<vmem>>, vector<1x1x64x128xf32>
    %swap3A_1084 = vector.shape_cast %swap3A_1083 : vector<1x1x64x128xf32> to vector<64x128xf32>
    %swap3A_1085 = vector.shape_cast %add3A_1078 : vector<64x128xf32> to vector<1x1x64x128xf32>
    tpu.vector_store %arg3[%swap3A_1079, %swap3A_1080, %swap3A_1081, %swap3A_1082], %swap3A_1085 {strides = array<i32>} : memref<1x207x64x128xf32, #tpu.memory_space<vmem>>, vector<1x1x64x128xf32>,
    %get3A_1086 = arith.constant 77 : index
    %get3A_1087 = arith.constant 0 : index
    %get3A_1088 = vector.load %arg2[%get3A_1086, %get3A_1087] : memref<207x128xf32, #tpu.memory_space<vmem>>, vector<1x128xf32>
    %get3A_1089 = vector.shape_cast %get3A_1088 : vector<1x128xf32> to vector<128xf32>
    %broadcast_in_dim3A_1090 = vector.shape_cast %get3A_1089 : vector<128xf32> to vector<1x128xf32>
    %add3A_1091 = vector.broadcast %broadcast_in_dim3A_1090 : vector<1x128xf32> to vector<64x128xf32>
    %add3A_1092 = arith.addf %add3A_9, %add3A_1091 : vector<64x128xf32>
    %swap3A_1093 = arith.constant 0 : index
    %swap3A_1094 = arith.constant 77 : index
    %swap3A_1095 = arith.constant 0 : index
    %swap3A_1096 = arith.constant 0 : index
    %swap3A_1097 = vector.load %arg3[%swap3A_1093, %swap3A_1094, %swap3A_1095, %swap3A_1096] : memref<1x207x64x128xf32, #tpu.memory_space<vmem>>, vector<1x1x64x128xf32>
    %swap3A_1098 = vector.shape_cast %swap3A_1097 : vector<1x1x64x128xf32> to vector<64x128xf32>
    %swap3A_1099 = vector.shape_cast %add3A_1092 : vector<64x128xf32> to vector<1x1x64x128xf32>
    tpu.vector_store %arg3[%swap3A_1093, %swap3A_1094, %swap3A_1095, %swap3A_1096], %swap3A_1099 {strides = array<i32>} : memref<1x207x64x128xf32, #tpu.memory_space<vmem>>, vector<1x1x64x128xf32>,
    %get3A_1100 = arith.constant 78 : index
    %get3A_1101 = arith.constant 0 : index
    %get3A_1102 = vector.load %arg2[%get3A_1100, %get3A_1101] : memref<207x128xf32, #tpu.memory_space<vmem>>, vector<1x128xf32>
    %get3A_1103 = vector.shape_cast %get3A_1102 : vector<1x128xf32> to vector<128xf32>
    %broadcast_in_dim3A_1104 = vector.shape_cast %get3A_1103 : vector<128xf32> to vector<1x128xf32>
    %add3A_1105 = vector.broadcast %broadcast_in_dim3A_1104 : vector<1x128xf32> to vector<64x128xf32>
    %add3A_1106 = arith.addf %add3A_9, %add3A_1105 : vector<64x128xf32>
    %swap3A_1107 = arith.constant 0 : index
    %swap3A_1108 = arith.constant 78 : index
    %swap3A_1109 = arith.constant 0 : index
    %swap3A_1110 = arith.constant 0 : index
    %swap3A_1111 = vector.load %arg3[%swap3A_1107, %swap3A_1108, %swap3A_1109, %swap3A_1110] : memref<1x207x64x128xf32, #tpu.memory_space<vmem>>, vector<1x1x64x128xf32>
    %swap3A_1112 = vector.shape_cast %swap3A_1111 : vector<1x1x64x128xf32> to vector<64x128xf32>
    %swap3A_1113 = vector.shape_cast %add3A_1106 : vector<64x128xf32> to vector<1x1x64x128xf32>
    tpu.vector_store %arg3[%swap3A_1107, %swap3A_1108, %swap3A_1109, %swap3A_1110], %swap3A_1113 {strides = array<i32>} : memref<1x207x64x128xf32, #tpu.memory_space<vmem>>, vector<1x1x64x128xf32>,
    %get3A_1114 = arith.constant 79 : index
    %get3A_1115 = arith.constant 0 : index
    %get3A_1116 = vector.load %arg2[%get3A_1114, %get3A_1115] : memref<207x128xf32, #tpu.memory_space<vmem>>, vector<1x128xf32>
    %get3A_1117 = vector.shape_cast %get3A_1116 : vector<1x128xf32> to vector<128xf32>
    %broadcast_in_dim3A_1118 = vector.shape_cast %get3A_1117 : vector<128xf32> to vector<1x128xf32>
    %add3A_1119 = vector.broadcast %broadcast_in_dim3A_1118 : vector<1x128xf32> to vector<64x128xf32>
    %add3A_1120 = arith.addf %add3A_9, %add3A_1119 : vector<64x128xf32>
    %swap3A_1121 = arith.constant 0 : index
    %swap3A_1122 = arith.constant 79 : index
    %swap3A_1123 = arith.constant 0 : index
    %swap3A_1124 = arith.constant 0 : index
    %swap3A_1125 = vector.load %arg3[%swap3A_1121, %swap3A_1122, %swap3A_1123, %swap3A_1124] : memref<1x207x64x128xf32, #tpu.memory_space<vmem>>, vector<1x1x64x128xf32>
    %swap3A_1126 = vector.shape_cast %swap3A_1125 : vector<1x1x64x128xf32> to vector<64x128xf32>
    %swap3A_1127 = vector.shape_cast %add3A_1120 : vector<64x128xf32> to vector<1x1x64x128xf32>
    tpu.vector_store %arg3[%swap3A_1121, %swap3A_1122, %swap3A_1123, %swap3A_1124], %swap3A_1127 {strides = array<i32>} : memref<1x207x64x128xf32, #tpu.memory_space<vmem>>, vector<1x1x64x128xf32>,
    %get3A_1128 = arith.constant 80 : index
    %get3A_1129 = arith.constant 0 : index
    %get3A_1130 = vector.load %arg2[%get3A_1128, %get3A_1129] : memref<207x128xf32, #tpu.memory_space<vmem>>, vector<1x128xf32>
    %get3A_1131 = vector.shape_cast %get3A_1130 : vector<1x128xf32> to vector<128xf32>
    %broadcast_in_dim3A_1132 = vector.shape_cast %get3A_1131 : vector<128xf32> to vector<1x128xf32>
    %add3A_1133 = vector.broadcast %broadcast_in_dim3A_1132 : vector<1x128xf32> to vector<64x128xf32>
    %add3A_1134 = arith.addf %add3A_9, %add3A_1133 : vector<64x128xf32>
    %swap3A_1135 = arith.constant 0 : index
    %swap3A_1136 = arith.constant 80 : index
    %swap3A_1137 = arith.constant 0 : index
    %swap3A_1138 = arith.constant 0 : index
    %swap3A_1139 = vector.load %arg3[%swap3A_1135, %swap3A_1136, %swap3A_1137, %swap3A_1138] : memref<1x207x64x128xf32, #tpu.memory_space<vmem>>, vector<1x1x64x128xf32>
    %swap3A_1140 = vector.shape_cast %swap3A_1139 : vector<1x1x64x128xf32> to vector<64x128xf32>
    %swap3A_1141 = vector.shape_cast %add3A_1134 : vector<64x128xf32> to vector<1x1x64x128xf32>
    tpu.vector_store %arg3[%swap3A_1135, %swap3A_1136, %swap3A_1137, %swap3A_1138], %swap3A_1141 {strides = array<i32>} : memref<1x207x64x128xf32, #tpu.memory_space<vmem>>, vector<1x1x64x128xf32>,
    %get3A_1142 = arith.constant 81 : index
    %get3A_1143 = arith.constant 0 : index
    %get3A_1144 = vector.load %arg2[%get3A_1142, %get3A_1143] : memref<207x128xf32, #tpu.memory_space<vmem>>, vector<1x128xf32>
    %get3A_1145 = vector.shape_cast %get3A_1144 : vector<1x128xf32> to vector<128xf32>
    %broadcast_in_dim3A_1146 = vector.shape_cast %get3A_1145 : vector<128xf32> to vector<1x128xf32>
    %add3A_1147 = vector.broadcast %broadcast_in_dim3A_1146 : vector<1x128xf32> to vector<64x128xf32>
    %add3A_1148 = arith.addf %add3A_9, %add3A_1147 : vector<64x128xf32>
    %swap3A_1149 = arith.constant 0 : index
    %swap3A_1150 = arith.constant 81 : index
    %swap3A_1151 = arith.constant 0 : index
    %swap3A_1152 = arith.constant 0 : index
    %swap3A_1153 = vector.load %arg3[%swap3A_1149, %swap3A_1150, %swap3A_1151, %swap3A_1152] : memref<1x207x64x128xf32, #tpu.memory_space<vmem>>, vector<1x1x64x128xf32>
    %swap3A_1154 = vector.shape_cast %swap3A_1153 : vector<1x1x64x128xf32> to vector<64x128xf32>
    %swap3A_1155 = vector.shape_cast %add3A_1148 : vector<64x128xf32> to vector<1x1x64x128xf32>
    tpu.vector_store %arg3[%swap3A_1149, %swap3A_1150, %swap3A_1151, %swap3A_1152], %swap3A_1155 {strides = array<i32>} : memref<1x207x64x128xf32, #tpu.memory_space<vmem>>, vector<1x1x64x128xf32>,
    %get3A_1156 = arith.constant 82 : index
    %get3A_1157 = arith.constant 0 : index
    %get3A_1158 = vector.load %arg2[%get3A_1156, %get3A_1157] : memref<207x128xf32, #tpu.memory_space<vmem>>, vector<1x128xf32>
    %get3A_1159 = vector.shape_cast %get3A_1158 : vector<1x128xf32> to vector<128xf32>
    %broadcast_in_dim3A_1160 = vector.shape_cast %get3A_1159 : vector<128xf32> to vector<1x128xf32>
    %add3A_1161 = vector.broadcast %broadcast_in_dim3A_1160 : vector<1x128xf32> to vector<64x128xf32>
    %add3A_1162 = arith.addf %add3A_9, %add3A_1161 : vector<64x128xf32>
    %swap3A_1163 = arith.constant 0 : index
    %swap3A_1164 = arith.constant 82 : index
    %swap3A_1165 = arith.constant 0 : index
    %swap3A_1166 = arith.constant 0 : index
    %swap3A_1167 = vector.load %arg3[%swap3A_1163, %swap3A_1164, %swap3A_1165, %swap3A_1166] : memref<1x207x64x128xf32, #tpu.memory_space<vmem>>, vector<1x1x64x128xf32>
    %swap3A_1168 = vector.shape_cast %swap3A_1167 : vector<1x1x64x128xf32> to vector<64x128xf32>
    %swap3A_1169 = vector.shape_cast %add3A_1162 : vector<64x128xf32> to vector<1x1x64x128xf32>
    tpu.vector_store %arg3[%swap3A_1163, %swap3A_1164, %swap3A_1165, %swap3A_1166], %swap3A_1169 {strides = array<i32>} : memref<1x207x64x128xf32, #tpu.memory_space<vmem>>, vector<1x1x64x128xf32>,
    %get3A_1170 = arith.constant 83 : index
    %get3A_1171 = arith.constant 0 : index
    %get3A_1172 = vector.load %arg2[%get3A_1170, %get3A_1171] : memref<207x128xf32, #tpu.memory_space<vmem>>, vector<1x128xf32>
    %get3A_1173 = vector.shape_cast %get3A_1172 : vector<1x128xf32> to vector<128xf32>
    %broadcast_in_dim3A_1174 = vector.shape_cast %get3A_1173 : vector<128xf32> to vector<1x128xf32>
    %add3A_1175 = vector.broadcast %broadcast_in_dim3A_1174 : vector<1x128xf32> to vector<64x128xf32>
    %add3A_1176 = arith.addf %add3A_9, %add3A_1175 : vector<64x128xf32>
    %swap3A_1177 = arith.constant 0 : index
    %swap3A_1178 = arith.constant 83 : index
    %swap3A_1179 = arith.constant 0 : index
    %swap3A_1180 = arith.constant 0 : index
    %swap3A_1181 = vector.load %arg3[%swap3A_1177, %swap3A_1178, %swap3A_1179, %swap3A_1180] : memref<1x207x64x128xf32, #tpu.memory_space<vmem>>, vector<1x1x64x128xf32>
    %swap3A_1182 = vector.shape_cast %swap3A_1181 : vector<1x1x64x128xf32> to vector<64x128xf32>
    %swap3A_1183 = vector.shape_cast %add3A_1176 : vector<64x128xf32> to vector<1x1x64x128xf32>
    tpu.vector_store %arg3[%swap3A_1177, %swap3A_1178, %swap3A_1179, %swap3A_1180], %swap3A_1183 {strides = array<i32>} : memref<1x207x64x128xf32, #tpu.memory_space<vmem>>, vector<1x1x64x128xf32>,
    %get3A_1184 = arith.constant 84 : index
    %get3A_1185 = arith.constant 0 : index
    %get3A_1186 = vector.load %arg2[%get3A_1184, %get3A_1185] : memref<207x128xf32, #tpu.memory_space<vmem>>, vector<1x128xf32>
    %get3A_1187 = vector.shape_cast %get3A_1186 : vector<1x128xf32> to vector<128xf32>
    %broadcast_in_dim3A_1188 = vector.shape_cast %get3A_1187 : vector<128xf32> to vector<1x128xf32>
    %add3A_1189 = vector.broadcast %broadcast_in_dim3A_1188 : vector<1x128xf32> to vector<64x128xf32>
    %add3A_1190 = arith.addf %add3A_9, %add3A_1189 : vector<64x128xf32>
    %swap3A_1191 = arith.constant 0 : index
    %swap3A_1192 = arith.constant 84 : index
    %swap3A_1193 = arith.constant 0 : index
    %swap3A_1194 = arith.constant 0 : index
    %swap3A_1195 = vector.load %arg3[%swap3A_1191, %swap3A_1192, %swap3A_1193, %swap3A_1194] : memref<1x207x64x128xf32, #tpu.memory_space<vmem>>, vector<1x1x64x128xf32>
    %swap3A_1196 = vector.shape_cast %swap3A_1195 : vector<1x1x64x128xf32> to vector<64x128xf32>
    %swap3A_1197 = vector.shape_cast %add3A_1190 : vector<64x128xf32> to vector<1x1x64x128xf32>
    tpu.vector_store %arg3[%swap3A_1191, %swap3A_1192, %swap3A_1193, %swap3A_1194], %swap3A_1197 {strides = array<i32>} : memref<1x207x64x128xf32, #tpu.memory_space<vmem>>, vector<1x1x64x128xf32>,
    %get3A_1198 = arith.constant 85 : index
    %get3A_1199 = arith.constant 0 : index
    %get3A_1200 = vector.load %arg2[%get3A_1198, %get3A_1199] : memref<207x128xf32, #tpu.memory_space<vmem>>, vector<1x128xf32>
    %get3A_1201 = vector.shape_cast %get3A_1200 : vector<1x128xf32> to vector<128xf32>
    %broadcast_in_dim3A_1202 = vector.shape_cast %get3A_1201 : vector<128xf32> to vector<1x128xf32>
    %add3A_1203 = vector.broadcast %broadcast_in_dim3A_1202 : vector<1x128xf32> to vector<64x128xf32>
    %add3A_1204 = arith.addf %add3A_9, %add3A_1203 : vector<64x128xf32>
    %swap3A_1205 = arith.constant 0 : index
    %swap3A_1206 = arith.constant 85 : index
    %swap3A_1207 = arith.constant 0 : index
    %swap3A_1208 = arith.constant 0 : index
    %swap3A_1209 = vector.load %arg3[%swap3A_1205, %swap3A_1206, %swap3A_1207, %swap3A_1208] : memref<1x207x64x128xf32, #tpu.memory_space<vmem>>, vector<1x1x64x128xf32>
    %swap3A_1210 = vector.shape_cast %swap3A_1209 : vector<1x1x64x128xf32> to vector<64x128xf32>
    %swap3A_1211 = vector.shape_cast %add3A_1204 : vector<64x128xf32> to vector<1x1x64x128xf32>
    tpu.vector_store %arg3[%swap3A_1205, %swap3A_1206, %swap3A_1207, %swap3A_1208], %swap3A_1211 {strides = array<i32>} : memref<1x207x64x128xf32, #tpu.memory_space<vmem>>, vector<1x1x64x128xf32>,
    %get3A_1212 = arith.constant 86 : index
    %get3A_1213 = arith.constant 0 : index
    %get3A_1214 = vector.load %arg2[%get3A_1212, %get3A_1213] : memref<207x128xf32, #tpu.memory_space<vmem>>, vector<1x128xf32>
    %get3A_1215 = vector.shape_cast %get3A_1214 : vector<1x128xf32> to vector<128xf32>
    %broadcast_in_dim3A_1216 = vector.shape_cast %get3A_1215 : vector<128xf32> to vector<1x128xf32>
    %add3A_1217 = vector.broadcast %broadcast_in_dim3A_1216 : vector<1x128xf32> to vector<64x128xf32>
    %add3A_1218 = arith.addf %add3A_9, %add3A_1217 : vector<64x128xf32>
    %swap3A_1219 = arith.constant 0 : index
    %swap3A_1220 = arith.constant 86 : index
    %swap3A_1221 = arith.constant 0 : index
    %swap3A_1222 = arith.constant 0 : index
    %swap3A_1223 = vector.load %arg3[%swap3A_1219, %swap3A_1220, %swap3A_1221, %swap3A_1222] : memref<1x207x64x128xf32, #tpu.memory_space<vmem>>, vector<1x1x64x128xf32>
    %swap3A_1224 = vector.shape_cast %swap3A_1223 : vector<1x1x64x128xf32> to vector<64x128xf32>
    %swap3A_1225 = vector.shape_cast %add3A_1218 : vector<64x128xf32> to vector<1x1x64x128xf32>
    tpu.vector_store %arg3[%swap3A_1219, %swap3A_1220, %swap3A_1221, %swap3A_1222], %swap3A_1225 {strides = array<i32>} : memref<1x207x64x128xf32, #tpu.memory_space<vmem>>, vector<1x1x64x128xf32>,
    %get3A_1226 = arith.constant 87 : index
    %get3A_1227 = arith.constant 0 : index
    %get3A_1228 = vector.load %arg2[%get3A_1226, %get3A_1227] : memref<207x128xf32, #tpu.memory_space<vmem>>, vector<1x128xf32>
    %get3A_1229 = vector.shape_cast %get3A_1228 : vector<1x128xf32> to vector<128xf32>
    %broadcast_in_dim3A_1230 = vector.shape_cast %get3A_1229 : vector<128xf32> to vector<1x128xf32>
    %add3A_1231 = vector.broadcast %broadcast_in_dim3A_1230 : vector<1x128xf32> to vector<64x128xf32>
    %add3A_1232 = arith.addf %add3A_9, %add3A_1231 : vector<64x128xf32>
    %swap3A_1233 = arith.constant 0 : index
    %swap3A_1234 = arith.constant 87 : index
    %swap3A_1235 = arith.constant 0 : index
    %swap3A_1236 = arith.constant 0 : index
    %swap3A_1237 = vector.load %arg3[%swap3A_1233, %swap3A_1234, %swap3A_1235, %swap3A_1236] : memref<1x207x64x128xf32, #tpu.memory_space<vmem>>, vector<1x1x64x128xf32>
    %swap3A_1238 = vector.shape_cast %swap3A_1237 : vector<1x1x64x128xf32> to vector<64x128xf32>
    %swap3A_1239 = vector.shape_cast %add3A_1232 : vector<64x128xf32> to vector<1x1x64x128xf32>
    tpu.vector_store %arg3[%swap3A_1233, %swap3A_1234, %swap3A_1235, %swap3A_1236], %swap3A_1239 {strides = array<i32>} : memref<1x207x64x128xf32, #tpu.memory_space<vmem>>, vector<1x1x64x128xf32>,
    %get3A_1240 = arith.constant 88 : index
    %get3A_1241 = arith.constant 0 : index
    %get3A_1242 = vector.load %arg2[%get3A_1240, %get3A_1241] : memref<207x128xf32, #tpu.memory_space<vmem>>, vector<1x128xf32>
    %get3A_1243 = vector.shape_cast %get3A_1242 : vector<1x128xf32> to vector<128xf32>
    %broadcast_in_dim3A_1244 = vector.shape_cast %get3A_1243 : vector<128xf32> to vector<1x128xf32>
    %add3A_1245 = vector.broadcast %broadcast_in_dim3A_1244 : vector<1x128xf32> to vector<64x128xf32>
    %add3A_1246 = arith.addf %add3A_9, %add3A_1245 : vector<64x128xf32>
    %swap3A_1247 = arith.constant 0 : index
    %swap3A_1248 = arith.constant 88 : index
    %swap3A_1249 = arith.constant 0 : index
    %swap3A_1250 = arith.constant 0 : index
    %swap3A_1251 = vector.load %arg3[%swap3A_1247, %swap3A_1248, %swap3A_1249, %swap3A_1250] : memref<1x207x64x128xf32, #tpu.memory_space<vmem>>, vector<1x1x64x128xf32>
    %swap3A_1252 = vector.shape_cast %swap3A_1251 : vector<1x1x64x128xf32> to vector<64x128xf32>
    %swap3A_1253 = vector.shape_cast %add3A_1246 : vector<64x128xf32> to vector<1x1x64x128xf32>
    tpu.vector_store %arg3[%swap3A_1247, %swap3A_1248, %swap3A_1249, %swap3A_1250], %swap3A_1253 {strides = array<i32>} : memref<1x207x64x128xf32, #tpu.memory_space<vmem>>, vector<1x1x64x128xf32>,
    %get3A_1254 = arith.constant 89 : index
    %get3A_1255 = arith.constant 0 : index
    %get3A_1256 = vector.load %arg2[%get3A_1254, %get3A_1255] : memref<207x128xf32, #tpu.memory_space<vmem>>, vector<1x128xf32>
    %get3A_1257 = vector.shape_cast %get3A_1256 : vector<1x128xf32> to vector<128xf32>
    %broadcast_in_dim3A_1258 = vector.shape_cast %get3A_1257 : vector<128xf32> to vector<1x128xf32>
    %add3A_1259 = vector.broadcast %broadcast_in_dim3A_1258 : vector<1x128xf32> to vector<64x128xf32>
    %add3A_1260 = arith.addf %add3A_9, %add3A_1259 : vector<64x128xf32>
    %swap3A_1261 = arith.constant 0 : index
    %swap3A_1262 = arith.constant 89 : index
    %swap3A_1263 = arith.constant 0 : index
    %swap3A_1264 = arith.constant 0 : index
    %swap3A_1265 = vector.load %arg3[%swap3A_1261, %swap3A_1262, %swap3A_1263, %swap3A_1264] : memref<1x207x64x128xf32, #tpu.memory_space<vmem>>, vector<1x1x64x128xf32>
    %swap3A_1266 = vector.shape_cast %swap3A_1265 : vector<1x1x64x128xf32> to vector<64x128xf32>
    %swap3A_1267 = vector.shape_cast %add3A_1260 : vector<64x128xf32> to vector<1x1x64x128xf32>
    tpu.vector_store %arg3[%swap3A_1261, %swap3A_1262, %swap3A_1263, %swap3A_1264], %swap3A_1267 {strides = array<i32>} : memref<1x207x64x128xf32, #tpu.memory_space<vmem>>, vector<1x1x64x128xf32>,
    %get3A_1268 = arith.constant 90 : index
    %get3A_1269 = arith.constant 0 : index
    %get3A_1270 = vector.load %arg2[%get3A_1268, %get3A_1269] : memref<207x128xf32, #tpu.memory_space<vmem>>, vector<1x128xf32>
    %get3A_1271 = vector.shape_cast %get3A_1270 : vector<1x128xf32> to vector<128xf32>
    %broadcast_in_dim3A_1272 = vector.shape_cast %get3A_1271 : vector<128xf32> to vector<1x128xf32>
    %add3A_1273 = vector.broadcast %broadcast_in_dim3A_1272 : vector<1x128xf32> to vector<64x128xf32>
    %add3A_1274 = arith.addf %add3A_9, %add3A_1273 : vector<64x128xf32>
    %swap3A_1275 = arith.constant 0 : index
    %swap3A_1276 = arith.constant 90 : index
    %swap3A_1277 = arith.constant 0 : index
    %swap3A_1278 = arith.constant 0 : index
    %swap3A_1279 = vector.load %arg3[%swap3A_1275, %swap3A_1276, %swap3A_1277, %swap3A_1278] : memref<1x207x64x128xf32, #tpu.memory_space<vmem>>, vector<1x1x64x128xf32>
    %swap3A_1280 = vector.shape_cast %swap3A_1279 : vector<1x1x64x128xf32> to vector<64x128xf32>
    %swap3A_1281 = vector.shape_cast %add3A_1274 : vector<64x128xf32> to vector<1x1x64x128xf32>
    tpu.vector_store %arg3[%swap3A_1275, %swap3A_1276, %swap3A_1277, %swap3A_1278], %swap3A_1281 {strides = array<i32>} : memref<1x207x64x128xf32, #tpu.memory_space<vmem>>, vector<1x1x64x128xf32>,
    %get3A_1282 = arith.constant 91 : index
    %get3A_1283 = arith.constant 0 : index
    %get3A_1284 = vector.load %arg2[%get3A_1282, %get3A_1283] : memref<207x128xf32, #tpu.memory_space<vmem>>, vector<1x128xf32>
    %get3A_1285 = vector.shape_cast %get3A_1284 : vector<1x128xf32> to vector<128xf32>
    %broadcast_in_dim3A_1286 = vector.shape_cast %get3A_1285 : vector<128xf32> to vector<1x128xf32>
    %add3A_1287 = vector.broadcast %broadcast_in_dim3A_1286 : vector<1x128xf32> to vector<64x128xf32>
    %add3A_1288 = arith.addf %add3A_9, %add3A_1287 : vector<64x128xf32>
    %swap3A_1289 = arith.constant 0 : index
    %swap3A_1290 = arith.constant 91 : index
    %swap3A_1291 = arith.constant 0 : index
    %swap3A_1292 = arith.constant 0 : index
    %swap3A_1293 = vector.load %arg3[%swap3A_1289, %swap3A_1290, %swap3A_1291, %swap3A_1292] : memref<1x207x64x128xf32, #tpu.memory_space<vmem>>, vector<1x1x64x128xf32>
    %swap3A_1294 = vector.shape_cast %swap3A_1293 : vector<1x1x64x128xf32> to vector<64x128xf32>
    %swap3A_1295 = vector.shape_cast %add3A_1288 : vector<64x128xf32> to vector<1x1x64x128xf32>
    tpu.vector_store %arg3[%swap3A_1289, %swap3A_1290, %swap3A_1291, %swap3A_1292], %swap3A_1295 {strides = array<i32>} : memref<1x207x64x128xf32, #tpu.memory_space<vmem>>, vector<1x1x64x128xf32>,
    %get3A_1296 = arith.constant 92 : index
    %get3A_1297 = arith.constant 0 : index
    %get3A_1298 = vector.load %arg2[%get3A_1296, %get3A_1297] : memref<207x128xf32, #tpu.memory_space<vmem>>, vector<1x128xf32>
    %get3A_1299 = vector.shape_cast %get3A_1298 : vector<1x128xf32> to vector<128xf32>
    %broadcast_in_dim3A_1300 = vector.shape_cast %get3A_1299 : vector<128xf32> to vector<1x128xf32>
    %add3A_1301 = vector.broadcast %broadcast_in_dim3A_1300 : vector<1x128xf32> to vector<64x128xf32>
    %add3A_1302 = arith.addf %add3A_9, %add3A_1301 : vector<64x128xf32>
    %swap3A_1303 = arith.constant 0 : index
    %swap3A_1304 = arith.constant 92 : index
    %swap3A_1305 = arith.constant 0 : index
    %swap3A_1306 = arith.constant 0 : index
    %swap3A_1307 = vector.load %arg3[%swap3A_1303, %swap3A_1304, %swap3A_1305, %swap3A_1306] : memref<1x207x64x128xf32, #tpu.memory_space<vmem>>, vector<1x1x64x128xf32>
    %swap3A_1308 = vector.shape_cast %swap3A_1307 : vector<1x1x64x128xf32> to vector<64x128xf32>
    %swap3A_1309 = vector.shape_cast %add3A_1302 : vector<64x128xf32> to vector<1x1x64x128xf32>
    tpu.vector_store %arg3[%swap3A_1303, %swap3A_1304, %swap3A_1305, %swap3A_1306], %swap3A_1309 {strides = array<i32>} : memref<1x207x64x128xf32, #tpu.memory_space<vmem>>, vector<1x1x64x128xf32>,
    %get3A_1310 = arith.constant 93 : index
    %get3A_1311 = arith.constant 0 : index
    %get3A_1312 = vector.load %arg2[%get3A_1310, %get3A_1311] : memref<207x128xf32, #tpu.memory_space<vmem>>, vector<1x128xf32>
    %get3A_1313 = vector.shape_cast %get3A_1312 : vector<1x128xf32> to vector<128xf32>
    %broadcast_in_dim3A_1314 = vector.shape_cast %get3A_1313 : vector<128xf32> to vector<1x128xf32>
    %add3A_1315 = vector.broadcast %broadcast_in_dim3A_1314 : vector<1x128xf32> to vector<64x128xf32>
    %add3A_1316 = arith.addf %add3A_9, %add3A_1315 : vector<64x128xf32>
    %swap3A_1317 = arith.constant 0 : index
    %swap3A_1318 = arith.constant 93 : index
    %swap3A_1319 = arith.constant 0 : index
    %swap3A_1320 = arith.constant 0 : index
    %swap3A_1321 = vector.load %arg3[%swap3A_1317, %swap3A_1318, %swap3A_1319, %swap3A_1320] : memref<1x207x64x128xf32, #tpu.memory_space<vmem>>, vector<1x1x64x128xf32>
    %swap3A_1322 = vector.shape_cast %swap3A_1321 : vector<1x1x64x128xf32> to vector<64x128xf32>
    %swap3A_1323 = vector.shape_cast %add3A_1316 : vector<64x128xf32> to vector<1x1x64x128xf32>
    tpu.vector_store %arg3[%swap3A_1317, %swap3A_1318, %swap3A_1319, %swap3A_1320], %swap3A_1323 {strides = array<i32>} : memref<1x207x64x128xf32, #tpu.memory_space<vmem>>, vector<1x1x64x128xf32>,
    %get3A_1324 = arith.constant 94 : index
    %get3A_1325 = arith.constant 0 : index
    %get3A_1326 = vector.load %arg2[%get3A_1324, %get3A_1325] : memref<207x128xf32, #tpu.memory_space<vmem>>, vector<1x128xf32>
    %get3A_1327 = vector.shape_cast %get3A_1326 : vector<1x128xf32> to vector<128xf32>
    %broadcast_in_dim3A_1328 = vector.shape_cast %get3A_1327 : vector<128xf32> to vector<1x128xf32>
    %add3A_1329 = vector.broadcast %broadcast_in_dim3A_1328 : vector<1x128xf32> to vector<64x128xf32>
    %add3A_1330 = arith.addf %add3A_9, %add3A_1329 : vector<64x128xf32>
    %swap3A_1331 = arith.constant 0 : index
    %swap3A_1332 = arith.constant 94 : index
    %swap3A_1333 = arith.constant 0 : index
    %swap3A_1334 = arith.constant 0 : index
    %swap3A_1335 = vector.load %arg3[%swap3A_1331, %swap3A_1332, %swap3A_1333, %swap3A_1334] : memref<1x207x64x128xf32, #tpu.memory_space<vmem>>, vector<1x1x64x128xf32>
    %swap3A_1336 = vector.shape_cast %swap3A_1335 : vector<1x1x64x128xf32> to vector<64x128xf32>
    %swap3A_1337 = vector.shape_cast %add3A_1330 : vector<64x128xf32> to vector<1x1x64x128xf32>
    tpu.vector_store %arg3[%swap3A_1331, %swap3A_1332, %swap3A_1333, %swap3A_1334], %swap3A_1337 {strides = array<i32>} : memref<1x207x64x128xf32, #tpu.memory_space<vmem>>, vector<1x1x64x128xf32>,
    %get3A_1338 = arith.constant 95 : index
    %get3A_1339 = arith.constant 0 : index
    %get3A_1340 = vector.load %arg2[%get3A_1338, %get3A_1339] : memref<207x128xf32, #tpu.memory_space<vmem>>, vector<1x128xf32>
    %get3A_1341 = vector.shape_cast %get3A_1340 : vector<1x128xf32> to vector<128xf32>
    %broadcast_in_dim3A_1342 = vector.shape_cast %get3A_1341 : vector<128xf32> to vector<1x128xf32>
    %add3A_1343 = vector.broadcast %broadcast_in_dim3A_1342 : vector<1x128xf32> to vector<64x128xf32>
    %add3A_1344 = arith.addf %add3A_9, %add3A_1343 : vector<64x128xf32>
    %swap3A_1345 = arith.constant 0 : index
    %swap3A_1346 = arith.constant 95 : index
    %swap3A_1347 = arith.constant 0 : index
    %swap3A_1348 = arith.constant 0 : index
    %swap3A_1349 = vector.load %arg3[%swap3A_1345, %swap3A_1346, %swap3A_1347, %swap3A_1348] : memref<1x207x64x128xf32, #tpu.memory_space<vmem>>, vector<1x1x64x128xf32>
    %swap3A_1350 = vector.shape_cast %swap3A_1349 : vector<1x1x64x128xf32> to vector<64x128xf32>
    %swap3A_1351 = vector.shape_cast %add3A_1344 : vector<64x128xf32> to vector<1x1x64x128xf32>
    tpu.vector_store %arg3[%swap3A_1345, %swap3A_1346, %swap3A_1347, %swap3A_1348], %swap3A_1351 {strides = array<i32>} : memref<1x207x64x128xf32, #tpu.memory_space<vmem>>, vector<1x1x64x128xf32>,
    %get3A_1352 = arith.constant 96 : index
    %get3A_1353 = arith.constant 0 : index
    %get3A_1354 = vector.load %arg2[%get3A_1352, %get3A_1353] : memref<207x128xf32, #tpu.memory_space<vmem>>, vector<1x128xf32>
    %get3A_1355 = vector.shape_cast %get3A_1354 : vector<1x128xf32> to vector<128xf32>
    %broadcast_in_dim3A_1356 = vector.shape_cast %get3A_1355 : vector<128xf32> to vector<1x128xf32>
    %add3A_1357 = vector.broadcast %broadcast_in_dim3A_1356 : vector<1x128xf32> to vector<64x128xf32>
    %add3A_1358 = arith.addf %add3A_9, %add3A_1357 : vector<64x128xf32>
    %swap3A_1359 = arith.constant 0 : index
    %swap3A_1360 = arith.constant 96 : index
    %swap3A_1361 = arith.constant 0 : index
    %swap3A_1362 = arith.constant 0 : index
    %swap3A_1363 = vector.load %arg3[%swap3A_1359, %swap3A_1360, %swap3A_1361, %swap3A_1362] : memref<1x207x64x128xf32, #tpu.memory_space<vmem>>, vector<1x1x64x128xf32>
    %swap3A_1364 = vector.shape_cast %swap3A_1363 : vector<1x1x64x128xf32> to vector<64x128xf32>
    %swap3A_1365 = vector.shape_cast %add3A_1358 : vector<64x128xf32> to vector<1x1x64x128xf32>
    tpu.vector_store %arg3[%swap3A_1359, %swap3A_1360, %swap3A_1361, %swap3A_1362], %swap3A_1365 {strides = array<i32>} : memref<1x207x64x128xf32, #tpu.memory_space<vmem>>, vector<1x1x64x128xf32>,
    %get3A_1366 = arith.constant 97 : index
    %get3A_1367 = arith.constant 0 : index
    %get3A_1368 = vector.load %arg2[%get3A_1366, %get3A_1367] : memref<207x128xf32, #tpu.memory_space<vmem>>, vector<1x128xf32>
    %get3A_1369 = vector.shape_cast %get3A_1368 : vector<1x128xf32> to vector<128xf32>
    %broadcast_in_dim3A_1370 = vector.shape_cast %get3A_1369 : vector<128xf32> to vector<1x128xf32>
    %add3A_1371 = vector.broadcast %broadcast_in_dim3A_1370 : vector<1x128xf32> to vector<64x128xf32>
    %add3A_1372 = arith.addf %add3A_9, %add3A_1371 : vector<64x128xf32>
    %swap3A_1373 = arith.constant 0 : index
    %swap3A_1374 = arith.constant 97 : index
    %swap3A_1375 = arith.constant 0 : index
    %swap3A_1376 = arith.constant 0 : index
    %swap3A_1377 = vector.load %arg3[%swap3A_1373, %swap3A_1374, %swap3A_1375, %swap3A_1376] : memref<1x207x64x128xf32, #tpu.memory_space<vmem>>, vector<1x1x64x128xf32>
    %swap3A_1378 = vector.shape_cast %swap3A_1377 : vector<1x1x64x128xf32> to vector<64x128xf32>
    %swap3A_1379 = vector.shape_cast %add3A_1372 : vector<64x128xf32> to vector<1x1x64x128xf32>
    tpu.vector_store %arg3[%swap3A_1373, %swap3A_1374, %swap3A_1375, %swap3A_1376], %swap3A_1379 {strides = array<i32>} : memref<1x207x64x128xf32, #tpu.memory_space<vmem>>, vector<1x1x64x128xf32>,
    %get3A_1380 = arith.constant 98 : index
    %get3A_1381 = arith.constant 0 : index
    %get3A_1382 = vector.load %arg2[%get3A_1380, %get3A_1381] : memref<207x128xf32, #tpu.memory_space<vmem>>, vector<1x128xf32>
    %get3A_1383 = vector.shape_cast %get3A_1382 : vector<1x128xf32> to vector<128xf32>
    %broadcast_in_dim3A_1384 = vector.shape_cast %get3A_1383 : vector<128xf32> to vector<1x128xf32>
    %add3A_1385 = vector.broadcast %broadcast_in_dim3A_1384 : vector<1x128xf32> to vector<64x128xf32>
    %add3A_1386 = arith.addf %add3A_9, %add3A_1385 : vector<64x128xf32>
    %swap3A_1387 = arith.constant 0 : index
    %swap3A_1388 = arith.constant 98 : index
    %swap3A_1389 = arith.constant 0 : index
    %swap3A_1390 = arith.constant 0 : index
    %swap3A_1391 = vector.load %arg3[%swap3A_1387, %swap3A_1388, %swap3A_1389, %swap3A_1390] : memref<1x207x64x128xf32, #tpu.memory_space<vmem>>, vector<1x1x64x128xf32>
    %swap3A_1392 = vector.shape_cast %swap3A_1391 : vector<1x1x64x128xf32> to vector<64x128xf32>
    %swap3A_1393 = vector.shape_cast %add3A_1386 : vector<64x128xf32> to vector<1x1x64x128xf32>
    tpu.vector_store %arg3[%swap3A_1387, %swap3A_1388, %swap3A_1389, %swap3A_1390], %swap3A_1393 {strides = array<i32>} : memref<1x207x64x128xf32, #tpu.memory_space<vmem>>, vector<1x1x64x128xf32>,
    %get3A_1394 = arith.constant 99 : index
    %get3A_1395 = arith.constant 0 : index
    %get3A_1396 = vector.load %arg2[%get3A_1394, %get3A_1395] : memref<207x128xf32, #tpu.memory_space<vmem>>, vector<1x128xf32>
    %get3A_1397 = vector.shape_cast %get3A_1396 : vector<1x128xf32> to vector<128xf32>
    %broadcast_in_dim3A_1398 = vector.shape_cast %get3A_1397 : vector<128xf32> to vector<1x128xf32>
    %add3A_1399 = vector.broadcast %broadcast_in_dim3A_1398 : vector<1x128xf32> to vector<64x128xf32>
    %add3A_1400 = arith.addf %add3A_9, %add3A_1399 : vector<64x128xf32>
    %swap3A_1401 = arith.constant 0 : index
    %swap3A_1402 = arith.constant 99 : index
    %swap3A_1403 = arith.constant 0 : index
    %swap3A_1404 = arith.constant 0 : index
    %swap3A_1405 = vector.load %arg3[%swap3A_1401, %swap3A_1402, %swap3A_1403, %swap3A_1404] : memref<1x207x64x128xf32, #tpu.memory_space<vmem>>, vector<1x1x64x128xf32>
    %swap3A_1406 = vector.shape_cast %swap3A_1405 : vector<1x1x64x128xf32> to vector<64x128xf32>
    %swap3A_1407 = vector.shape_cast %add3A_1400 : vector<64x128xf32> to vector<1x1x64x128xf32>
    tpu.vector_store %arg3[%swap3A_1401, %swap3A_1402, %swap3A_1403, %swap3A_1404], %swap3A_1407 {strides = array<i32>} : memref<1x207x64x128xf32, #tpu.memory_space<vmem>>, vector<1x1x64x128xf32>,
    %get3A_1408 = arith.constant 100 : index
    %get3A_1409 = arith.constant 0 : index
    %get3A_1410 = vector.load %arg2[%get3A_1408, %get3A_1409] : memref<207x128xf32, #tpu.memory_space<vmem>>, vector<1x128xf32>
    %get3A_1411 = vector.shape_cast %get3A_1410 : vector<1x128xf32> to vector<128xf32>
    %broadcast_in_dim3A_1412 = vector.shape_cast %get3A_1411 : vector<128xf32> to vector<1x128xf32>
    %add3A_1413 = vector.broadcast %broadcast_in_dim3A_1412 : vector<1x128xf32> to vector<64x128xf32>
    %add3A_1414 = arith.addf %add3A_9, %add3A_1413 : vector<64x128xf32>
    %swap3A_1415 = arith.constant 0 : index
    %swap3A_1416 = arith.constant 100 : index
    %swap3A_1417 = arith.constant 0 : index
    %swap3A_1418 = arith.constant 0 : index
    %swap3A_1419 = vector.load %arg3[%swap3A_1415, %swap3A_1416, %swap3A_1417, %swap3A_1418] : memref<1x207x64x128xf32, #tpu.memory_space<vmem>>, vector<1x1x64x128xf32>
    %swap3A_1420 = vector.shape_cast %swap3A_1419 : vector<1x1x64x128xf32> to vector<64x128xf32>
    %swap3A_1421 = vector.shape_cast %add3A_1414 : vector<64x128xf32> to vector<1x1x64x128xf32>
    tpu.vector_store %arg3[%swap3A_1415, %swap3A_1416, %swap3A_1417, %swap3A_1418], %swap3A_1421 {strides = array<i32>} : memref<1x207x64x128xf32, #tpu.memory_space<vmem>>, vector<1x1x64x128xf32>,
    %get3A_1422 = arith.constant 101 : index
    %get3A_1423 = arith.constant 0 : index
    %get3A_1424 = vector.load %arg2[%get3A_1422, %get3A_1423] : memref<207x128xf32, #tpu.memory_space<vmem>>, vector<1x128xf32>
    %get3A_1425 = vector.shape_cast %get3A_1424 : vector<1x128xf32> to vector<128xf32>
    %broadcast_in_dim3A_1426 = vector.shape_cast %get3A_1425 : vector<128xf32> to vector<1x128xf32>
    %add3A_1427 = vector.broadcast %broadcast_in_dim3A_1426 : vector<1x128xf32> to vector<64x128xf32>
    %add3A_1428 = arith.addf %add3A_9, %add3A_1427 : vector<64x128xf32>
    %swap3A_1429 = arith.constant 0 : index
    %swap3A_1430 = arith.constant 101 : index
    %swap3A_1431 = arith.constant 0 : index
    %swap3A_1432 = arith.constant 0 : index
    %swap3A_1433 = vector.load %arg3[%swap3A_1429, %swap3A_1430, %swap3A_1431, %swap3A_1432] : memref<1x207x64x128xf32, #tpu.memory_space<vmem>>, vector<1x1x64x128xf32>
    %swap3A_1434 = vector.shape_cast %swap3A_1433 : vector<1x1x64x128xf32> to vector<64x128xf32>
    %swap3A_1435 = vector.shape_cast %add3A_1428 : vector<64x128xf32> to vector<1x1x64x128xf32>
    tpu.vector_store %arg3[%swap3A_1429, %swap3A_1430, %swap3A_1431, %swap3A_1432], %swap3A_1435 {strides = array<i32>} : memref<1x207x64x128xf32, #tpu.memory_space<vmem>>, vector<1x1x64x128xf32>,
    %get3A_1436 = arith.constant 102 : index
    %get3A_1437 = arith.constant 0 : index
    %get3A_1438 = vector.load %arg2[%get3A_1436, %get3A_1437] : memref<207x128xf32, #tpu.memory_space<vmem>>, vector<1x128xf32>
    %get3A_1439 = vector.shape_cast %get3A_1438 : vector<1x128xf32> to vector<128xf32>
    %broadcast_in_dim3A_1440 = vector.shape_cast %get3A_1439 : vector<128xf32> to vector<1x128xf32>
    %add3A_1441 = vector.broadcast %broadcast_in_dim3A_1440 : vector<1x128xf32> to vector<64x128xf32>
    %add3A_1442 = arith.addf %add3A_9, %add3A_1441 : vector<64x128xf32>
    %swap3A_1443 = arith.constant 0 : index
    %swap3A_1444 = arith.constant 102 : index
    %swap3A_1445 = arith.constant 0 : index
    %swap3A_1446 = arith.constant 0 : index
    %swap3A_1447 = vector.load %arg3[%swap3A_1443, %swap3A_1444, %swap3A_1445, %swap3A_1446] : memref<1x207x64x128xf32, #tpu.memory_space<vmem>>, vector<1x1x64x128xf32>
    %swap3A_1448 = vector.shape_cast %swap3A_1447 : vector<1x1x64x128xf32> to vector<64x128xf32>
    %swap3A_1449 = vector.shape_cast %add3A_1442 : vector<64x128xf32> to vector<1x1x64x128xf32>
    tpu.vector_store %arg3[%swap3A_1443, %swap3A_1444, %swap3A_1445, %swap3A_1446], %swap3A_1449 {strides = array<i32>} : memref<1x207x64x128xf32, #tpu.memory_space<vmem>>, vector<1x1x64x128xf32>,
    %get3A_1450 = arith.constant 103 : index
    %get3A_1451 = arith.constant 0 : index
    %get3A_1452 = vector.load %arg2[%get3A_1450, %get3A_1451] : memref<207x128xf32, #tpu.memory_space<vmem>>, vector<1x128xf32>
    %get3A_1453 = vector.shape_cast %get3A_1452 : vector<1x128xf32> to vector<128xf32>
    %broadcast_in_dim3A_1454 = vector.shape_cast %get3A_1453 : vector<128xf32> to vector<1x128xf32>
    %add3A_1455 = vector.broadcast %broadcast_in_dim3A_1454 : vector<1x128xf32> to vector<64x128xf32>
    %add3A_1456 = arith.addf %add3A_9, %add3A_1455 : vector<64x128xf32>
    %swap3A_1457 = arith.constant 0 : index
    %swap3A_1458 = arith.constant 103 : index
    %swap3A_1459 = arith.constant 0 : index
    %swap3A_1460 = arith.constant 0 : index
    %swap3A_1461 = vector.load %arg3[%swap3A_1457, %swap3A_1458, %swap3A_1459, %swap3A_1460] : memref<1x207x64x128xf32, #tpu.memory_space<vmem>>, vector<1x1x64x128xf32>
    %swap3A_1462 = vector.shape_cast %swap3A_1461 : vector<1x1x64x128xf32> to vector<64x128xf32>
    %swap3A_1463 = vector.shape_cast %add3A_1456 : vector<64x128xf32> to vector<1x1x64x128xf32>
    tpu.vector_store %arg3[%swap3A_1457, %swap3A_1458, %swap3A_1459, %swap3A_1460], %swap3A_1463 {strides = array<i32>} : memref<1x207x64x128xf32, #tpu.memory_space<vmem>>, vector<1x1x64x128xf32>,
    %get3A_1464 = arith.constant 104 : index
    %get3A_1465 = arith.constant 0 : index
    %get3A_1466 = vector.load %arg2[%get3A_1464, %get3A_1465] : memref<207x128xf32, #tpu.memory_space<vmem>>, vector<1x128xf32>
    %get3A_1467 = vector.shape_cast %get3A_1466 : vector<1x128xf32> to vector<128xf32>
    %broadcast_in_dim3A_1468 = vector.shape_cast %get3A_1467 : vector<128xf32> to vector<1x128xf32>
    %add3A_1469 = vector.broadcast %broadcast_in_dim3A_1468 : vector<1x128xf32> to vector<64x128xf32>
    %add3A_1470 = arith.addf %add3A_9, %add3A_1469 : vector<64x128xf32>
    %swap3A_1471 = arith.constant 0 : index
    %swap3A_1472 = arith.constant 104 : index
    %swap3A_1473 = arith.constant 0 : index
    %swap3A_1474 = arith.constant 0 : index
    %swap3A_1475 = vector.load %arg3[%swap3A_1471, %swap3A_1472, %swap3A_1473, %swap3A_1474] : memref<1x207x64x128xf32, #tpu.memory_space<vmem>>, vector<1x1x64x128xf32>
    %swap3A_1476 = vector.shape_cast %swap3A_1475 : vector<1x1x64x128xf32> to vector<64x128xf32>
    %swap3A_1477 = vector.shape_cast %add3A_1470 : vector<64x128xf32> to vector<1x1x64x128xf32>
    tpu.vector_store %arg3[%swap3A_1471, %swap3A_1472, %swap3A_1473, %swap3A_1474], %swap3A_1477 {strides = array<i32>} : memref<1x207x64x128xf32, #tpu.memory_space<vmem>>, vector<1x1x64x128xf32>,
    %get3A_1478 = arith.constant 105 : index
    %get3A_1479 = arith.constant 0 : index
    %get3A_1480 = vector.load %arg2[%get3A_1478, %get3A_1479] : memref<207x128xf32, #tpu.memory_space<vmem>>, vector<1x128xf32>
    %get3A_1481 = vector.shape_cast %get3A_1480 : vector<1x128xf32> to vector<128xf32>
    %broadcast_in_dim3A_1482 = vector.shape_cast %get3A_1481 : vector<128xf32> to vector<1x128xf32>
    %add3A_1483 = vector.broadcast %broadcast_in_dim3A_1482 : vector<1x128xf32> to vector<64x128xf32>
    %add3A_1484 = arith.addf %add3A_9, %add3A_1483 : vector<64x128xf32>
    %swap3A_1485 = arith.constant 0 : index
    %swap3A_1486 = arith.constant 105 : index
    %swap3A_1487 = arith.constant 0 : index
    %swap3A_1488 = arith.constant 0 : index
    %swap3A_1489 = vector.load %arg3[%swap3A_1485, %swap3A_1486, %swap3A_1487, %swap3A_1488] : memref<1x207x64x128xf32, #tpu.memory_space<vmem>>, vector<1x1x64x128xf32>
    %swap3A_1490 = vector.shape_cast %swap3A_1489 : vector<1x1x64x128xf32> to vector<64x128xf32>
    %swap3A_1491 = vector.shape_cast %add3A_1484 : vector<64x128xf32> to vector<1x1x64x128xf32>
    tpu.vector_store %arg3[%swap3A_1485, %swap3A_1486, %swap3A_1487, %swap3A_1488], %swap3A_1491 {strides = array<i32>} : memref<1x207x64x128xf32, #tpu.memory_space<vmem>>, vector<1x1x64x128xf32>,
    %get3A_1492 = arith.constant 106 : index
    %get3A_1493 = arith.constant 0 : index
    %get3A_1494 = vector.load %arg2[%get3A_1492, %get3A_1493] : memref<207x128xf32, #tpu.memory_space<vmem>>, vector<1x128xf32>
    %get3A_1495 = vector.shape_cast %get3A_1494 : vector<1x128xf32> to vector<128xf32>
    %broadcast_in_dim3A_1496 = vector.shape_cast %get3A_1495 : vector<128xf32> to vector<1x128xf32>
    %add3A_1497 = vector.broadcast %broadcast_in_dim3A_1496 : vector<1x128xf32> to vector<64x128xf32>
    %add3A_1498 = arith.addf %add3A_9, %add3A_1497 : vector<64x128xf32>
    %swap3A_1499 = arith.constant 0 : index
    %swap3A_1500 = arith.constant 106 : index
    %swap3A_1501 = arith.constant 0 : index
    %swap3A_1502 = arith.constant 0 : index
    %swap3A_1503 = vector.load %arg3[%swap3A_1499, %swap3A_1500, %swap3A_1501, %swap3A_1502] : memref<1x207x64x128xf32, #tpu.memory_space<vmem>>, vector<1x1x64x128xf32>
    %swap3A_1504 = vector.shape_cast %swap3A_1503 : vector<1x1x64x128xf32> to vector<64x128xf32>
    %swap3A_1505 = vector.shape_cast %add3A_1498 : vector<64x128xf32> to vector<1x1x64x128xf32>
    tpu.vector_store %arg3[%swap3A_1499, %swap3A_1500, %swap3A_1501, %swap3A_1502], %swap3A_1505 {strides = array<i32>} : memref<1x207x64x128xf32, #tpu.memory_space<vmem>>, vector<1x1x64x128xf32>,
    %get3A_1506 = arith.constant 107 : index
    %get3A_1507 = arith.constant 0 : index
    %get3A_1508 = vector.load %arg2[%get3A_1506, %get3A_1507] : memref<207x128xf32, #tpu.memory_space<vmem>>, vector<1x128xf32>
    %get3A_1509 = vector.shape_cast %get3A_1508 : vector<1x128xf32> to vector<128xf32>
    %broadcast_in_dim3A_1510 = vector.shape_cast %get3A_1509 : vector<128xf32> to vector<1x128xf32>
    %add3A_1511 = vector.broadcast %broadcast_in_dim3A_1510 : vector<1x128xf32> to vector<64x128xf32>
    %add3A_1512 = arith.addf %add3A_9, %add3A_1511 : vector<64x128xf32>
    %swap3A_1513 = arith.constant 0 : index
    %swap3A_1514 = arith.constant 107 : index
    %swap3A_1515 = arith.constant 0 : index
    %swap3A_1516 = arith.constant 0 : index
    %swap3A_1517 = vector.load %arg3[%swap3A_1513, %swap3A_1514, %swap3A_1515, %swap3A_1516] : memref<1x207x64x128xf32, #tpu.memory_space<vmem>>, vector<1x1x64x128xf32>
    %swap3A_1518 = vector.shape_cast %swap3A_1517 : vector<1x1x64x128xf32> to vector<64x128xf32>
    %swap3A_1519 = vector.shape_cast %add3A_1512 : vector<64x128xf32> to vector<1x1x64x128xf32>
    tpu.vector_store %arg3[%swap3A_1513, %swap3A_1514, %swap3A_1515, %swap3A_1516], %swap3A_1519 {strides = array<i32>} : memref<1x207x64x128xf32, #tpu.memory_space<vmem>>, vector<1x1x64x128xf32>,
    %get3A_1520 = arith.constant 108 : index
    %get3A_1521 = arith.constant 0 : index
    %get3A_1522 = vector.load %arg2[%get3A_1520, %get3A_1521] : memref<207x128xf32, #tpu.memory_space<vmem>>, vector<1x128xf32>
    %get3A_1523 = vector.shape_cast %get3A_1522 : vector<1x128xf32> to vector<128xf32>
    %broadcast_in_dim3A_1524 = vector.shape_cast %get3A_1523 : vector<128xf32> to vector<1x128xf32>
    %add3A_1525 = vector.broadcast %broadcast_in_dim3A_1524 : vector<1x128xf32> to vector<64x128xf32>
    %add3A_1526 = arith.addf %add3A_9, %add3A_1525 : vector<64x128xf32>
    %swap3A_1527 = arith.constant 0 : index
    %swap3A_1528 = arith.constant 108 : index
    %swap3A_1529 = arith.constant 0 : index
    %swap3A_1530 = arith.constant 0 : index
    %swap3A_1531 = vector.load %arg3[%swap3A_1527, %swap3A_1528, %swap3A_1529, %swap3A_1530] : memref<1x207x64x128xf32, #tpu.memory_space<vmem>>, vector<1x1x64x128xf32>
    %swap3A_1532 = vector.shape_cast %swap3A_1531 : vector<1x1x64x128xf32> to vector<64x128xf32>
    %swap3A_1533 = vector.shape_cast %add3A_1526 : vector<64x128xf32> to vector<1x1x64x128xf32>
    tpu.vector_store %arg3[%swap3A_1527, %swap3A_1528, %swap3A_1529, %swap3A_1530], %swap3A_1533 {strides = array<i32>} : memref<1x207x64x128xf32, #tpu.memory_space<vmem>>, vector<1x1x64x128xf32>,
    %get3A_1534 = arith.constant 109 : index
    %get3A_1535 = arith.constant 0 : index
    %get3A_1536 = vector.load %arg2[%get3A_1534, %get3A_1535] : memref<207x128xf32, #tpu.memory_space<vmem>>, vector<1x128xf32>
    %get3A_1537 = vector.shape_cast %get3A_1536 : vector<1x128xf32> to vector<128xf32>
    %broadcast_in_dim3A_1538 = vector.shape_cast %get3A_1537 : vector<128xf32> to vector<1x128xf32>
    %add3A_1539 = vector.broadcast %broadcast_in_dim3A_1538 : vector<1x128xf32> to vector<64x128xf32>
    %add3A_1540 = arith.addf %add3A_9, %add3A_1539 : vector<64x128xf32>
    %swap3A_1541 = arith.constant 0 : index
    %swap3A_1542 = arith.constant 109 : index
    %swap3A_1543 = arith.constant 0 : index
    %swap3A_1544 = arith.constant 0 : index
    %swap3A_1545 = vector.load %arg3[%swap3A_1541, %swap3A_1542, %swap3A_1543, %swap3A_1544] : memref<1x207x64x128xf32, #tpu.memory_space<vmem>>, vector<1x1x64x128xf32>
    %swap3A_1546 = vector.shape_cast %swap3A_1545 : vector<1x1x64x128xf32> to vector<64x128xf32>
    %swap3A_1547 = vector.shape_cast %add3A_1540 : vector<64x128xf32> to vector<1x1x64x128xf32>
    tpu.vector_store %arg3[%swap3A_1541, %swap3A_1542, %swap3A_1543, %swap3A_1544], %swap3A_1547 {strides = array<i32>} : memref<1x207x64x128xf32, #tpu.memory_space<vmem>>, vector<1x1x64x128xf32>,
    %get3A_1548 = arith.constant 110 : index
    %get3A_1549 = arith.constant 0 : index
    %get3A_1550 = vector.load %arg2[%get3A_1548, %get3A_1549] : memref<207x128xf32, #tpu.memory_space<vmem>>, vector<1x128xf32>
    %get3A_1551 = vector.shape_cast %get3A_1550 : vector<1x128xf32> to vector<128xf32>
    %broadcast_in_dim3A_1552 = vector.shape_cast %get3A_1551 : vector<128xf32> to vector<1x128xf32>
    %add3A_1553 = vector.broadcast %broadcast_in_dim3A_1552 : vector<1x128xf32> to vector<64x128xf32>
    %add3A_1554 = arith.addf %add3A_9, %add3A_1553 : vector<64x128xf32>
    %swap3A_1555 = arith.constant 0 : index
    %swap3A_1556 = arith.constant 110 : index
    %swap3A_1557 = arith.constant 0 : index
    %swap3A_1558 = arith.constant 0 : index
    %swap3A_1559 = vector.load %arg3[%swap3A_1555, %swap3A_1556, %swap3A_1557, %swap3A_1558] : memref<1x207x64x128xf32, #tpu.memory_space<vmem>>, vector<1x1x64x128xf32>
    %swap3A_1560 = vector.shape_cast %swap3A_1559 : vector<1x1x64x128xf32> to vector<64x128xf32>
    %swap3A_1561 = vector.shape_cast %add3A_1554 : vector<64x128xf32> to vector<1x1x64x128xf32>
    tpu.vector_store %arg3[%swap3A_1555, %swap3A_1556, %swap3A_1557, %swap3A_1558], %swap3A_1561 {strides = array<i32>} : memref<1x207x64x128xf32, #tpu.memory_space<vmem>>, vector<1x1x64x128xf32>,
    %get3A_1562 = arith.constant 111 : index
    %get3A_1563 = arith.constant 0 : index
    %get3A_1564 = vector.load %arg2[%get3A_1562, %get3A_1563] : memref<207x128xf32, #tpu.memory_space<vmem>>, vector<1x128xf32>
    %get3A_1565 = vector.shape_cast %get3A_1564 : vector<1x128xf32> to vector<128xf32>
    %broadcast_in_dim3A_1566 = vector.shape_cast %get3A_1565 : vector<128xf32> to vector<1x128xf32>
    %add3A_1567 = vector.broadcast %broadcast_in_dim3A_1566 : vector<1x128xf32> to vector<64x128xf32>
    %add3A_1568 = arith.addf %add3A_9, %add3A_1567 : vector<64x128xf32>
    %swap3A_1569 = arith.constant 0 : index
    %swap3A_1570 = arith.constant 111 : index
    %swap3A_1571 = arith.constant 0 : index
    %swap3A_1572 = arith.constant 0 : index
    %swap3A_1573 = vector.load %arg3[%swap3A_1569, %swap3A_1570, %swap3A_1571, %swap3A_1572] : memref<1x207x64x128xf32, #tpu.memory_space<vmem>>, vector<1x1x64x128xf32>
    %swap3A_1574 = vector.shape_cast %swap3A_1573 : vector<1x1x64x128xf32> to vector<64x128xf32>
    %swap3A_1575 = vector.shape_cast %add3A_1568 : vector<64x128xf32> to vector<1x1x64x128xf32>
    tpu.vector_store %arg3[%swap3A_1569, %swap3A_1570, %swap3A_1571, %swap3A_1572], %swap3A_1575 {strides = array<i32>} : memref<1x207x64x128xf32, #tpu.memory_space<vmem>>, vector<1x1x64x128xf32>,
    %get3A_1576 = arith.constant 112 : index
    %get3A_1577 = arith.constant 0 : index
    %get3A_1578 = vector.load %arg2[%get3A_1576, %get3A_1577] : memref<207x128xf32, #tpu.memory_space<vmem>>, vector<1x128xf32>
    %get3A_1579 = vector.shape_cast %get3A_1578 : vector<1x128xf32> to vector<128xf32>
    %broadcast_in_dim3A_1580 = vector.shape_cast %get3A_1579 : vector<128xf32> to vector<1x128xf32>
    %add3A_1581 = vector.broadcast %broadcast_in_dim3A_1580 : vector<1x128xf32> to vector<64x128xf32>
    %add3A_1582 = arith.addf %add3A_9, %add3A_1581 : vector<64x128xf32>
    %swap3A_1583 = arith.constant 0 : index
    %swap3A_1584 = arith.constant 112 : index
    %swap3A_1585 = arith.constant 0 : index
    %swap3A_1586 = arith.constant 0 : index
    %swap3A_1587 = vector.load %arg3[%swap3A_1583, %swap3A_1584, %swap3A_1585, %swap3A_1586] : memref<1x207x64x128xf32, #tpu.memory_space<vmem>>, vector<1x1x64x128xf32>
    %swap3A_1588 = vector.shape_cast %swap3A_1587 : vector<1x1x64x128xf32> to vector<64x128xf32>
    %swap3A_1589 = vector.shape_cast %add3A_1582 : vector<64x128xf32> to vector<1x1x64x128xf32>
    tpu.vector_store %arg3[%swap3A_1583, %swap3A_1584, %swap3A_1585, %swap3A_1586], %swap3A_1589 {strides = array<i32>} : memref<1x207x64x128xf32, #tpu.memory_space<vmem>>, vector<1x1x64x128xf32>,
    %get3A_1590 = arith.constant 113 : index
    %get3A_1591 = arith.constant 0 : index
    %get3A_1592 = vector.load %arg2[%get3A_1590, %get3A_1591] : memref<207x128xf32, #tpu.memory_space<vmem>>, vector<1x128xf32>
    %get3A_1593 = vector.shape_cast %get3A_1592 : vector<1x128xf32> to vector<128xf32>
    %broadcast_in_dim3A_1594 = vector.shape_cast %get3A_1593 : vector<128xf32> to vector<1x128xf32>
    %add3A_1595 = vector.broadcast %broadcast_in_dim3A_1594 : vector<1x128xf32> to vector<64x128xf32>
    %add3A_1596 = arith.addf %add3A_9, %add3A_1595 : vector<64x128xf32>
    %swap3A_1597 = arith.constant 0 : index
    %swap3A_1598 = arith.constant 113 : index
    %swap3A_1599 = arith.constant 0 : index
    %swap3A_1600 = arith.constant 0 : index
    %swap3A_1601 = vector.load %arg3[%swap3A_1597, %swap3A_1598, %swap3A_1599, %swap3A_1600] : memref<1x207x64x128xf32, #tpu.memory_space<vmem>>, vector<1x1x64x128xf32>
    %swap3A_1602 = vector.shape_cast %swap3A_1601 : vector<1x1x64x128xf32> to vector<64x128xf32>
    %swap3A_1603 = vector.shape_cast %add3A_1596 : vector<64x128xf32> to vector<1x1x64x128xf32>
    tpu.vector_store %arg3[%swap3A_1597, %swap3A_1598, %swap3A_1599, %swap3A_1600], %swap3A_1603 {strides = array<i32>} : memref<1x207x64x128xf32, #tpu.memory_space<vmem>>, vector<1x1x64x128xf32>,
    %get3A_1604 = arith.constant 114 : index
    %get3A_1605 = arith.constant 0 : index
    %get3A_1606 = vector.load %arg2[%get3A_1604, %get3A_1605] : memref<207x128xf32, #tpu.memory_space<vmem>>, vector<1x128xf32>
    %get3A_1607 = vector.shape_cast %get3A_1606 : vector<1x128xf32> to vector<128xf32>
    %broadcast_in_dim3A_1608 = vector.shape_cast %get3A_1607 : vector<128xf32> to vector<1x128xf32>
    %add3A_1609 = vector.broadcast %broadcast_in_dim3A_1608 : vector<1x128xf32> to vector<64x128xf32>
    %add3A_1610 = arith.addf %add3A_9, %add3A_1609 : vector<64x128xf32>
    %swap3A_1611 = arith.constant 0 : index
    %swap3A_1612 = arith.constant 114 : index
    %swap3A_1613 = arith.constant 0 : index
    %swap3A_1614 = arith.constant 0 : index
    %swap3A_1615 = vector.load %arg3[%swap3A_1611, %swap3A_1612, %swap3A_1613, %swap3A_1614] : memref<1x207x64x128xf32, #tpu.memory_space<vmem>>, vector<1x1x64x128xf32>
    %swap3A_1616 = vector.shape_cast %swap3A_1615 : vector<1x1x64x128xf32> to vector<64x128xf32>
    %swap3A_1617 = vector.shape_cast %add3A_1610 : vector<64x128xf32> to vector<1x1x64x128xf32>
    tpu.vector_store %arg3[%swap3A_1611, %swap3A_1612, %swap3A_1613, %swap3A_1614], %swap3A_1617 {strides = array<i32>} : memref<1x207x64x128xf32, #tpu.memory_space<vmem>>, vector<1x1x64x128xf32>,
    %get3A_1618 = arith.constant 115 : index
    %get3A_1619 = arith.constant 0 : index
    %get3A_1620 = vector.load %arg2[%get3A_1618, %get3A_1619] : memref<207x128xf32, #tpu.memory_space<vmem>>, vector<1x128xf32>
    %get3A_1621 = vector.shape_cast %get3A_1620 : vector<1x128xf32> to vector<128xf32>
    %broadcast_in_dim3A_1622 = vector.shape_cast %get3A_1621 : vector<128xf32> to vector<1x128xf32>
    %add3A_1623 = vector.broadcast %broadcast_in_dim3A_1622 : vector<1x128xf32> to vector<64x128xf32>
    %add3A_1624 = arith.addf %add3A_9, %add3A_1623 : vector<64x128xf32>
    %swap3A_1625 = arith.constant 0 : index
    %swap3A_1626 = arith.constant 115 : index
    %swap3A_1627 = arith.constant 0 : index
    %swap3A_1628 = arith.constant 0 : index
    %swap3A_1629 = vector.load %arg3[%swap3A_1625, %swap3A_1626, %swap3A_1627, %swap3A_1628] : memref<1x207x64x128xf32, #tpu.memory_space<vmem>>, vector<1x1x64x128xf32>
    %swap3A_1630 = vector.shape_cast %swap3A_1629 : vector<1x1x64x128xf32> to vector<64x128xf32>
    %swap3A_1631 = vector.shape_cast %add3A_1624 : vector<64x128xf32> to vector<1x1x64x128xf32>
    tpu.vector_store %arg3[%swap3A_1625, %swap3A_1626, %swap3A_1627, %swap3A_1628], %swap3A_1631 {strides = array<i32>} : memref<1x207x64x128xf32, #tpu.memory_space<vmem>>, vector<1x1x64x128xf32>,
    %get3A_1632 = arith.constant 116 : index
    %get3A_1633 = arith.constant 0 : index
    %get3A_1634 = vector.load %arg2[%get3A_1632, %get3A_1633] : memref<207x128xf32, #tpu.memory_space<vmem>>, vector<1x128xf32>
    %get3A_1635 = vector.shape_cast %get3A_1634 : vector<1x128xf32> to vector<128xf32>
    %broadcast_in_dim3A_1636 = vector.shape_cast %get3A_1635 : vector<128xf32> to vector<1x128xf32>
    %add3A_1637 = vector.broadcast %broadcast_in_dim3A_1636 : vector<1x128xf32> to vector<64x128xf32>
    %add3A_1638 = arith.addf %add3A_9, %add3A_1637 : vector<64x128xf32>
    %swap3A_1639 = arith.constant 0 : index
    %swap3A_1640 = arith.constant 116 : index
    %swap3A_1641 = arith.constant 0 : index
    %swap3A_1642 = arith.constant 0 : index
    %swap3A_1643 = vector.load %arg3[%swap3A_1639, %swap3A_1640, %swap3A_1641, %swap3A_1642] : memref<1x207x64x128xf32, #tpu.memory_space<vmem>>, vector<1x1x64x128xf32>
    %swap3A_1644 = vector.shape_cast %swap3A_1643 : vector<1x1x64x128xf32> to vector<64x128xf32>
    %swap3A_1645 = vector.shape_cast %add3A_1638 : vector<64x128xf32> to vector<1x1x64x128xf32>
    tpu.vector_store %arg3[%swap3A_1639, %swap3A_1640, %swap3A_1641, %swap3A_1642], %swap3A_1645 {strides = array<i32>} : memref<1x207x64x128xf32, #tpu.memory_space<vmem>>, vector<1x1x64x128xf32>,
    %get3A_1646 = arith.constant 117 : index
    %get3A_1647 = arith.constant 0 : index
    %get3A_1648 = vector.load %arg2[%get3A_1646, %get3A_1647] : memref<207x128xf32, #tpu.memory_space<vmem>>, vector<1x128xf32>
    %get3A_1649 = vector.shape_cast %get3A_1648 : vector<1x128xf32> to vector<128xf32>
    %broadcast_in_dim3A_1650 = vector.shape_cast %get3A_1649 : vector<128xf32> to vector<1x128xf32>
    %add3A_1651 = vector.broadcast %broadcast_in_dim3A_1650 : vector<1x128xf32> to vector<64x128xf32>
    %add3A_1652 = arith.addf %add3A_9, %add3A_1651 : vector<64x128xf32>
    %swap3A_1653 = arith.constant 0 : index
    %swap3A_1654 = arith.constant 117 : index
    %swap3A_1655 = arith.constant 0 : index
    %swap3A_1656 = arith.constant 0 : index
    %swap3A_1657 = vector.load %arg3[%swap3A_1653, %swap3A_1654, %swap3A_1655, %swap3A_1656] : memref<1x207x64x128xf32, #tpu.memory_space<vmem>>, vector<1x1x64x128xf32>
    %swap3A_1658 = vector.shape_cast %swap3A_1657 : vector<1x1x64x128xf32> to vector<64x128xf32>
    %swap3A_1659 = vector.shape_cast %add3A_1652 : vector<64x128xf32> to vector<1x1x64x128xf32>
    tpu.vector_store %arg3[%swap3A_1653, %swap3A_1654, %swap3A_1655, %swap3A_1656], %swap3A_1659 {strides = array<i32>} : memref<1x207x64x128xf32, #tpu.memory_space<vmem>>, vector<1x1x64x128xf32>,
    %get3A_1660 = arith.constant 118 : index
    %get3A_1661 = arith.constant 0 : index
    %get3A_1662 = vector.load %arg2[%get3A_1660, %get3A_1661] : memref<207x128xf32, #tpu.memory_space<vmem>>, vector<1x128xf32>
    %get3A_1663 = vector.shape_cast %get3A_1662 : vector<1x128xf32> to vector<128xf32>
    %broadcast_in_dim3A_1664 = vector.shape_cast %get3A_1663 : vector<128xf32> to vector<1x128xf32>
    %add3A_1665 = vector.broadcast %broadcast_in_dim3A_1664 : vector<1x128xf32> to vector<64x128xf32>
    %add3A_1666 = arith.addf %add3A_9, %add3A_1665 : vector<64x128xf32>
    %swap3A_1667 = arith.constant 0 : index
    %swap3A_1668 = arith.constant 118 : index
    %swap3A_1669 = arith.constant 0 : index
    %swap3A_1670 = arith.constant 0 : index
    %swap3A_1671 = vector.load %arg3[%swap3A_1667, %swap3A_1668, %swap3A_1669, %swap3A_1670] : memref<1x207x64x128xf32, #tpu.memory_space<vmem>>, vector<1x1x64x128xf32>
    %swap3A_1672 = vector.shape_cast %swap3A_1671 : vector<1x1x64x128xf32> to vector<64x128xf32>
    %swap3A_1673 = vector.shape_cast %add3A_1666 : vector<64x128xf32> to vector<1x1x64x128xf32>
    tpu.vector_store %arg3[%swap3A_1667, %swap3A_1668, %swap3A_1669, %swap3A_1670], %swap3A_1673 {strides = array<i32>} : memref<1x207x64x128xf32, #tpu.memory_space<vmem>>, vector<1x1x64x128xf32>,
    %get3A_1674 = arith.constant 119 : index
    %get3A_1675 = arith.constant 0 : index
    %get3A_1676 = vector.load %arg2[%get3A_1674, %get3A_1675] : memref<207x128xf32, #tpu.memory_space<vmem>>, vector<1x128xf32>
    %get3A_1677 = vector.shape_cast %get3A_1676 : vector<1x128xf32> to vector<128xf32>
    %broadcast_in_dim3A_1678 = vector.shape_cast %get3A_1677 : vector<128xf32> to vector<1x128xf32>
    %add3A_1679 = vector.broadcast %broadcast_in_dim3A_1678 : vector<1x128xf32> to vector<64x128xf32>
    %add3A_1680 = arith.addf %add3A_9, %add3A_1679 : vector<64x128xf32>
    %swap3A_1681 = arith.constant 0 : index
    %swap3A_1682 = arith.constant 119 : index
    %swap3A_1683 = arith.constant 0 : index
    %swap3A_1684 = arith.constant 0 : index
    %swap3A_1685 = vector.load %arg3[%swap3A_1681, %swap3A_1682, %swap3A_1683, %swap3A_1684] : memref<1x207x64x128xf32, #tpu.memory_space<vmem>>, vector<1x1x64x128xf32>
    %swap3A_1686 = vector.shape_cast %swap3A_1685 : vector<1x1x64x128xf32> to vector<64x128xf32>
    %swap3A_1687 = vector.shape_cast %add3A_1680 : vector<64x128xf32> to vector<1x1x64x128xf32>
    tpu.vector_store %arg3[%swap3A_1681, %swap3A_1682, %swap3A_1683, %swap3A_1684], %swap3A_1687 {strides = array<i32>} : memref<1x207x64x128xf32, #tpu.memory_space<vmem>>, vector<1x1x64x128xf32>,
    %get3A_1688 = arith.constant 120 : index
    %get3A_1689 = arith.constant 0 : index
    %get3A_1690 = vector.load %arg2[%get3A_1688, %get3A_1689] : memref<207x128xf32, #tpu.memory_space<vmem>>, vector<1x128xf32>
    %get3A_1691 = vector.shape_cast %get3A_1690 : vector<1x128xf32> to vector<128xf32>
    %broadcast_in_dim3A_1692 = vector.shape_cast %get3A_1691 : vector<128xf32> to vector<1x128xf32>
    %add3A_1693 = vector.broadcast %broadcast_in_dim3A_1692 : vector<1x128xf32> to vector<64x128xf32>
    %add3A_1694 = arith.addf %add3A_9, %add3A_1693 : vector<64x128xf32>
    %swap3A_1695 = arith.constant 0 : index
    %swap3A_1696 = arith.constant 120 : index
    %swap3A_1697 = arith.constant 0 : index
    %swap3A_1698 = arith.constant 0 : index
    %swap3A_1699 = vector.load %arg3[%swap3A_1695, %swap3A_1696, %swap3A_1697, %swap3A_1698] : memref<1x207x64x128xf32, #tpu.memory_space<vmem>>, vector<1x1x64x128xf32>
    %swap3A_1700 = vector.shape_cast %swap3A_1699 : vector<1x1x64x128xf32> to vector<64x128xf32>
    %swap3A_1701 = vector.shape_cast %add3A_1694 : vector<64x128xf32> to vector<1x1x64x128xf32>
    tpu.vector_store %arg3[%swap3A_1695, %swap3A_1696, %swap3A_1697, %swap3A_1698], %swap3A_1701 {strides = array<i32>} : memref<1x207x64x128xf32, #tpu.memory_space<vmem>>, vector<1x1x64x128xf32>,
    %get3A_1702 = arith.constant 121 : index
    %get3A_1703 = arith.constant 0 : index
    %get3A_1704 = vector.load %arg2[%get3A_1702, %get3A_1703] : memref<207x128xf32, #tpu.memory_space<vmem>>, vector<1x128xf32>
    %get3A_1705 = vector.shape_cast %get3A_1704 : vector<1x128xf32> to vector<128xf32>
    %broadcast_in_dim3A_1706 = vector.shape_cast %get3A_1705 : vector<128xf32> to vector<1x128xf32>
    %add3A_1707 = vector.broadcast %broadcast_in_dim3A_1706 : vector<1x128xf32> to vector<64x128xf32>
    %add3A_1708 = arith.addf %add3A_9, %add3A_1707 : vector<64x128xf32>
    %swap3A_1709 = arith.constant 0 : index
    %swap3A_1710 = arith.constant 121 : index
    %swap3A_1711 = arith.constant 0 : index
    %swap3A_1712 = arith.constant 0 : index
    %swap3A_1713 = vector.load %arg3[%swap3A_1709, %swap3A_1710, %swap3A_1711, %swap3A_1712] : memref<1x207x64x128xf32, #tpu.memory_space<vmem>>, vector<1x1x64x128xf32>
    %swap3A_1714 = vector.shape_cast %swap3A_1713 : vector<1x1x64x128xf32> to vector<64x128xf32>
    %swap3A_1715 = vector.shape_cast %add3A_1708 : vector<64x128xf32> to vector<1x1x64x128xf32>
    tpu.vector_store %arg3[%swap3A_1709, %swap3A_1710, %swap3A_1711, %swap3A_1712], %swap3A_1715 {strides = array<i32>} : memref<1x207x64x128xf32, #tpu.memory_space<vmem>>, vector<1x1x64x128xf32>,
    %get3A_1716 = arith.constant 122 : index
    %get3A_1717 = arith.constant 0 : index
    %get3A_1718 = vector.load %arg2[%get3A_1716, %get3A_1717] : memref<207x128xf32, #tpu.memory_space<vmem>>, vector<1x128xf32>
    %get3A_1719 = vector.shape_cast %get3A_1718 : vector<1x128xf32> to vector<128xf32>
    %broadcast_in_dim3A_1720 = vector.shape_cast %get3A_1719 : vector<128xf32> to vector<1x128xf32>
    %add3A_1721 = vector.broadcast %broadcast_in_dim3A_1720 : vector<1x128xf32> to vector<64x128xf32>
    %add3A_1722 = arith.addf %add3A_9, %add3A_1721 : vector<64x128xf32>
    %swap3A_1723 = arith.constant 0 : index
    %swap3A_1724 = arith.constant 122 : index
    %swap3A_1725 = arith.constant 0 : index
    %swap3A_1726 = arith.constant 0 : index
    %swap3A_1727 = vector.load %arg3[%swap3A_1723, %swap3A_1724, %swap3A_1725, %swap3A_1726] : memref<1x207x64x128xf32, #tpu.memory_space<vmem>>, vector<1x1x64x128xf32>
    %swap3A_1728 = vector.shape_cast %swap3A_1727 : vector<1x1x64x128xf32> to vector<64x128xf32>
    %swap3A_1729 = vector.shape_cast %add3A_1722 : vector<64x128xf32> to vector<1x1x64x128xf32>
    tpu.vector_store %arg3[%swap3A_1723, %swap3A_1724, %swap3A_1725, %swap3A_1726], %swap3A_1729 {strides = array<i32>} : memref<1x207x64x128xf32, #tpu.memory_space<vmem>>, vector<1x1x64x128xf32>,
    %get3A_1730 = arith.constant 123 : index
    %get3A_1731 = arith.constant 0 : index
    %get3A_1732 = vector.load %arg2[%get3A_1730, %get3A_1731] : memref<207x128xf32, #tpu.memory_space<vmem>>, vector<1x128xf32>
    %get3A_1733 = vector.shape_cast %get3A_1732 : vector<1x128xf32> to vector<128xf32>
    %broadcast_in_dim3A_1734 = vector.shape_cast %get3A_1733 : vector<128xf32> to vector<1x128xf32>
    %add3A_1735 = vector.broadcast %broadcast_in_dim3A_1734 : vector<1x128xf32> to vector<64x128xf32>
    %add3A_1736 = arith.addf %add3A_9, %add3A_1735 : vector<64x128xf32>
    %swap3A_1737 = arith.constant 0 : index
    %swap3A_1738 = arith.constant 123 : index
    %swap3A_1739 = arith.constant 0 : index
    %swap3A_1740 = arith.constant 0 : index
    %swap3A_1741 = vector.load %arg3[%swap3A_1737, %swap3A_1738, %swap3A_1739, %swap3A_1740] : memref<1x207x64x128xf32, #tpu.memory_space<vmem>>, vector<1x1x64x128xf32>
    %swap3A_1742 = vector.shape_cast %swap3A_1741 : vector<1x1x64x128xf32> to vector<64x128xf32>
    %swap3A_1743 = vector.shape_cast %add3A_1736 : vector<64x128xf32> to vector<1x1x64x128xf32>
    tpu.vector_store %arg3[%swap3A_1737, %swap3A_1738, %swap3A_1739, %swap3A_1740], %swap3A_1743 {strides = array<i32>} : memref<1x207x64x128xf32, #tpu.memory_space<vmem>>, vector<1x1x64x128xf32>,
    %get3A_1744 = arith.constant 124 : index
    %get3A_1745 = arith.constant 0 : index
    %get3A_1746 = vector.load %arg2[%get3A_1744, %get3A_1745] : memref<207x128xf32, #tpu.memory_space<vmem>>, vector<1x128xf32>
    %get3A_1747 = vector.shape_cast %get3A_1746 : vector<1x128xf32> to vector<128xf32>
    %broadcast_in_dim3A_1748 = vector.shape_cast %get3A_1747 : vector<128xf32> to vector<1x128xf32>
    %add3A_1749 = vector.broadcast %broadcast_in_dim3A_1748 : vector<1x128xf32> to vector<64x128xf32>
    %add3A_1750 = arith.addf %add3A_9, %add3A_1749 : vector<64x128xf32>
    %swap3A_1751 = arith.constant 0 : index
    %swap3A_1752 = arith.constant 124 : index
    %swap3A_1753 = arith.constant 0 : index
    %swap3A_1754 = arith.constant 0 : index
    %swap3A_1755 = vector.load %arg3[%swap3A_1751, %swap3A_1752, %swap3A_1753, %swap3A_1754] : memref<1x207x64x128xf32, #tpu.memory_space<vmem>>, vector<1x1x64x128xf32>
    %swap3A_1756 = vector.shape_cast %swap3A_1755 : vector<1x1x64x128xf32> to vector<64x128xf32>
    %swap3A_1757 = vector.shape_cast %add3A_1750 : vector<64x128xf32> to vector<1x1x64x128xf32>
    tpu.vector_store %arg3[%swap3A_1751, %swap3A_1752, %swap3A_1753, %swap3A_1754], %swap3A_1757 {strides = array<i32>} : memref<1x207x64x128xf32, #tpu.memory_space<vmem>>, vector<1x1x64x128xf32>,
    %get3A_1758 = arith.constant 125 : index
    %get3A_1759 = arith.constant 0 : index
    %get3A_1760 = vector.load %arg2[%get3A_1758, %get3A_1759] : memref<207x128xf32, #tpu.memory_space<vmem>>, vector<1x128xf32>
    %get3A_1761 = vector.shape_cast %get3A_1760 : vector<1x128xf32> to vector<128xf32>
    %broadcast_in_dim3A_1762 = vector.shape_cast %get3A_1761 : vector<128xf32> to vector<1x128xf32>
    %add3A_1763 = vector.broadcast %broadcast_in_dim3A_1762 : vector<1x128xf32> to vector<64x128xf32>
    %add3A_1764 = arith.addf %add3A_9, %add3A_1763 : vector<64x128xf32>
    %swap3A_1765 = arith.constant 0 : index
    %swap3A_1766 = arith.constant 125 : index
    %swap3A_1767 = arith.constant 0 : index
    %swap3A_1768 = arith.constant 0 : index
    %swap3A_1769 = vector.load %arg3[%swap3A_1765, %swap3A_1766, %swap3A_1767, %swap3A_1768] : memref<1x207x64x128xf32, #tpu.memory_space<vmem>>, vector<1x1x64x128xf32>
    %swap3A_1770 = vector.shape_cast %swap3A_1769 : vector<1x1x64x128xf32> to vector<64x128xf32>
    %swap3A_1771 = vector.shape_cast %add3A_1764 : vector<64x128xf32> to vector<1x1x64x128xf32>
    tpu.vector_store %arg3[%swap3A_1765, %swap3A_1766, %swap3A_1767, %swap3A_1768], %swap3A_1771 {strides = array<i32>} : memref<1x207x64x128xf32, #tpu.memory_space<vmem>>, vector<1x1x64x128xf32>,
    %get3A_1772 = arith.constant 126 : index
    %get3A_1773 = arith.constant 0 : index
    %get3A_1774 = vector.load %arg2[%get3A_1772, %get3A_1773] : memref<207x128xf32, #tpu.memory_space<vmem>>, vector<1x128xf32>
    %get3A_1775 = vector.shape_cast %get3A_1774 : vector<1x128xf32> to vector<128xf32>
    %broadcast_in_dim3A_1776 = vector.shape_cast %get3A_1775 : vector<128xf32> to vector<1x128xf32>
    %add3A_1777 = vector.broadcast %broadcast_in_dim3A_1776 : vector<1x128xf32> to vector<64x128xf32>
    %add3A_1778 = arith.addf %add3A_9, %add3A_1777 : vector<64x128xf32>
    %swap3A_1779 = arith.constant 0 : index
    %swap3A_1780 = arith.constant 126 : index
    %swap3A_1781 = arith.constant 0 : index
    %swap3A_1782 = arith.constant 0 : index
    %swap3A_1783 = vector.load %arg3[%swap3A_1779, %swap3A_1780, %swap3A_1781, %swap3A_1782] : memref<1x207x64x128xf32, #tpu.memory_space<vmem>>, vector<1x1x64x128xf32>
    %swap3A_1784 = vector.shape_cast %swap3A_1783 : vector<1x1x64x128xf32> to vector<64x128xf32>
    %swap3A_1785 = vector.shape_cast %add3A_1778 : vector<64x128xf32> to vector<1x1x64x128xf32>
    tpu.vector_store %arg3[%swap3A_1779, %swap3A_1780, %swap3A_1781, %swap3A_1782], %swap3A_1785 {strides = array<i32>} : memref<1x207x64x128xf32, #tpu.memory_space<vmem>>, vector<1x1x64x128xf32>,
    %get3A_1786 = arith.constant 127 : index
    %get3A_1787 = arith.constant 0 : index
    %get3A_1788 = vector.load %arg2[%get3A_1786, %get3A_1787] : memref<207x128xf32, #tpu.memory_space<vmem>>, vector<1x128xf32>
    %get3A_1789 = vector.shape_cast %get3A_1788 : vector<1x128xf32> to vector<128xf32>
    %broadcast_in_dim3A_1790 = vector.shape_cast %get3A_1789 : vector<128xf32> to vector<1x128xf32>
    %add3A_1791 = vector.broadcast %broadcast_in_dim3A_1790 : vector<1x128xf32> to vector<64x128xf32>
    %add3A_1792 = arith.addf %add3A_9, %add3A_1791 : vector<64x128xf32>
    %swap3A_1793 = arith.constant 0 : index
    %swap3A_1794 = arith.constant 127 : index
    %swap3A_1795 = arith.constant 0 : index
    %swap3A_1796 = arith.constant 0 : index
    %swap3A_1797 = vector.load %arg3[%swap3A_1793, %swap3A_1794, %swap3A_1795, %swap3A_1796] : memref<1x207x64x128xf32, #tpu.memory_space<vmem>>, vector<1x1x64x128xf32>
    %swap3A_1798 = vector.shape_cast %swap3A_1797 : vector<1x1x64x128xf32> to vector<64x128xf32>
    %swap3A_1799 = vector.shape_cast %add3A_1792 : vector<64x128xf32> to vector<1x1x64x128xf32>
    tpu.vector_store %arg3[%swap3A_1793, %swap3A_1794, %swap3A_1795, %swap3A_1796], %swap3A_1799 {strides = array<i32>} : memref<1x207x64x128xf32, #tpu.memory_space<vmem>>, vector<1x1x64x128xf32>,
    %get3A_1800 = arith.constant 128 : index
    %get3A_1801 = arith.constant 0 : index
    %get3A_1802 = vector.load %arg2[%get3A_1800, %get3A_1801] : memref<207x128xf32, #tpu.memory_space<vmem>>, vector<1x128xf32>
    %get3A_1803 = vector.shape_cast %get3A_1802 : vector<1x128xf32> to vector<128xf32>
    %broadcast_in_dim3A_1804 = vector.shape_cast %get3A_1803 : vector<128xf32> to vector<1x128xf32>
    %add3A_1805 = vector.broadcast %broadcast_in_dim3A_1804 : vector<1x128xf32> to vector<64x128xf32>
    %add3A_1806 = arith.addf %add3A_9, %add3A_1805 : vector<64x128xf32>
    %swap3A_1807 = arith.constant 0 : index
    %swap3A_1808 = arith.constant 128 : index
    %swap3A_1809 = arith.constant 0 : index
    %swap3A_1810 = arith.constant 0 : index
    %swap3A_1811 = vector.load %arg3[%swap3A_1807, %swap3A_1808, %swap3A_1809, %swap3A_1810] : memref<1x207x64x128xf32, #tpu.memory_space<vmem>>, vector<1x1x64x128xf32>
    %swap3A_1812 = vector.shape_cast %swap3A_1811 : vector<1x1x64x128xf32> to vector<64x128xf32>
    %swap3A_1813 = vector.shape_cast %add3A_1806 : vector<64x128xf32> to vector<1x1x64x128xf32>
    tpu.vector_store %arg3[%swap3A_1807, %swap3A_1808, %swap3A_1809, %swap3A_1810], %swap3A_1813 {strides = array<i32>} : memref<1x207x64x128xf32, #tpu.memory_space<vmem>>, vector<1x1x64x128xf32>,
    %get3A_1814 = arith.constant 129 : index
    %get3A_1815 = arith.constant 0 : index
    %get3A_1816 = vector.load %arg2[%get3A_1814, %get3A_1815] : memref<207x128xf32, #tpu.memory_space<vmem>>, vector<1x128xf32>
    %get3A_1817 = vector.shape_cast %get3A_1816 : vector<1x128xf32> to vector<128xf32>
    %broadcast_in_dim3A_1818 = vector.shape_cast %get3A_1817 : vector<128xf32> to vector<1x128xf32>
    %add3A_1819 = vector.broadcast %broadcast_in_dim3A_1818 : vector<1x128xf32> to vector<64x128xf32>
    %add3A_1820 = arith.addf %add3A_9, %add3A_1819 : vector<64x128xf32>
    %swap3A_1821 = arith.constant 0 : index
    %swap3A_1822 = arith.constant 129 : index
    %swap3A_1823 = arith.constant 0 : index
    %swap3A_1824 = arith.constant 0 : index
    %swap3A_1825 = vector.load %arg3[%swap3A_1821, %swap3A_1822, %swap3A_1823, %swap3A_1824] : memref<1x207x64x128xf32, #tpu.memory_space<vmem>>, vector<1x1x64x128xf32>
    %swap3A_1826 = vector.shape_cast %swap3A_1825 : vector<1x1x64x128xf32> to vector<64x128xf32>
    %swap3A_1827 = vector.shape_cast %add3A_1820 : vector<64x128xf32> to vector<1x1x64x128xf32>
    tpu.vector_store %arg3[%swap3A_1821, %swap3A_1822, %swap3A_1823, %swap3A_1824], %swap3A_1827 {strides = array<i32>} : memref<1x207x64x128xf32, #tpu.memory_space<vmem>>, vector<1x1x64x128xf32>,
    %get3A_1828 = arith.constant 130 : index
    %get3A_1829 = arith.constant 0 : index
    %get3A_1830 = vector.load %arg2[%get3A_1828, %get3A_1829] : memref<207x128xf32, #tpu.memory_space<vmem>>, vector<1x128xf32>
    %get3A_1831 = vector.shape_cast %get3A_1830 : vector<1x128xf32> to vector<128xf32>
    %broadcast_in_dim3A_1832 = vector.shape_cast %get3A_1831 : vector<128xf32> to vector<1x128xf32>
    %add3A_1833 = vector.broadcast %broadcast_in_dim3A_1832 : vector<1x128xf32> to vector<64x128xf32>
    %add3A_1834 = arith.addf %add3A_9, %add3A_1833 : vector<64x128xf32>
    %swap3A_1835 = arith.constant 0 : index
    %swap3A_1836 = arith.constant 130 : index
    %swap3A_1837 = arith.constant 0 : index
    %swap3A_1838 = arith.constant 0 : index
    %swap3A_1839 = vector.load %arg3[%swap3A_1835, %swap3A_1836, %swap3A_1837, %swap3A_1838] : memref<1x207x64x128xf32, #tpu.memory_space<vmem>>, vector<1x1x64x128xf32>
    %swap3A_1840 = vector.shape_cast %swap3A_1839 : vector<1x1x64x128xf32> to vector<64x128xf32>
    %swap3A_1841 = vector.shape_cast %add3A_1834 : vector<64x128xf32> to vector<1x1x64x128xf32>
    tpu.vector_store %arg3[%swap3A_1835, %swap3A_1836, %swap3A_1837, %swap3A_1838], %swap3A_1841 {strides = array<i32>} : memref<1x207x64x128xf32, #tpu.memory_space<vmem>>, vector<1x1x64x128xf32>,
    %get3A_1842 = arith.constant 131 : index
    %get3A_1843 = arith.constant 0 : index
    %get3A_1844 = vector.load %arg2[%get3A_1842, %get3A_1843] : memref<207x128xf32, #tpu.memory_space<vmem>>, vector<1x128xf32>
    %get3A_1845 = vector.shape_cast %get3A_1844 : vector<1x128xf32> to vector<128xf32>
    %broadcast_in_dim3A_1846 = vector.shape_cast %get3A_1845 : vector<128xf32> to vector<1x128xf32>
    %add3A_1847 = vector.broadcast %broadcast_in_dim3A_1846 : vector<1x128xf32> to vector<64x128xf32>
    %add3A_1848 = arith.addf %add3A_9, %add3A_1847 : vector<64x128xf32>
    %swap3A_1849 = arith.constant 0 : index
    %swap3A_1850 = arith.constant 131 : index
    %swap3A_1851 = arith.constant 0 : index
    %swap3A_1852 = arith.constant 0 : index
    %swap3A_1853 = vector.load %arg3[%swap3A_1849, %swap3A_1850, %swap3A_1851, %swap3A_1852] : memref<1x207x64x128xf32, #tpu.memory_space<vmem>>, vector<1x1x64x128xf32>
    %swap3A_1854 = vector.shape_cast %swap3A_1853 : vector<1x1x64x128xf32> to vector<64x128xf32>
    %swap3A_1855 = vector.shape_cast %add3A_1848 : vector<64x128xf32> to vector<1x1x64x128xf32>
    tpu.vector_store %arg3[%swap3A_1849, %swap3A_1850, %swap3A_1851, %swap3A_1852], %swap3A_1855 {strides = array<i32>} : memref<1x207x64x128xf32, #tpu.memory_space<vmem>>, vector<1x1x64x128xf32>,
    %get3A_1856 = arith.constant 132 : index
    %get3A_1857 = arith.constant 0 : index
    %get3A_1858 = vector.load %arg2[%get3A_1856, %get3A_1857] : memref<207x128xf32, #tpu.memory_space<vmem>>, vector<1x128xf32>
    %get3A_1859 = vector.shape_cast %get3A_1858 : vector<1x128xf32> to vector<128xf32>
    %broadcast_in_dim3A_1860 = vector.shape_cast %get3A_1859 : vector<128xf32> to vector<1x128xf32>
    %add3A_1861 = vector.broadcast %broadcast_in_dim3A_1860 : vector<1x128xf32> to vector<64x128xf32>
    %add3A_1862 = arith.addf %add3A_9, %add3A_1861 : vector<64x128xf32>
    %swap3A_1863 = arith.constant 0 : index
    %swap3A_1864 = arith.constant 132 : index
    %swap3A_1865 = arith.constant 0 : index
    %swap3A_1866 = arith.constant 0 : index
    %swap3A_1867 = vector.load %arg3[%swap3A_1863, %swap3A_1864, %swap3A_1865, %swap3A_1866] : memref<1x207x64x128xf32, #tpu.memory_space<vmem>>, vector<1x1x64x128xf32>
    %swap3A_1868 = vector.shape_cast %swap3A_1867 : vector<1x1x64x128xf32> to vector<64x128xf32>
    %swap3A_1869 = vector.shape_cast %add3A_1862 : vector<64x128xf32> to vector<1x1x64x128xf32>
    tpu.vector_store %arg3[%swap3A_1863, %swap3A_1864, %swap3A_1865, %swap3A_1866], %swap3A_1869 {strides = array<i32>} : memref<1x207x64x128xf32, #tpu.memory_space<vmem>>, vector<1x1x64x128xf32>,
    %get3A_1870 = arith.constant 133 : index
    %get3A_1871 = arith.constant 0 : index
    %get3A_1872 = vector.load %arg2[%get3A_1870, %get3A_1871] : memref<207x128xf32, #tpu.memory_space<vmem>>, vector<1x128xf32>
    %get3A_1873 = vector.shape_cast %get3A_1872 : vector<1x128xf32> to vector<128xf32>
    %broadcast_in_dim3A_1874 = vector.shape_cast %get3A_1873 : vector<128xf32> to vector<1x128xf32>
    %add3A_1875 = vector.broadcast %broadcast_in_dim3A_1874 : vector<1x128xf32> to vector<64x128xf32>
    %add3A_1876 = arith.addf %add3A_9, %add3A_1875 : vector<64x128xf32>
    %swap3A_1877 = arith.constant 0 : index
    %swap3A_1878 = arith.constant 133 : index
    %swap3A_1879 = arith.constant 0 : index
    %swap3A_1880 = arith.constant 0 : index
    %swap3A_1881 = vector.load %arg3[%swap3A_1877, %swap3A_1878, %swap3A_1879, %swap3A_1880] : memref<1x207x64x128xf32, #tpu.memory_space<vmem>>, vector<1x1x64x128xf32>
    %swap3A_1882 = vector.shape_cast %swap3A_1881 : vector<1x1x64x128xf32> to vector<64x128xf32>
    %swap3A_1883 = vector.shape_cast %add3A_1876 : vector<64x128xf32> to vector<1x1x64x128xf32>
    tpu.vector_store %arg3[%swap3A_1877, %swap3A_1878, %swap3A_1879, %swap3A_1880], %swap3A_1883 {strides = array<i32>} : memref<1x207x64x128xf32, #tpu.memory_space<vmem>>, vector<1x1x64x128xf32>,
    %get3A_1884 = arith.constant 134 : index
    %get3A_1885 = arith.constant 0 : index
    %get3A_1886 = vector.load %arg2[%get3A_1884, %get3A_1885] : memref<207x128xf32, #tpu.memory_space<vmem>>, vector<1x128xf32>
    %get3A_1887 = vector.shape_cast %get3A_1886 : vector<1x128xf32> to vector<128xf32>
    %broadcast_in_dim3A_1888 = vector.shape_cast %get3A_1887 : vector<128xf32> to vector<1x128xf32>
    %add3A_1889 = vector.broadcast %broadcast_in_dim3A_1888 : vector<1x128xf32> to vector<64x128xf32>
    %add3A_1890 = arith.addf %add3A_9, %add3A_1889 : vector<64x128xf32>
    %swap3A_1891 = arith.constant 0 : index
    %swap3A_1892 = arith.constant 134 : index
    %swap3A_1893 = arith.constant 0 : index
    %swap3A_1894 = arith.constant 0 : index
    %swap3A_1895 = vector.load %arg3[%swap3A_1891, %swap3A_1892, %swap3A_1893, %swap3A_1894] : memref<1x207x64x128xf32, #tpu.memory_space<vmem>>, vector<1x1x64x128xf32>
    %swap3A_1896 = vector.shape_cast %swap3A_1895 : vector<1x1x64x128xf32> to vector<64x128xf32>
    %swap3A_1897 = vector.shape_cast %add3A_1890 : vector<64x128xf32> to vector<1x1x64x128xf32>
    tpu.vector_store %arg3[%swap3A_1891, %swap3A_1892, %swap3A_1893, %swap3A_1894], %swap3A_1897 {strides = array<i32>} : memref<1x207x64x128xf32, #tpu.memory_space<vmem>>, vector<1x1x64x128xf32>,
    %get3A_1898 = arith.constant 135 : index
    %get3A_1899 = arith.constant 0 : index
    %get3A_1900 = vector.load %arg2[%get3A_1898, %get3A_1899] : memref<207x128xf32, #tpu.memory_space<vmem>>, vector<1x128xf32>
    %get3A_1901 = vector.shape_cast %get3A_1900 : vector<1x128xf32> to vector<128xf32>
    %broadcast_in_dim3A_1902 = vector.shape_cast %get3A_1901 : vector<128xf32> to vector<1x128xf32>
    %add3A_1903 = vector.broadcast %broadcast_in_dim3A_1902 : vector<1x128xf32> to vector<64x128xf32>
    %add3A_1904 = arith.addf %add3A_9, %add3A_1903 : vector<64x128xf32>
    %swap3A_1905 = arith.constant 0 : index
    %swap3A_1906 = arith.constant 135 : index
    %swap3A_1907 = arith.constant 0 : index
    %swap3A_1908 = arith.constant 0 : index
    %swap3A_1909 = vector.load %arg3[%swap3A_1905, %swap3A_1906, %swap3A_1907, %swap3A_1908] : memref<1x207x64x128xf32, #tpu.memory_space<vmem>>, vector<1x1x64x128xf32>
    %swap3A_1910 = vector.shape_cast %swap3A_1909 : vector<1x1x64x128xf32> to vector<64x128xf32>
    %swap3A_1911 = vector.shape_cast %add3A_1904 : vector<64x128xf32> to vector<1x1x64x128xf32>
    tpu.vector_store %arg3[%swap3A_1905, %swap3A_1906, %swap3A_1907, %swap3A_1908], %swap3A_1911 {strides = array<i32>} : memref<1x207x64x128xf32, #tpu.memory_space<vmem>>, vector<1x1x64x128xf32>,
    %get3A_1912 = arith.constant 136 : index
    %get3A_1913 = arith.constant 0 : index
    %get3A_1914 = vector.load %arg2[%get3A_1912, %get3A_1913] : memref<207x128xf32, #tpu.memory_space<vmem>>, vector<1x128xf32>
    %get3A_1915 = vector.shape_cast %get3A_1914 : vector<1x128xf32> to vector<128xf32>
    %broadcast_in_dim3A_1916 = vector.shape_cast %get3A_1915 : vector<128xf32> to vector<1x128xf32>
    %add3A_1917 = vector.broadcast %broadcast_in_dim3A_1916 : vector<1x128xf32> to vector<64x128xf32>
    %add3A_1918 = arith.addf %add3A_9, %add3A_1917 : vector<64x128xf32>
    %swap3A_1919 = arith.constant 0 : index
    %swap3A_1920 = arith.constant 136 : index
    %swap3A_1921 = arith.constant 0 : index
    %swap3A_1922 = arith.constant 0 : index
    %swap3A_1923 = vector.load %arg3[%swap3A_1919, %swap3A_1920, %swap3A_1921, %swap3A_1922] : memref<1x207x64x128xf32, #tpu.memory_space<vmem>>, vector<1x1x64x128xf32>
    %swap3A_1924 = vector.shape_cast %swap3A_1923 : vector<1x1x64x128xf32> to vector<64x128xf32>
    %swap3A_1925 = vector.shape_cast %add3A_1918 : vector<64x128xf32> to vector<1x1x64x128xf32>
    tpu.vector_store %arg3[%swap3A_1919, %swap3A_1920, %swap3A_1921, %swap3A_1922], %swap3A_1925 {strides = array<i32>} : memref<1x207x64x128xf32, #tpu.memory_space<vmem>>, vector<1x1x64x128xf32>,
    %get3A_1926 = arith.constant 137 : index
    %get3A_1927 = arith.constant 0 : index
    %get3A_1928 = vector.load %arg2[%get3A_1926, %get3A_1927] : memref<207x128xf32, #tpu.memory_space<vmem>>, vector<1x128xf32>
    %get3A_1929 = vector.shape_cast %get3A_1928 : vector<1x128xf32> to vector<128xf32>
    %broadcast_in_dim3A_1930 = vector.shape_cast %get3A_1929 : vector<128xf32> to vector<1x128xf32>
    %add3A_1931 = vector.broadcast %broadcast_in_dim3A_1930 : vector<1x128xf32> to vector<64x128xf32>
    %add3A_1932 = arith.addf %add3A_9, %add3A_1931 : vector<64x128xf32>
    %swap3A_1933 = arith.constant 0 : index
    %swap3A_1934 = arith.constant 137 : index
    %swap3A_1935 = arith.constant 0 : index
    %swap3A_1936 = arith.constant 0 : index
    %swap3A_1937 = vector.load %arg3[%swap3A_1933, %swap3A_1934, %swap3A_1935, %swap3A_1936] : memref<1x207x64x128xf32, #tpu.memory_space<vmem>>, vector<1x1x64x128xf32>
    %swap3A_1938 = vector.shape_cast %swap3A_1937 : vector<1x1x64x128xf32> to vector<64x128xf32>
    %swap3A_1939 = vector.shape_cast %add3A_1932 : vector<64x128xf32> to vector<1x1x64x128xf32>
    tpu.vector_store %arg3[%swap3A_1933, %swap3A_1934, %swap3A_1935, %swap3A_1936], %swap3A_1939 {strides = array<i32>} : memref<1x207x64x128xf32, #tpu.memory_space<vmem>>, vector<1x1x64x128xf32>,
    %get3A_1940 = arith.constant 138 : index
    %get3A_1941 = arith.constant 0 : index
    %get3A_1942 = vector.load %arg2[%get3A_1940, %get3A_1941] : memref<207x128xf32, #tpu.memory_space<vmem>>, vector<1x128xf32>
    %get3A_1943 = vector.shape_cast %get3A_1942 : vector<1x128xf32> to vector<128xf32>
    %broadcast_in_dim3A_1944 = vector.shape_cast %get3A_1943 : vector<128xf32> to vector<1x128xf32>
    %add3A_1945 = vector.broadcast %broadcast_in_dim3A_1944 : vector<1x128xf32> to vector<64x128xf32>
    %add3A_1946 = arith.addf %add3A_9, %add3A_1945 : vector<64x128xf32>
    %swap3A_1947 = arith.constant 0 : index
    %swap3A_1948 = arith.constant 138 : index
    %swap3A_1949 = arith.constant 0 : index
    %swap3A_1950 = arith.constant 0 : index
    %swap3A_1951 = vector.load %arg3[%swap3A_1947, %swap3A_1948, %swap3A_1949, %swap3A_1950] : memref<1x207x64x128xf32, #tpu.memory_space<vmem>>, vector<1x1x64x128xf32>
    %swap3A_1952 = vector.shape_cast %swap3A_1951 : vector<1x1x64x128xf32> to vector<64x128xf32>
    %swap3A_1953 = vector.shape_cast %add3A_1946 : vector<64x128xf32> to vector<1x1x64x128xf32>
    tpu.vector_store %arg3[%swap3A_1947, %swap3A_1948, %swap3A_1949, %swap3A_1950], %swap3A_1953 {strides = array<i32>} : memref<1x207x64x128xf32, #tpu.memory_space<vmem>>, vector<1x1x64x128xf32>,
    %get3A_1954 = arith.constant 139 : index
    %get3A_1955 = arith.constant 0 : index
    %get3A_1956 = vector.load %arg2[%get3A_1954, %get3A_1955] : memref<207x128xf32, #tpu.memory_space<vmem>>, vector<1x128xf32>
    %get3A_1957 = vector.shape_cast %get3A_1956 : vector<1x128xf32> to vector<128xf32>
    %broadcast_in_dim3A_1958 = vector.shape_cast %get3A_1957 : vector<128xf32> to vector<1x128xf32>
    %add3A_1959 = vector.broadcast %broadcast_in_dim3A_1958 : vector<1x128xf32> to vector<64x128xf32>
    %add3A_1960 = arith.addf %add3A_9, %add3A_1959 : vector<64x128xf32>
    %swap3A_1961 = arith.constant 0 : index
    %swap3A_1962 = arith.constant 139 : index
    %swap3A_1963 = arith.constant 0 : index
    %swap3A_1964 = arith.constant 0 : index
    %swap3A_1965 = vector.load %arg3[%swap3A_1961, %swap3A_1962, %swap3A_1963, %swap3A_1964] : memref<1x207x64x128xf32, #tpu.memory_space<vmem>>, vector<1x1x64x128xf32>
    %swap3A_1966 = vector.shape_cast %swap3A_1965 : vector<1x1x64x128xf32> to vector<64x128xf32>
    %swap3A_1967 = vector.shape_cast %add3A_1960 : vector<64x128xf32> to vector<1x1x64x128xf32>
    tpu.vector_store %arg3[%swap3A_1961, %swap3A_1962, %swap3A_1963, %swap3A_1964], %swap3A_1967 {strides = array<i32>} : memref<1x207x64x128xf32, #tpu.memory_space<vmem>>, vector<1x1x64x128xf32>,
    %get3A_1968 = arith.constant 140 : index
    %get3A_1969 = arith.constant 0 : index
    %get3A_1970 = vector.load %arg2[%get3A_1968, %get3A_1969] : memref<207x128xf32, #tpu.memory_space<vmem>>, vector<1x128xf32>
    %get3A_1971 = vector.shape_cast %get3A_1970 : vector<1x128xf32> to vector<128xf32>
    %broadcast_in_dim3A_1972 = vector.shape_cast %get3A_1971 : vector<128xf32> to vector<1x128xf32>
    %add3A_1973 = vector.broadcast %broadcast_in_dim3A_1972 : vector<1x128xf32> to vector<64x128xf32>
    %add3A_1974 = arith.addf %add3A_9, %add3A_1973 : vector<64x128xf32>
    %swap3A_1975 = arith.constant 0 : index
    %swap3A_1976 = arith.constant 140 : index
    %swap3A_1977 = arith.constant 0 : index
    %swap3A_1978 = arith.constant 0 : index
    %swap3A_1979 = vector.load %arg3[%swap3A_1975, %swap3A_1976, %swap3A_1977, %swap3A_1978] : memref<1x207x64x128xf32, #tpu.memory_space<vmem>>, vector<1x1x64x128xf32>
    %swap3A_1980 = vector.shape_cast %swap3A_1979 : vector<1x1x64x128xf32> to vector<64x128xf32>
    %swap3A_1981 = vector.shape_cast %add3A_1974 : vector<64x128xf32> to vector<1x1x64x128xf32>
    tpu.vector_store %arg3[%swap3A_1975, %swap3A_1976, %swap3A_1977, %swap3A_1978], %swap3A_1981 {strides = array<i32>} : memref<1x207x64x128xf32, #tpu.memory_space<vmem>>, vector<1x1x64x128xf32>,
    %get3A_1982 = arith.constant 141 : index
    %get3A_1983 = arith.constant 0 : index
    %get3A_1984 = vector.load %arg2[%get3A_1982, %get3A_1983] : memref<207x128xf32, #tpu.memory_space<vmem>>, vector<1x128xf32>
    %get3A_1985 = vector.shape_cast %get3A_1984 : vector<1x128xf32> to vector<128xf32>
    %broadcast_in_dim3A_1986 = vector.shape_cast %get3A_1985 : vector<128xf32> to vector<1x128xf32>
    %add3A_1987 = vector.broadcast %broadcast_in_dim3A_1986 : vector<1x128xf32> to vector<64x128xf32>
    %add3A_1988 = arith.addf %add3A_9, %add3A_1987 : vector<64x128xf32>
    %swap3A_1989 = arith.constant 0 : index
    %swap3A_1990 = arith.constant 141 : index
    %swap3A_1991 = arith.constant 0 : index
    %swap3A_1992 = arith.constant 0 : index
    %swap3A_1993 = vector.load %arg3[%swap3A_1989, %swap3A_1990, %swap3A_1991, %swap3A_1992] : memref<1x207x64x128xf32, #tpu.memory_space<vmem>>, vector<1x1x64x128xf32>
    %swap3A_1994 = vector.shape_cast %swap3A_1993 : vector<1x1x64x128xf32> to vector<64x128xf32>
    %swap3A_1995 = vector.shape_cast %add3A_1988 : vector<64x128xf32> to vector<1x1x64x128xf32>
    tpu.vector_store %arg3[%swap3A_1989, %swap3A_1990, %swap3A_1991, %swap3A_1992], %swap3A_1995 {strides = array<i32>} : memref<1x207x64x128xf32, #tpu.memory_space<vmem>>, vector<1x1x64x128xf32>,
    %get3A_1996 = arith.constant 142 : index
    %get3A_1997 = arith.constant 0 : index
    %get3A_1998 = vector.load %arg2[%get3A_1996, %get3A_1997] : memref<207x128xf32, #tpu.memory_space<vmem>>, vector<1x128xf32>
    %get3A_1999 = vector.shape_cast %get3A_1998 : vector<1x128xf32> to vector<128xf32>
    %broadcast_in_dim3A_2000 = vector.shape_cast %get3A_1999 : vector<128xf32> to vector<1x128xf32>
    %add3A_2001 = vector.broadcast %broadcast_in_dim3A_2000 : vector<1x128xf32> to vector<64x128xf32>
    %add3A_2002 = arith.addf %add3A_9, %add3A_2001 : vector<64x128xf32>
    %swap3A_2003 = arith.constant 0 : index
    %swap3A_2004 = arith.constant 142 : index
    %swap3A_2005 = arith.constant 0 : index
    %swap3A_2006 = arith.constant 0 : index
    %swap3A_2007 = vector.load %arg3[%swap3A_2003, %swap3A_2004, %swap3A_2005, %swap3A_2006] : memref<1x207x64x128xf32, #tpu.memory_space<vmem>>, vector<1x1x64x128xf32>
    %swap3A_2008 = vector.shape_cast %swap3A_2007 : vector<1x1x64x128xf32> to vector<64x128xf32>
    %swap3A_2009 = vector.shape_cast %add3A_2002 : vector<64x128xf32> to vector<1x1x64x128xf32>
    tpu.vector_store %arg3[%swap3A_2003, %swap3A_2004, %swap3A_2005, %swap3A_2006], %swap3A_2009 {strides = array<i32>} : memref<1x207x64x128xf32, #tpu.memory_space<vmem>>, vector<1x1x64x128xf32>,
    %get3A_2010 = arith.constant 143 : index
    %get3A_2011 = arith.constant 0 : index
    %get3A_2012 = vector.load %arg2[%get3A_2010, %get3A_2011] : memref<207x128xf32, #tpu.memory_space<vmem>>, vector<1x128xf32>
    %get3A_2013 = vector.shape_cast %get3A_2012 : vector<1x128xf32> to vector<128xf32>
    %broadcast_in_dim3A_2014 = vector.shape_cast %get3A_2013 : vector<128xf32> to vector<1x128xf32>
    %add3A_2015 = vector.broadcast %broadcast_in_dim3A_2014 : vector<1x128xf32> to vector<64x128xf32>
    %add3A_2016 = arith.addf %add3A_9, %add3A_2015 : vector<64x128xf32>
    %swap3A_2017 = arith.constant 0 : index
    %swap3A_2018 = arith.constant 143 : index
    %swap3A_2019 = arith.constant 0 : index
    %swap3A_2020 = arith.constant 0 : index
    %swap3A_2021 = vector.load %arg3[%swap3A_2017, %swap3A_2018, %swap3A_2019, %swap3A_2020] : memref<1x207x64x128xf32, #tpu.memory_space<vmem>>, vector<1x1x64x128xf32>
    %swap3A_2022 = vector.shape_cast %swap3A_2021 : vector<1x1x64x128xf32> to vector<64x128xf32>
    %swap3A_2023 = vector.shape_cast %add3A_2016 : vector<64x128xf32> to vector<1x1x64x128xf32>
    tpu.vector_store %arg3[%swap3A_2017, %swap3A_2018, %swap3A_2019, %swap3A_2020], %swap3A_2023 {strides = array<i32>} : memref<1x207x64x128xf32, #tpu.memory_space<vmem>>, vector<1x1x64x128xf32>,
    %get3A_2024 = arith.constant 144 : index
    %get3A_2025 = arith.constant 0 : index
    %get3A_2026 = vector.load %arg2[%get3A_2024, %get3A_2025] : memref<207x128xf32, #tpu.memory_space<vmem>>, vector<1x128xf32>
    %get3A_2027 = vector.shape_cast %get3A_2026 : vector<1x128xf32> to vector<128xf32>
    %broadcast_in_dim3A_2028 = vector.shape_cast %get3A_2027 : vector<128xf32> to vector<1x128xf32>
    %add3A_2029 = vector.broadcast %broadcast_in_dim3A_2028 : vector<1x128xf32> to vector<64x128xf32>
    %add3A_2030 = arith.addf %add3A_9, %add3A_2029 : vector<64x128xf32>
    %swap3A_2031 = arith.constant 0 : index
    %swap3A_2032 = arith.constant 144 : index
    %swap3A_2033 = arith.constant 0 : index
    %swap3A_2034 = arith.constant 0 : index
    %swap3A_2035 = vector.load %arg3[%swap3A_2031, %swap3A_2032, %swap3A_2033, %swap3A_2034] : memref<1x207x64x128xf32, #tpu.memory_space<vmem>>, vector<1x1x64x128xf32>
    %swap3A_2036 = vector.shape_cast %swap3A_2035 : vector<1x1x64x128xf32> to vector<64x128xf32>
    %swap3A_2037 = vector.shape_cast %add3A_2030 : vector<64x128xf32> to vector<1x1x64x128xf32>
    tpu.vector_store %arg3[%swap3A_2031, %swap3A_2032, %swap3A_2033, %swap3A_2034], %swap3A_2037 {strides = array<i32>} : memref<1x207x64x128xf32, #tpu.memory_space<vmem>>, vector<1x1x64x128xf32>,
    %get3A_2038 = arith.constant 145 : index
    %get3A_2039 = arith.constant 0 : index
    %get3A_2040 = vector.load %arg2[%get3A_2038, %get3A_2039] : memref<207x128xf32, #tpu.memory_space<vmem>>, vector<1x128xf32>
    %get3A_2041 = vector.shape_cast %get3A_2040 : vector<1x128xf32> to vector<128xf32>
    %broadcast_in_dim3A_2042 = vector.shape_cast %get3A_2041 : vector<128xf32> to vector<1x128xf32>
    %add3A_2043 = vector.broadcast %broadcast_in_dim3A_2042 : vector<1x128xf32> to vector<64x128xf32>
    %add3A_2044 = arith.addf %add3A_9, %add3A_2043 : vector<64x128xf32>
    %swap3A_2045 = arith.constant 0 : index
    %swap3A_2046 = arith.constant 145 : index
    %swap3A_2047 = arith.constant 0 : index
    %swap3A_2048 = arith.constant 0 : index
    %swap3A_2049 = vector.load %arg3[%swap3A_2045, %swap3A_2046, %swap3A_2047, %swap3A_2048] : memref<1x207x64x128xf32, #tpu.memory_space<vmem>>, vector<1x1x64x128xf32>
    %swap3A_2050 = vector.shape_cast %swap3A_2049 : vector<1x1x64x128xf32> to vector<64x128xf32>
    %swap3A_2051 = vector.shape_cast %add3A_2044 : vector<64x128xf32> to vector<1x1x64x128xf32>
    tpu.vector_store %arg3[%swap3A_2045, %swap3A_2046, %swap3A_2047, %swap3A_2048], %swap3A_2051 {strides = array<i32>} : memref<1x207x64x128xf32, #tpu.memory_space<vmem>>, vector<1x1x64x128xf32>,
    %get3A_2052 = arith.constant 146 : index
    %get3A_2053 = arith.constant 0 : index
    %get3A_2054 = vector.load %arg2[%get3A_2052, %get3A_2053] : memref<207x128xf32, #tpu.memory_space<vmem>>, vector<1x128xf32>
    %get3A_2055 = vector.shape_cast %get3A_2054 : vector<1x128xf32> to vector<128xf32>
    %broadcast_in_dim3A_2056 = vector.shape_cast %get3A_2055 : vector<128xf32> to vector<1x128xf32>
    %add3A_2057 = vector.broadcast %broadcast_in_dim3A_2056 : vector<1x128xf32> to vector<64x128xf32>
    %add3A_2058 = arith.addf %add3A_9, %add3A_2057 : vector<64x128xf32>
    %swap3A_2059 = arith.constant 0 : index
    %swap3A_2060 = arith.constant 146 : index
    %swap3A_2061 = arith.constant 0 : index
    %swap3A_2062 = arith.constant 0 : index
    %swap3A_2063 = vector.load %arg3[%swap3A_2059, %swap3A_2060, %swap3A_2061, %swap3A_2062] : memref<1x207x64x128xf32, #tpu.memory_space<vmem>>, vector<1x1x64x128xf32>
    %swap3A_2064 = vector.shape_cast %swap3A_2063 : vector<1x1x64x128xf32> to vector<64x128xf32>
    %swap3A_2065 = vector.shape_cast %add3A_2058 : vector<64x128xf32> to vector<1x1x64x128xf32>
    tpu.vector_store %arg3[%swap3A_2059, %swap3A_2060, %swap3A_2061, %swap3A_2062], %swap3A_2065 {strides = array<i32>} : memref<1x207x64x128xf32, #tpu.memory_space<vmem>>, vector<1x1x64x128xf32>,
    %get3A_2066 = arith.constant 147 : index
    %get3A_2067 = arith.constant 0 : index
    %get3A_2068 = vector.load %arg2[%get3A_2066, %get3A_2067] : memref<207x128xf32, #tpu.memory_space<vmem>>, vector<1x128xf32>
    %get3A_2069 = vector.shape_cast %get3A_2068 : vector<1x128xf32> to vector<128xf32>
    %broadcast_in_dim3A_2070 = vector.shape_cast %get3A_2069 : vector<128xf32> to vector<1x128xf32>
    %add3A_2071 = vector.broadcast %broadcast_in_dim3A_2070 : vector<1x128xf32> to vector<64x128xf32>
    %add3A_2072 = arith.addf %add3A_9, %add3A_2071 : vector<64x128xf32>
    %swap3A_2073 = arith.constant 0 : index
    %swap3A_2074 = arith.constant 147 : index
    %swap3A_2075 = arith.constant 0 : index
    %swap3A_2076 = arith.constant 0 : index
    %swap3A_2077 = vector.load %arg3[%swap3A_2073, %swap3A_2074, %swap3A_2075, %swap3A_2076] : memref<1x207x64x128xf32, #tpu.memory_space<vmem>>, vector<1x1x64x128xf32>
    %swap3A_2078 = vector.shape_cast %swap3A_2077 : vector<1x1x64x128xf32> to vector<64x128xf32>
    %swap3A_2079 = vector.shape_cast %add3A_2072 : vector<64x128xf32> to vector<1x1x64x128xf32>
    tpu.vector_store %arg3[%swap3A_2073, %swap3A_2074, %swap3A_2075, %swap3A_2076], %swap3A_2079 {strides = array<i32>} : memref<1x207x64x128xf32, #tpu.memory_space<vmem>>, vector<1x1x64x128xf32>,
    %get3A_2080 = arith.constant 148 : index
    %get3A_2081 = arith.constant 0 : index
    %get3A_2082 = vector.load %arg2[%get3A_2080, %get3A_2081] : memref<207x128xf32, #tpu.memory_space<vmem>>, vector<1x128xf32>
    %get3A_2083 = vector.shape_cast %get3A_2082 : vector<1x128xf32> to vector<128xf32>
    %broadcast_in_dim3A_2084 = vector.shape_cast %get3A_2083 : vector<128xf32> to vector<1x128xf32>
    %add3A_2085 = vector.broadcast %broadcast_in_dim3A_2084 : vector<1x128xf32> to vector<64x128xf32>
    %add3A_2086 = arith.addf %add3A_9, %add3A_2085 : vector<64x128xf32>
    %swap3A_2087 = arith.constant 0 : index
    %swap3A_2088 = arith.constant 148 : index
    %swap3A_2089 = arith.constant 0 : index
    %swap3A_2090 = arith.constant 0 : index
    %swap3A_2091 = vector.load %arg3[%swap3A_2087, %swap3A_2088, %swap3A_2089, %swap3A_2090] : memref<1x207x64x128xf32, #tpu.memory_space<vmem>>, vector<1x1x64x128xf32>
    %swap3A_2092 = vector.shape_cast %swap3A_2091 : vector<1x1x64x128xf32> to vector<64x128xf32>
    %swap3A_2093 = vector.shape_cast %add3A_2086 : vector<64x128xf32> to vector<1x1x64x128xf32>
    tpu.vector_store %arg3[%swap3A_2087, %swap3A_2088, %swap3A_2089, %swap3A_2090], %swap3A_2093 {strides = array<i32>} : memref<1x207x64x128xf32, #tpu.memory_space<vmem>>, vector<1x1x64x128xf32>,
    %get3A_2094 = arith.constant 149 : index
    %get3A_2095 = arith.constant 0 : index
    %get3A_2096 = vector.load %arg2[%get3A_2094, %get3A_2095] : memref<207x128xf32, #tpu.memory_space<vmem>>, vector<1x128xf32>
    %get3A_2097 = vector.shape_cast %get3A_2096 : vector<1x128xf32> to vector<128xf32>
    %broadcast_in_dim3A_2098 = vector.shape_cast %get3A_2097 : vector<128xf32> to vector<1x128xf32>
    %add3A_2099 = vector.broadcast %broadcast_in_dim3A_2098 : vector<1x128xf32> to vector<64x128xf32>
    %add3A_2100 = arith.addf %add3A_9, %add3A_2099 : vector<64x128xf32>
    %swap3A_2101 = arith.constant 0 : index
    %swap3A_2102 = arith.constant 149 : index
    %swap3A_2103 = arith.constant 0 : index
    %swap3A_2104 = arith.constant 0 : index
    %swap3A_2105 = vector.load %arg3[%swap3A_2101, %swap3A_2102, %swap3A_2103, %swap3A_2104] : memref<1x207x64x128xf32, #tpu.memory_space<vmem>>, vector<1x1x64x128xf32>
    %swap3A_2106 = vector.shape_cast %swap3A_2105 : vector<1x1x64x128xf32> to vector<64x128xf32>
    %swap3A_2107 = vector.shape_cast %add3A_2100 : vector<64x128xf32> to vector<1x1x64x128xf32>
    tpu.vector_store %arg3[%swap3A_2101, %swap3A_2102, %swap3A_2103, %swap3A_2104], %swap3A_2107 {strides = array<i32>} : memref<1x207x64x128xf32, #tpu.memory_space<vmem>>, vector<1x1x64x128xf32>,
    %get3A_2108 = arith.constant 150 : index
    %get3A_2109 = arith.constant 0 : index
    %get3A_2110 = vector.load %arg2[%get3A_2108, %get3A_2109] : memref<207x128xf32, #tpu.memory_space<vmem>>, vector<1x128xf32>
    %get3A_2111 = vector.shape_cast %get3A_2110 : vector<1x128xf32> to vector<128xf32>
    %broadcast_in_dim3A_2112 = vector.shape_cast %get3A_2111 : vector<128xf32> to vector<1x128xf32>
    %add3A_2113 = vector.broadcast %broadcast_in_dim3A_2112 : vector<1x128xf32> to vector<64x128xf32>
    %add3A_2114 = arith.addf %add3A_9, %add3A_2113 : vector<64x128xf32>
    %swap3A_2115 = arith.constant 0 : index
    %swap3A_2116 = arith.constant 150 : index
    %swap3A_2117 = arith.constant 0 : index
    %swap3A_2118 = arith.constant 0 : index
    %swap3A_2119 = vector.load %arg3[%swap3A_2115, %swap3A_2116, %swap3A_2117, %swap3A_2118] : memref<1x207x64x128xf32, #tpu.memory_space<vmem>>, vector<1x1x64x128xf32>
    %swap3A_2120 = vector.shape_cast %swap3A_2119 : vector<1x1x64x128xf32> to vector<64x128xf32>
    %swap3A_2121 = vector.shape_cast %add3A_2114 : vector<64x128xf32> to vector<1x1x64x128xf32>
    tpu.vector_store %arg3[%swap3A_2115, %swap3A_2116, %swap3A_2117, %swap3A_2118], %swap3A_2121 {strides = array<i32>} : memref<1x207x64x128xf32, #tpu.memory_space<vmem>>, vector<1x1x64x128xf32>,
    %get3A_2122 = arith.constant 151 : index
    %get3A_2123 = arith.constant 0 : index
    %get3A_2124 = vector.load %arg2[%get3A_2122, %get3A_2123] : memref<207x128xf32, #tpu.memory_space<vmem>>, vector<1x128xf32>
    %get3A_2125 = vector.shape_cast %get3A_2124 : vector<1x128xf32> to vector<128xf32>
    %broadcast_in_dim3A_2126 = vector.shape_cast %get3A_2125 : vector<128xf32> to vector<1x128xf32>
    %add3A_2127 = vector.broadcast %broadcast_in_dim3A_2126 : vector<1x128xf32> to vector<64x128xf32>
    %add3A_2128 = arith.addf %add3A_9, %add3A_2127 : vector<64x128xf32>
    %swap3A_2129 = arith.constant 0 : index
    %swap3A_2130 = arith.constant 151 : index
    %swap3A_2131 = arith.constant 0 : index
    %swap3A_2132 = arith.constant 0 : index
    %swap3A_2133 = vector.load %arg3[%swap3A_2129, %swap3A_2130, %swap3A_2131, %swap3A_2132] : memref<1x207x64x128xf32, #tpu.memory_space<vmem>>, vector<1x1x64x128xf32>
    %swap3A_2134 = vector.shape_cast %swap3A_2133 : vector<1x1x64x128xf32> to vector<64x128xf32>
    %swap3A_2135 = vector.shape_cast %add3A_2128 : vector<64x128xf32> to vector<1x1x64x128xf32>
    tpu.vector_store %arg3[%swap3A_2129, %swap3A_2130, %swap3A_2131, %swap3A_2132], %swap3A_2135 {strides = array<i32>} : memref<1x207x64x128xf32, #tpu.memory_space<vmem>>, vector<1x1x64x128xf32>,
    %get3A_2136 = arith.constant 152 : index
    %get3A_2137 = arith.constant 0 : index
    %get3A_2138 = vector.load %arg2[%get3A_2136, %get3A_2137] : memref<207x128xf32, #tpu.memory_space<vmem>>, vector<1x128xf32>
    %get3A_2139 = vector.shape_cast %get3A_2138 : vector<1x128xf32> to vector<128xf32>
    %broadcast_in_dim3A_2140 = vector.shape_cast %get3A_2139 : vector<128xf32> to vector<1x128xf32>
    %add3A_2141 = vector.broadcast %broadcast_in_dim3A_2140 : vector<1x128xf32> to vector<64x128xf32>
    %add3A_2142 = arith.addf %add3A_9, %add3A_2141 : vector<64x128xf32>
    %swap3A_2143 = arith.constant 0 : index
    %swap3A_2144 = arith.constant 152 : index
    %swap3A_2145 = arith.constant 0 : index
    %swap3A_2146 = arith.constant 0 : index
    %swap3A_2147 = vector.load %arg3[%swap3A_2143, %swap3A_2144, %swap3A_2145, %swap3A_2146] : memref<1x207x64x128xf32, #tpu.memory_space<vmem>>, vector<1x1x64x128xf32>
    %swap3A_2148 = vector.shape_cast %swap3A_2147 : vector<1x1x64x128xf32> to vector<64x128xf32>
    %swap3A_2149 = vector.shape_cast %add3A_2142 : vector<64x128xf32> to vector<1x1x64x128xf32>
    tpu.vector_store %arg3[%swap3A_2143, %swap3A_2144, %swap3A_2145, %swap3A_2146], %swap3A_2149 {strides = array<i32>} : memref<1x207x64x128xf32, #tpu.memory_space<vmem>>, vector<1x1x64x128xf32>,
    %get3A_2150 = arith.constant 153 : index
    %get3A_2151 = arith.constant 0 : index
    %get3A_2152 = vector.load %arg2[%get3A_2150, %get3A_2151] : memref<207x128xf32, #tpu.memory_space<vmem>>, vector<1x128xf32>
    %get3A_2153 = vector.shape_cast %get3A_2152 : vector<1x128xf32> to vector<128xf32>
    %broadcast_in_dim3A_2154 = vector.shape_cast %get3A_2153 : vector<128xf32> to vector<1x128xf32>
    %add3A_2155 = vector.broadcast %broadcast_in_dim3A_2154 : vector<1x128xf32> to vector<64x128xf32>
    %add3A_2156 = arith.addf %add3A_9, %add3A_2155 : vector<64x128xf32>
    %swap3A_2157 = arith.constant 0 : index
    %swap3A_2158 = arith.constant 153 : index
    %swap3A_2159 = arith.constant 0 : index
    %swap3A_2160 = arith.constant 0 : index
    %swap3A_2161 = vector.load %arg3[%swap3A_2157, %swap3A_2158, %swap3A_2159, %swap3A_2160] : memref<1x207x64x128xf32, #tpu.memory_space<vmem>>, vector<1x1x64x128xf32>
    %swap3A_2162 = vector.shape_cast %swap3A_2161 : vector<1x1x64x128xf32> to vector<64x128xf32>
    %swap3A_2163 = vector.shape_cast %add3A_2156 : vector<64x128xf32> to vector<1x1x64x128xf32>
    tpu.vector_store %arg3[%swap3A_2157, %swap3A_2158, %swap3A_2159, %swap3A_2160], %swap3A_2163 {strides = array<i32>} : memref<1x207x64x128xf32, #tpu.memory_space<vmem>>, vector<1x1x64x128xf32>,
    %get3A_2164 = arith.constant 154 : index
    %get3A_2165 = arith.constant 0 : index
    %get3A_2166 = vector.load %arg2[%get3A_2164, %get3A_2165] : memref<207x128xf32, #tpu.memory_space<vmem>>, vector<1x128xf32>
    %get3A_2167 = vector.shape_cast %get3A_2166 : vector<1x128xf32> to vector<128xf32>
    %broadcast_in_dim3A_2168 = vector.shape_cast %get3A_2167 : vector<128xf32> to vector<1x128xf32>
    %add3A_2169 = vector.broadcast %broadcast_in_dim3A_2168 : vector<1x128xf32> to vector<64x128xf32>
    %add3A_2170 = arith.addf %add3A_9, %add3A_2169 : vector<64x128xf32>
    %swap3A_2171 = arith.constant 0 : index
    %swap3A_2172 = arith.constant 154 : index
    %swap3A_2173 = arith.constant 0 : index
    %swap3A_2174 = arith.constant 0 : index
    %swap3A_2175 = vector.load %arg3[%swap3A_2171, %swap3A_2172, %swap3A_2173, %swap3A_2174] : memref<1x207x64x128xf32, #tpu.memory_space<vmem>>, vector<1x1x64x128xf32>
    %swap3A_2176 = vector.shape_cast %swap3A_2175 : vector<1x1x64x128xf32> to vector<64x128xf32>
    %swap3A_2177 = vector.shape_cast %add3A_2170 : vector<64x128xf32> to vector<1x1x64x128xf32>
    tpu.vector_store %arg3[%swap3A_2171, %swap3A_2172, %swap3A_2173, %swap3A_2174], %swap3A_2177 {strides = array<i32>} : memref<1x207x64x128xf32, #tpu.memory_space<vmem>>, vector<1x1x64x128xf32>,
    %get3A_2178 = arith.constant 155 : index
    %get3A_2179 = arith.constant 0 : index
    %get3A_2180 = vector.load %arg2[%get3A_2178, %get3A_2179] : memref<207x128xf32, #tpu.memory_space<vmem>>, vector<1x128xf32>
    %get3A_2181 = vector.shape_cast %get3A_2180 : vector<1x128xf32> to vector<128xf32>
    %broadcast_in_dim3A_2182 = vector.shape_cast %get3A_2181 : vector<128xf32> to vector<1x128xf32>
    %add3A_2183 = vector.broadcast %broadcast_in_dim3A_2182 : vector<1x128xf32> to vector<64x128xf32>
    %add3A_2184 = arith.addf %add3A_9, %add3A_2183 : vector<64x128xf32>
    %swap3A_2185 = arith.constant 0 : index
    %swap3A_2186 = arith.constant 155 : index
    %swap3A_2187 = arith.constant 0 : index
    %swap3A_2188 = arith.constant 0 : index
    %swap3A_2189 = vector.load %arg3[%swap3A_2185, %swap3A_2186, %swap3A_2187, %swap3A_2188] : memref<1x207x64x128xf32, #tpu.memory_space<vmem>>, vector<1x1x64x128xf32>
    %swap3A_2190 = vector.shape_cast %swap3A_2189 : vector<1x1x64x128xf32> to vector<64x128xf32>
    %swap3A_2191 = vector.shape_cast %add3A_2184 : vector<64x128xf32> to vector<1x1x64x128xf32>
    tpu.vector_store %arg3[%swap3A_2185, %swap3A_2186, %swap3A_2187, %swap3A_2188], %swap3A_2191 {strides = array<i32>} : memref<1x207x64x128xf32, #tpu.memory_space<vmem>>, vector<1x1x64x128xf32>,
    %get3A_2192 = arith.constant 156 : index
    %get3A_2193 = arith.constant 0 : index
    %get3A_2194 = vector.load %arg2[%get3A_2192, %get3A_2193] : memref<207x128xf32, #tpu.memory_space<vmem>>, vector<1x128xf32>
    %get3A_2195 = vector.shape_cast %get3A_2194 : vector<1x128xf32> to vector<128xf32>
    %broadcast_in_dim3A_2196 = vector.shape_cast %get3A_2195 : vector<128xf32> to vector<1x128xf32>
    %add3A_2197 = vector.broadcast %broadcast_in_dim3A_2196 : vector<1x128xf32> to vector<64x128xf32>
    %add3A_2198 = arith.addf %add3A_9, %add3A_2197 : vector<64x128xf32>
    %swap3A_2199 = arith.constant 0 : index
    %swap3A_2200 = arith.constant 156 : index
    %swap3A_2201 = arith.constant 0 : index
    %swap3A_2202 = arith.constant 0 : index
    %swap3A_2203 = vector.load %arg3[%swap3A_2199, %swap3A_2200, %swap3A_2201, %swap3A_2202] : memref<1x207x64x128xf32, #tpu.memory_space<vmem>>, vector<1x1x64x128xf32>
    %swap3A_2204 = vector.shape_cast %swap3A_2203 : vector<1x1x64x128xf32> to vector<64x128xf32>
    %swap3A_2205 = vector.shape_cast %add3A_2198 : vector<64x128xf32> to vector<1x1x64x128xf32>
    tpu.vector_store %arg3[%swap3A_2199, %swap3A_2200, %swap3A_2201, %swap3A_2202], %swap3A_2205 {strides = array<i32>} : memref<1x207x64x128xf32, #tpu.memory_space<vmem>>, vector<1x1x64x128xf32>,
    %get3A_2206 = arith.constant 157 : index
    %get3A_2207 = arith.constant 0 : index
    %get3A_2208 = vector.load %arg2[%get3A_2206, %get3A_2207] : memref<207x128xf32, #tpu.memory_space<vmem>>, vector<1x128xf32>
    %get3A_2209 = vector.shape_cast %get3A_2208 : vector<1x128xf32> to vector<128xf32>
    %broadcast_in_dim3A_2210 = vector.shape_cast %get3A_2209 : vector<128xf32> to vector<1x128xf32>
    %add3A_2211 = vector.broadcast %broadcast_in_dim3A_2210 : vector<1x128xf32> to vector<64x128xf32>
    %add3A_2212 = arith.addf %add3A_9, %add3A_2211 : vector<64x128xf32>
    %swap3A_2213 = arith.constant 0 : index
    %swap3A_2214 = arith.constant 157 : index
    %swap3A_2215 = arith.constant 0 : index
    %swap3A_2216 = arith.constant 0 : index
    %swap3A_2217 = vector.load %arg3[%swap3A_2213, %swap3A_2214, %swap3A_2215, %swap3A_2216] : memref<1x207x64x128xf32, #tpu.memory_space<vmem>>, vector<1x1x64x128xf32>
    %swap3A_2218 = vector.shape_cast %swap3A_2217 : vector<1x1x64x128xf32> to vector<64x128xf32>
    %swap3A_2219 = vector.shape_cast %add3A_2212 : vector<64x128xf32> to vector<1x1x64x128xf32>
    tpu.vector_store %arg3[%swap3A_2213, %swap3A_2214, %swap3A_2215, %swap3A_2216], %swap3A_2219 {strides = array<i32>} : memref<1x207x64x128xf32, #tpu.memory_space<vmem>>, vector<1x1x64x128xf32>,
    %get3A_2220 = arith.constant 158 : index
    %get3A_2221 = arith.constant 0 : index
    %get3A_2222 = vector.load %arg2[%get3A_2220, %get3A_2221] : memref<207x128xf32, #tpu.memory_space<vmem>>, vector<1x128xf32>
    %get3A_2223 = vector.shape_cast %get3A_2222 : vector<1x128xf32> to vector<128xf32>
    %broadcast_in_dim3A_2224 = vector.shape_cast %get3A_2223 : vector<128xf32> to vector<1x128xf32>
    %add3A_2225 = vector.broadcast %broadcast_in_dim3A_2224 : vector<1x128xf32> to vector<64x128xf32>
    %add3A_2226 = arith.addf %add3A_9, %add3A_2225 : vector<64x128xf32>
    %swap3A_2227 = arith.constant 0 : index
    %swap3A_2228 = arith.constant 158 : index
    %swap3A_2229 = arith.constant 0 : index
    %swap3A_2230 = arith.constant 0 : index
    %swap3A_2231 = vector.load %arg3[%swap3A_2227, %swap3A_2228, %swap3A_2229, %swap3A_2230] : memref<1x207x64x128xf32, #tpu.memory_space<vmem>>, vector<1x1x64x128xf32>
    %swap3A_2232 = vector.shape_cast %swap3A_2231 : vector<1x1x64x128xf32> to vector<64x128xf32>
    %swap3A_2233 = vector.shape_cast %add3A_2226 : vector<64x128xf32> to vector<1x1x64x128xf32>
    tpu.vector_store %arg3[%swap3A_2227, %swap3A_2228, %swap3A_2229, %swap3A_2230], %swap3A_2233 {strides = array<i32>} : memref<1x207x64x128xf32, #tpu.memory_space<vmem>>, vector<1x1x64x128xf32>,
    %get3A_2234 = arith.constant 159 : index
    %get3A_2235 = arith.constant 0 : index
    %get3A_2236 = vector.load %arg2[%get3A_2234, %get3A_2235] : memref<207x128xf32, #tpu.memory_space<vmem>>, vector<1x128xf32>
    %get3A_2237 = vector.shape_cast %get3A_2236 : vector<1x128xf32> to vector<128xf32>
    %broadcast_in_dim3A_2238 = vector.shape_cast %get3A_2237 : vector<128xf32> to vector<1x128xf32>
    %add3A_2239 = vector.broadcast %broadcast_in_dim3A_2238 : vector<1x128xf32> to vector<64x128xf32>
    %add3A_2240 = arith.addf %add3A_9, %add3A_2239 : vector<64x128xf32>
    %swap3A_2241 = arith.constant 0 : index
    %swap3A_2242 = arith.constant 159 : index
    %swap3A_2243 = arith.constant 0 : index
    %swap3A_2244 = arith.constant 0 : index
    %swap3A_2245 = vector.load %arg3[%swap3A_2241, %swap3A_2242, %swap3A_2243, %swap3A_2244] : memref<1x207x64x128xf32, #tpu.memory_space<vmem>>, vector<1x1x64x128xf32>
    %swap3A_2246 = vector.shape_cast %swap3A_2245 : vector<1x1x64x128xf32> to vector<64x128xf32>
    %swap3A_2247 = vector.shape_cast %add3A_2240 : vector<64x128xf32> to vector<1x1x64x128xf32>
    tpu.vector_store %arg3[%swap3A_2241, %swap3A_2242, %swap3A_2243, %swap3A_2244], %swap3A_2247 {strides = array<i32>} : memref<1x207x64x128xf32, #tpu.memory_space<vmem>>, vector<1x1x64x128xf32>,
    %get3A_2248 = arith.constant 160 : index
    %get3A_2249 = arith.constant 0 : index
    %get3A_2250 = vector.load %arg2[%get3A_2248, %get3A_2249] : memref<207x128xf32, #tpu.memory_space<vmem>>, vector<1x128xf32>
    %get3A_2251 = vector.shape_cast %get3A_2250 : vector<1x128xf32> to vector<128xf32>
    %broadcast_in_dim3A_2252 = vector.shape_cast %get3A_2251 : vector<128xf32> to vector<1x128xf32>
    %add3A_2253 = vector.broadcast %broadcast_in_dim3A_2252 : vector<1x128xf32> to vector<64x128xf32>
    %add3A_2254 = arith.addf %add3A_9, %add3A_2253 : vector<64x128xf32>
    %swap3A_2255 = arith.constant 0 : index
    %swap3A_2256 = arith.constant 160 : index
    %swap3A_2257 = arith.constant 0 : index
    %swap3A_2258 = arith.constant 0 : index
    %swap3A_2259 = vector.load %arg3[%swap3A_2255, %swap3A_2256, %swap3A_2257, %swap3A_2258] : memref<1x207x64x128xf32, #tpu.memory_space<vmem>>, vector<1x1x64x128xf32>
    %swap3A_2260 = vector.shape_cast %swap3A_2259 : vector<1x1x64x128xf32> to vector<64x128xf32>
    %swap3A_2261 = vector.shape_cast %add3A_2254 : vector<64x128xf32> to vector<1x1x64x128xf32>
    tpu.vector_store %arg3[%swap3A_2255, %swap3A_2256, %swap3A_2257, %swap3A_2258], %swap3A_2261 {strides = array<i32>} : memref<1x207x64x128xf32, #tpu.memory_space<vmem>>, vector<1x1x64x128xf32>,
    %get3A_2262 = arith.constant 161 : index
    %get3A_2263 = arith.constant 0 : index
    %get3A_2264 = vector.load %arg2[%get3A_2262, %get3A_2263] : memref<207x128xf32, #tpu.memory_space<vmem>>, vector<1x128xf32>
    %get3A_2265 = vector.shape_cast %get3A_2264 : vector<1x128xf32> to vector<128xf32>
    %broadcast_in_dim3A_2266 = vector.shape_cast %get3A_2265 : vector<128xf32> to vector<1x128xf32>
    %add3A_2267 = vector.broadcast %broadcast_in_dim3A_2266 : vector<1x128xf32> to vector<64x128xf32>
    %add3A_2268 = arith.addf %add3A_9, %add3A_2267 : vector<64x128xf32>
    %swap3A_2269 = arith.constant 0 : index
    %swap3A_2270 = arith.constant 161 : index
    %swap3A_2271 = arith.constant 0 : index
    %swap3A_2272 = arith.constant 0 : index
    %swap3A_2273 = vector.load %arg3[%swap3A_2269, %swap3A_2270, %swap3A_2271, %swap3A_2272] : memref<1x207x64x128xf32, #tpu.memory_space<vmem>>, vector<1x1x64x128xf32>
    %swap3A_2274 = vector.shape_cast %swap3A_2273 : vector<1x1x64x128xf32> to vector<64x128xf32>
    %swap3A_2275 = vector.shape_cast %add3A_2268 : vector<64x128xf32> to vector<1x1x64x128xf32>
    tpu.vector_store %arg3[%swap3A_2269, %swap3A_2270, %swap3A_2271, %swap3A_2272], %swap3A_2275 {strides = array<i32>} : memref<1x207x64x128xf32, #tpu.memory_space<vmem>>, vector<1x1x64x128xf32>,
    %get3A_2276 = arith.constant 162 : index
    %get3A_2277 = arith.constant 0 : index
    %get3A_2278 = vector.load %arg2[%get3A_2276, %get3A_2277] : memref<207x128xf32, #tpu.memory_space<vmem>>, vector<1x128xf32>
    %get3A_2279 = vector.shape_cast %get3A_2278 : vector<1x128xf32> to vector<128xf32>
    %broadcast_in_dim3A_2280 = vector.shape_cast %get3A_2279 : vector<128xf32> to vector<1x128xf32>
    %add3A_2281 = vector.broadcast %broadcast_in_dim3A_2280 : vector<1x128xf32> to vector<64x128xf32>
    %add3A_2282 = arith.addf %add3A_9, %add3A_2281 : vector<64x128xf32>
    %swap3A_2283 = arith.constant 0 : index
    %swap3A_2284 = arith.constant 162 : index
    %swap3A_2285 = arith.constant 0 : index
    %swap3A_2286 = arith.constant 0 : index
    %swap3A_2287 = vector.load %arg3[%swap3A_2283, %swap3A_2284, %swap3A_2285, %swap3A_2286] : memref<1x207x64x128xf32, #tpu.memory_space<vmem>>, vector<1x1x64x128xf32>
    %swap3A_2288 = vector.shape_cast %swap3A_2287 : vector<1x1x64x128xf32> to vector<64x128xf32>
    %swap3A_2289 = vector.shape_cast %add3A_2282 : vector<64x128xf32> to vector<1x1x64x128xf32>
    tpu.vector_store %arg3[%swap3A_2283, %swap3A_2284, %swap3A_2285, %swap3A_2286], %swap3A_2289 {strides = array<i32>} : memref<1x207x64x128xf32, #tpu.memory_space<vmem>>, vector<1x1x64x128xf32>,
    %get3A_2290 = arith.constant 163 : index
    %get3A_2291 = arith.constant 0 : index
    %get3A_2292 = vector.load %arg2[%get3A_2290, %get3A_2291] : memref<207x128xf32, #tpu.memory_space<vmem>>, vector<1x128xf32>
    %get3A_2293 = vector.shape_cast %get3A_2292 : vector<1x128xf32> to vector<128xf32>
    %broadcast_in_dim3A_2294 = vector.shape_cast %get3A_2293 : vector<128xf32> to vector<1x128xf32>
    %add3A_2295 = vector.broadcast %broadcast_in_dim3A_2294 : vector<1x128xf32> to vector<64x128xf32>
    %add3A_2296 = arith.addf %add3A_9, %add3A_2295 : vector<64x128xf32>
    %swap3A_2297 = arith.constant 0 : index
    %swap3A_2298 = arith.constant 163 : index
    %swap3A_2299 = arith.constant 0 : index
    %swap3A_2300 = arith.constant 0 : index
    %swap3A_2301 = vector.load %arg3[%swap3A_2297, %swap3A_2298, %swap3A_2299, %swap3A_2300] : memref<1x207x64x128xf32, #tpu.memory_space<vmem>>, vector<1x1x64x128xf32>
    %swap3A_2302 = vector.shape_cast %swap3A_2301 : vector<1x1x64x128xf32> to vector<64x128xf32>
    %swap3A_2303 = vector.shape_cast %add3A_2296 : vector<64x128xf32> to vector<1x1x64x128xf32>
    tpu.vector_store %arg3[%swap3A_2297, %swap3A_2298, %swap3A_2299, %swap3A_2300], %swap3A_2303 {strides = array<i32>} : memref<1x207x64x128xf32, #tpu.memory_space<vmem>>, vector<1x1x64x128xf32>,
    %get3A_2304 = arith.constant 164 : index
    %get3A_2305 = arith.constant 0 : index
    %get3A_2306 = vector.load %arg2[%get3A_2304, %get3A_2305] : memref<207x128xf32, #tpu.memory_space<vmem>>, vector<1x128xf32>
    %get3A_2307 = vector.shape_cast %get3A_2306 : vector<1x128xf32> to vector<128xf32>
    %broadcast_in_dim3A_2308 = vector.shape_cast %get3A_2307 : vector<128xf32> to vector<1x128xf32>
    %add3A_2309 = vector.broadcast %broadcast_in_dim3A_2308 : vector<1x128xf32> to vector<64x128xf32>
    %add3A_2310 = arith.addf %add3A_9, %add3A_2309 : vector<64x128xf32>
    %swap3A_2311 = arith.constant 0 : index
    %swap3A_2312 = arith.constant 164 : index
    %swap3A_2313 = arith.constant 0 : index
    %swap3A_2314 = arith.constant 0 : index
    %swap3A_2315 = vector.load %arg3[%swap3A_2311, %swap3A_2312, %swap3A_2313, %swap3A_2314] : memref<1x207x64x128xf32, #tpu.memory_space<vmem>>, vector<1x1x64x128xf32>
    %swap3A_2316 = vector.shape_cast %swap3A_2315 : vector<1x1x64x128xf32> to vector<64x128xf32>
    %swap3A_2317 = vector.shape_cast %add3A_2310 : vector<64x128xf32> to vector<1x1x64x128xf32>
    tpu.vector_store %arg3[%swap3A_2311, %swap3A_2312, %swap3A_2313, %swap3A_2314], %swap3A_2317 {strides = array<i32>} : memref<1x207x64x128xf32, #tpu.memory_space<vmem>>, vector<1x1x64x128xf32>,
    %get3A_2318 = arith.constant 165 : index
    %get3A_2319 = arith.constant 0 : index
    %get3A_2320 = vector.load %arg2[%get3A_2318, %get3A_2319] : memref<207x128xf32, #tpu.memory_space<vmem>>, vector<1x128xf32>
    %get3A_2321 = vector.shape_cast %get3A_2320 : vector<1x128xf32> to vector<128xf32>
    %broadcast_in_dim3A_2322 = vector.shape_cast %get3A_2321 : vector<128xf32> to vector<1x128xf32>
    %add3A_2323 = vector.broadcast %broadcast_in_dim3A_2322 : vector<1x128xf32> to vector<64x128xf32>
    %add3A_2324 = arith.addf %add3A_9, %add3A_2323 : vector<64x128xf32>
    %swap3A_2325 = arith.constant 0 : index
    %swap3A_2326 = arith.constant 165 : index
    %swap3A_2327 = arith.constant 0 : index
    %swap3A_2328 = arith.constant 0 : index
    %swap3A_2329 = vector.load %arg3[%swap3A_2325, %swap3A_2326, %swap3A_2327, %swap3A_2328] : memref<1x207x64x128xf32, #tpu.memory_space<vmem>>, vector<1x1x64x128xf32>
    %swap3A_2330 = vector.shape_cast %swap3A_2329 : vector<1x1x64x128xf32> to vector<64x128xf32>
    %swap3A_2331 = vector.shape_cast %add3A_2324 : vector<64x128xf32> to vector<1x1x64x128xf32>
    tpu.vector_store %arg3[%swap3A_2325, %swap3A_2326, %swap3A_2327, %swap3A_2328], %swap3A_2331 {strides = array<i32>} : memref<1x207x64x128xf32, #tpu.memory_space<vmem>>, vector<1x1x64x128xf32>,
    %get3A_2332 = arith.constant 166 : index
    %get3A_2333 = arith.constant 0 : index
    %get3A_2334 = vector.load %arg2[%get3A_2332, %get3A_2333] : memref<207x128xf32, #tpu.memory_space<vmem>>, vector<1x128xf32>
    %get3A_2335 = vector.shape_cast %get3A_2334 : vector<1x128xf32> to vector<128xf32>
    %broadcast_in_dim3A_2336 = vector.shape_cast %get3A_2335 : vector<128xf32> to vector<1x128xf32>
    %add3A_2337 = vector.broadcast %broadcast_in_dim3A_2336 : vector<1x128xf32> to vector<64x128xf32>
    %add3A_2338 = arith.addf %add3A_9, %add3A_2337 : vector<64x128xf32>
    %swap3A_2339 = arith.constant 0 : index
    %swap3A_2340 = arith.constant 166 : index
    %swap3A_2341 = arith.constant 0 : index
    %swap3A_2342 = arith.constant 0 : index
    %swap3A_2343 = vector.load %arg3[%swap3A_2339, %swap3A_2340, %swap3A_2341, %swap3A_2342] : memref<1x207x64x128xf32, #tpu.memory_space<vmem>>, vector<1x1x64x128xf32>
    %swap3A_2344 = vector.shape_cast %swap3A_2343 : vector<1x1x64x128xf32> to vector<64x128xf32>
    %swap3A_2345 = vector.shape_cast %add3A_2338 : vector<64x128xf32> to vector<1x1x64x128xf32>
    tpu.vector_store %arg3[%swap3A_2339, %swap3A_2340, %swap3A_2341, %swap3A_2342], %swap3A_2345 {strides = array<i32>} : memref<1x207x64x128xf32, #tpu.memory_space<vmem>>, vector<1x1x64x128xf32>,
    %get3A_2346 = arith.constant 167 : index
    %get3A_2347 = arith.constant 0 : index
    %get3A_2348 = vector.load %arg2[%get3A_2346, %get3A_2347] : memref<207x128xf32, #tpu.memory_space<vmem>>, vector<1x128xf32>
    %get3A_2349 = vector.shape_cast %get3A_2348 : vector<1x128xf32> to vector<128xf32>
    %broadcast_in_dim3A_2350 = vector.shape_cast %get3A_2349 : vector<128xf32> to vector<1x128xf32>
    %add3A_2351 = vector.broadcast %broadcast_in_dim3A_2350 : vector<1x128xf32> to vector<64x128xf32>
    %add3A_2352 = arith.addf %add3A_9, %add3A_2351 : vector<64x128xf32>
    %swap3A_2353 = arith.constant 0 : index
    %swap3A_2354 = arith.constant 167 : index
    %swap3A_2355 = arith.constant 0 : index
    %swap3A_2356 = arith.constant 0 : index
    %swap3A_2357 = vector.load %arg3[%swap3A_2353, %swap3A_2354, %swap3A_2355, %swap3A_2356] : memref<1x207x64x128xf32, #tpu.memory_space<vmem>>, vector<1x1x64x128xf32>
    %swap3A_2358 = vector.shape_cast %swap3A_2357 : vector<1x1x64x128xf32> to vector<64x128xf32>
    %swap3A_2359 = vector.shape_cast %add3A_2352 : vector<64x128xf32> to vector<1x1x64x128xf32>
    tpu.vector_store %arg3[%swap3A_2353, %swap3A_2354, %swap3A_2355, %swap3A_2356], %swap3A_2359 {strides = array<i32>} : memref<1x207x64x128xf32, #tpu.memory_space<vmem>>, vector<1x1x64x128xf32>,
    %get3A_2360 = arith.constant 168 : index
    %get3A_2361 = arith.constant 0 : index
    %get3A_2362 = vector.load %arg2[%get3A_2360, %get3A_2361] : memref<207x128xf32, #tpu.memory_space<vmem>>, vector<1x128xf32>
    %get3A_2363 = vector.shape_cast %get3A_2362 : vector<1x128xf32> to vector<128xf32>
    %broadcast_in_dim3A_2364 = vector.shape_cast %get3A_2363 : vector<128xf32> to vector<1x128xf32>
    %add3A_2365 = vector.broadcast %broadcast_in_dim3A_2364 : vector<1x128xf32> to vector<64x128xf32>
    %add3A_2366 = arith.addf %add3A_9, %add3A_2365 : vector<64x128xf32>
    %swap3A_2367 = arith.constant 0 : index
    %swap3A_2368 = arith.constant 168 : index
    %swap3A_2369 = arith.constant 0 : index
    %swap3A_2370 = arith.constant 0 : index
    %swap3A_2371 = vector.load %arg3[%swap3A_2367, %swap3A_2368, %swap3A_2369, %swap3A_2370] : memref<1x207x64x128xf32, #tpu.memory_space<vmem>>, vector<1x1x64x128xf32>
    %swap3A_2372 = vector.shape_cast %swap3A_2371 : vector<1x1x64x128xf32> to vector<64x128xf32>
    %swap3A_2373 = vector.shape_cast %add3A_2366 : vector<64x128xf32> to vector<1x1x64x128xf32>
    tpu.vector_store %arg3[%swap3A_2367, %swap3A_2368, %swap3A_2369, %swap3A_2370], %swap3A_2373 {strides = array<i32>} : memref<1x207x64x128xf32, #tpu.memory_space<vmem>>, vector<1x1x64x128xf32>,
    %get3A_2374 = arith.constant 169 : index
    %get3A_2375 = arith.constant 0 : index
    %get3A_2376 = vector.load %arg2[%get3A_2374, %get3A_2375] : memref<207x128xf32, #tpu.memory_space<vmem>>, vector<1x128xf32>
    %get3A_2377 = vector.shape_cast %get3A_2376 : vector<1x128xf32> to vector<128xf32>
    %broadcast_in_dim3A_2378 = vector.shape_cast %get3A_2377 : vector<128xf32> to vector<1x128xf32>
    %add3A_2379 = vector.broadcast %broadcast_in_dim3A_2378 : vector<1x128xf32> to vector<64x128xf32>
    %add3A_2380 = arith.addf %add3A_9, %add3A_2379 : vector<64x128xf32>
    %swap3A_2381 = arith.constant 0 : index
    %swap3A_2382 = arith.constant 169 : index
    %swap3A_2383 = arith.constant 0 : index
    %swap3A_2384 = arith.constant 0 : index
    %swap3A_2385 = vector.load %arg3[%swap3A_2381, %swap3A_2382, %swap3A_2383, %swap3A_2384] : memref<1x207x64x128xf32, #tpu.memory_space<vmem>>, vector<1x1x64x128xf32>
    %swap3A_2386 = vector.shape_cast %swap3A_2385 : vector<1x1x64x128xf32> to vector<64x128xf32>
    %swap3A_2387 = vector.shape_cast %add3A_2380 : vector<64x128xf32> to vector<1x1x64x128xf32>
    tpu.vector_store %arg3[%swap3A_2381, %swap3A_2382, %swap3A_2383, %swap3A_2384], %swap3A_2387 {strides = array<i32>} : memref<1x207x64x128xf32, #tpu.memory_space<vmem>>, vector<1x1x64x128xf32>,
    %get3A_2388 = arith.constant 170 : index
    %get3A_2389 = arith.constant 0 : index
    %get3A_2390 = vector.load %arg2[%get3A_2388, %get3A_2389] : memref<207x128xf32, #tpu.memory_space<vmem>>, vector<1x128xf32>
    %get3A_2391 = vector.shape_cast %get3A_2390 : vector<1x128xf32> to vector<128xf32>
    %broadcast_in_dim3A_2392 = vector.shape_cast %get3A_2391 : vector<128xf32> to vector<1x128xf32>
    %add3A_2393 = vector.broadcast %broadcast_in_dim3A_2392 : vector<1x128xf32> to vector<64x128xf32>
    %add3A_2394 = arith.addf %add3A_9, %add3A_2393 : vector<64x128xf32>
    %swap3A_2395 = arith.constant 0 : index
    %swap3A_2396 = arith.constant 170 : index
    %swap3A_2397 = arith.constant 0 : index
    %swap3A_2398 = arith.constant 0 : index
    %swap3A_2399 = vector.load %arg3[%swap3A_2395, %swap3A_2396, %swap3A_2397, %swap3A_2398] : memref<1x207x64x128xf32, #tpu.memory_space<vmem>>, vector<1x1x64x128xf32>
    %swap3A_2400 = vector.shape_cast %swap3A_2399 : vector<1x1x64x128xf32> to vector<64x128xf32>
    %swap3A_2401 = vector.shape_cast %add3A_2394 : vector<64x128xf32> to vector<1x1x64x128xf32>
    tpu.vector_store %arg3[%swap3A_2395, %swap3A_2396, %swap3A_2397, %swap3A_2398], %swap3A_2401 {strides = array<i32>} : memref<1x207x64x128xf32, #tpu.memory_space<vmem>>, vector<1x1x64x128xf32>,
    %get3A_2402 = arith.constant 171 : index
    %get3A_2403 = arith.constant 0 : index
    %get3A_2404 = vector.load %arg2[%get3A_2402, %get3A_2403] : memref<207x128xf32, #tpu.memory_space<vmem>>, vector<1x128xf32>
    %get3A_2405 = vector.shape_cast %get3A_2404 : vector<1x128xf32> to vector<128xf32>
    %broadcast_in_dim3A_2406 = vector.shape_cast %get3A_2405 : vector<128xf32> to vector<1x128xf32>
    %add3A_2407 = vector.broadcast %broadcast_in_dim3A_2406 : vector<1x128xf32> to vector<64x128xf32>
    %add3A_2408 = arith.addf %add3A_9, %add3A_2407 : vector<64x128xf32>
    %swap3A_2409 = arith.constant 0 : index
    %swap3A_2410 = arith.constant 171 : index
    %swap3A_2411 = arith.constant 0 : index
    %swap3A_2412 = arith.constant 0 : index
    %swap3A_2413 = vector.load %arg3[%swap3A_2409, %swap3A_2410, %swap3A_2411, %swap3A_2412] : memref<1x207x64x128xf32, #tpu.memory_space<vmem>>, vector<1x1x64x128xf32>
    %swap3A_2414 = vector.shape_cast %swap3A_2413 : vector<1x1x64x128xf32> to vector<64x128xf32>
    %swap3A_2415 = vector.shape_cast %add3A_2408 : vector<64x128xf32> to vector<1x1x64x128xf32>
    tpu.vector_store %arg3[%swap3A_2409, %swap3A_2410, %swap3A_2411, %swap3A_2412], %swap3A_2415 {strides = array<i32>} : memref<1x207x64x128xf32, #tpu.memory_space<vmem>>, vector<1x1x64x128xf32>,
    %get3A_2416 = arith.constant 172 : index
    %get3A_2417 = arith.constant 0 : index
    %get3A_2418 = vector.load %arg2[%get3A_2416, %get3A_2417] : memref<207x128xf32, #tpu.memory_space<vmem>>, vector<1x128xf32>
    %get3A_2419 = vector.shape_cast %get3A_2418 : vector<1x128xf32> to vector<128xf32>
    %broadcast_in_dim3A_2420 = vector.shape_cast %get3A_2419 : vector<128xf32> to vector<1x128xf32>
    %add3A_2421 = vector.broadcast %broadcast_in_dim3A_2420 : vector<1x128xf32> to vector<64x128xf32>
    %add3A_2422 = arith.addf %add3A_9, %add3A_2421 : vector<64x128xf32>
    %swap3A_2423 = arith.constant 0 : index
    %swap3A_2424 = arith.constant 172 : index
    %swap3A_2425 = arith.constant 0 : index
    %swap3A_2426 = arith.constant 0 : index
    %swap3A_2427 = vector.load %arg3[%swap3A_2423, %swap3A_2424, %swap3A_2425, %swap3A_2426] : memref<1x207x64x128xf32, #tpu.memory_space<vmem>>, vector<1x1x64x128xf32>
    %swap3A_2428 = vector.shape_cast %swap3A_2427 : vector<1x1x64x128xf32> to vector<64x128xf32>
    %swap3A_2429 = vector.shape_cast %add3A_2422 : vector<64x128xf32> to vector<1x1x64x128xf32>
    tpu.vector_store %arg3[%swap3A_2423, %swap3A_2424, %swap3A_2425, %swap3A_2426], %swap3A_2429 {strides = array<i32>} : memref<1x207x64x128xf32, #tpu.memory_space<vmem>>, vector<1x1x64x128xf32>,
    %get3A_2430 = arith.constant 173 : index
    %get3A_2431 = arith.constant 0 : index
    %get3A_2432 = vector.load %arg2[%get3A_2430, %get3A_2431] : memref<207x128xf32, #tpu.memory_space<vmem>>, vector<1x128xf32>
    %get3A_2433 = vector.shape_cast %get3A_2432 : vector<1x128xf32> to vector<128xf32>
    %broadcast_in_dim3A_2434 = vector.shape_cast %get3A_2433 : vector<128xf32> to vector<1x128xf32>
    %add3A_2435 = vector.broadcast %broadcast_in_dim3A_2434 : vector<1x128xf32> to vector<64x128xf32>
    %add3A_2436 = arith.addf %add3A_9, %add3A_2435 : vector<64x128xf32>
    %swap3A_2437 = arith.constant 0 : index
    %swap3A_2438 = arith.constant 173 : index
    %swap3A_2439 = arith.constant 0 : index
    %swap3A_2440 = arith.constant 0 : index
    %swap3A_2441 = vector.load %arg3[%swap3A_2437, %swap3A_2438, %swap3A_2439, %swap3A_2440] : memref<1x207x64x128xf32, #tpu.memory_space<vmem>>, vector<1x1x64x128xf32>
    %swap3A_2442 = vector.shape_cast %swap3A_2441 : vector<1x1x64x128xf32> to vector<64x128xf32>
    %swap3A_2443 = vector.shape_cast %add3A_2436 : vector<64x128xf32> to vector<1x1x64x128xf32>
    tpu.vector_store %arg3[%swap3A_2437, %swap3A_2438, %swap3A_2439, %swap3A_2440], %swap3A_2443 {strides = array<i32>} : memref<1x207x64x128xf32, #tpu.memory_space<vmem>>, vector<1x1x64x128xf32>,
    %get3A_2444 = arith.constant 174 : index
    %get3A_2445 = arith.constant 0 : index
    %get3A_2446 = vector.load %arg2[%get3A_2444, %get3A_2445] : memref<207x128xf32, #tpu.memory_space<vmem>>, vector<1x128xf32>
    %get3A_2447 = vector.shape_cast %get3A_2446 : vector<1x128xf32> to vector<128xf32>
    %broadcast_in_dim3A_2448 = vector.shape_cast %get3A_2447 : vector<128xf32> to vector<1x128xf32>
    %add3A_2449 = vector.broadcast %broadcast_in_dim3A_2448 : vector<1x128xf32> to vector<64x128xf32>
    %add3A_2450 = arith.addf %add3A_9, %add3A_2449 : vector<64x128xf32>
    %swap3A_2451 = arith.constant 0 : index
    %swap3A_2452 = arith.constant 174 : index
    %swap3A_2453 = arith.constant 0 : index
    %swap3A_2454 = arith.constant 0 : index
    %swap3A_2455 = vector.load %arg3[%swap3A_2451, %swap3A_2452, %swap3A_2453, %swap3A_2454] : memref<1x207x64x128xf32, #tpu.memory_space<vmem>>, vector<1x1x64x128xf32>
    %swap3A_2456 = vector.shape_cast %swap3A_2455 : vector<1x1x64x128xf32> to vector<64x128xf32>
    %swap3A_2457 = vector.shape_cast %add3A_2450 : vector<64x128xf32> to vector<1x1x64x128xf32>
    tpu.vector_store %arg3[%swap3A_2451, %swap3A_2452, %swap3A_2453, %swap3A_2454], %swap3A_2457 {strides = array<i32>} : memref<1x207x64x128xf32, #tpu.memory_space<vmem>>, vector<1x1x64x128xf32>,
    %get3A_2458 = arith.constant 175 : index
    %get3A_2459 = arith.constant 0 : index
    %get3A_2460 = vector.load %arg2[%get3A_2458, %get3A_2459] : memref<207x128xf32, #tpu.memory_space<vmem>>, vector<1x128xf32>
    %get3A_2461 = vector.shape_cast %get3A_2460 : vector<1x128xf32> to vector<128xf32>
    %broadcast_in_dim3A_2462 = vector.shape_cast %get3A_2461 : vector<128xf32> to vector<1x128xf32>
    %add3A_2463 = vector.broadcast %broadcast_in_dim3A_2462 : vector<1x128xf32> to vector<64x128xf32>
    %add3A_2464 = arith.addf %add3A_9, %add3A_2463 : vector<64x128xf32>
    %swap3A_2465 = arith.constant 0 : index
    %swap3A_2466 = arith.constant 175 : index
    %swap3A_2467 = arith.constant 0 : index
    %swap3A_2468 = arith.constant 0 : index
    %swap3A_2469 = vector.load %arg3[%swap3A_2465, %swap3A_2466, %swap3A_2467, %swap3A_2468] : memref<1x207x64x128xf32, #tpu.memory_space<vmem>>, vector<1x1x64x128xf32>
    %swap3A_2470 = vector.shape_cast %swap3A_2469 : vector<1x1x64x128xf32> to vector<64x128xf32>
    %swap3A_2471 = vector.shape_cast %add3A_2464 : vector<64x128xf32> to vector<1x1x64x128xf32>
    tpu.vector_store %arg3[%swap3A_2465, %swap3A_2466, %swap3A_2467, %swap3A_2468], %swap3A_2471 {strides = array<i32>} : memref<1x207x64x128xf32, #tpu.memory_space<vmem>>, vector<1x1x64x128xf32>,
    %get3A_2472 = arith.constant 176 : index
    %get3A_2473 = arith.constant 0 : index
    %get3A_2474 = vector.load %arg2[%get3A_2472, %get3A_2473] : memref<207x128xf32, #tpu.memory_space<vmem>>, vector<1x128xf32>
    %get3A_2475 = vector.shape_cast %get3A_2474 : vector<1x128xf32> to vector<128xf32>
    %broadcast_in_dim3A_2476 = vector.shape_cast %get3A_2475 : vector<128xf32> to vector<1x128xf32>
    %add3A_2477 = vector.broadcast %broadcast_in_dim3A_2476 : vector<1x128xf32> to vector<64x128xf32>
    %add3A_2478 = arith.addf %add3A_9, %add3A_2477 : vector<64x128xf32>
    %swap3A_2479 = arith.constant 0 : index
    %swap3A_2480 = arith.constant 176 : index
    %swap3A_2481 = arith.constant 0 : index
    %swap3A_2482 = arith.constant 0 : index
    %swap3A_2483 = vector.load %arg3[%swap3A_2479, %swap3A_2480, %swap3A_2481, %swap3A_2482] : memref<1x207x64x128xf32, #tpu.memory_space<vmem>>, vector<1x1x64x128xf32>
    %swap3A_2484 = vector.shape_cast %swap3A_2483 : vector<1x1x64x128xf32> to vector<64x128xf32>
    %swap3A_2485 = vector.shape_cast %add3A_2478 : vector<64x128xf32> to vector<1x1x64x128xf32>
    tpu.vector_store %arg3[%swap3A_2479, %swap3A_2480, %swap3A_2481, %swap3A_2482], %swap3A_2485 {strides = array<i32>} : memref<1x207x64x128xf32, #tpu.memory_space<vmem>>, vector<1x1x64x128xf32>,
    %get3A_2486 = arith.constant 177 : index
    %get3A_2487 = arith.constant 0 : index
    %get3A_2488 = vector.load %arg2[%get3A_2486, %get3A_2487] : memref<207x128xf32, #tpu.memory_space<vmem>>, vector<1x128xf32>
    %get3A_2489 = vector.shape_cast %get3A_2488 : vector<1x128xf32> to vector<128xf32>
    %broadcast_in_dim3A_2490 = vector.shape_cast %get3A_2489 : vector<128xf32> to vector<1x128xf32>
    %add3A_2491 = vector.broadcast %broadcast_in_dim3A_2490 : vector<1x128xf32> to vector<64x128xf32>
    %add3A_2492 = arith.addf %add3A_9, %add3A_2491 : vector<64x128xf32>
    %swap3A_2493 = arith.constant 0 : index
    %swap3A_2494 = arith.constant 177 : index
    %swap3A_2495 = arith.constant 0 : index
    %swap3A_2496 = arith.constant 0 : index
    %swap3A_2497 = vector.load %arg3[%swap3A_2493, %swap3A_2494, %swap3A_2495, %swap3A_2496] : memref<1x207x64x128xf32, #tpu.memory_space<vmem>>, vector<1x1x64x128xf32>
    %swap3A_2498 = vector.shape_cast %swap3A_2497 : vector<1x1x64x128xf32> to vector<64x128xf32>
    %swap3A_2499 = vector.shape_cast %add3A_2492 : vector<64x128xf32> to vector<1x1x64x128xf32>
    tpu.vector_store %arg3[%swap3A_2493, %swap3A_2494, %swap3A_2495, %swap3A_2496], %swap3A_2499 {strides = array<i32>} : memref<1x207x64x128xf32, #tpu.memory_space<vmem>>, vector<1x1x64x128xf32>,
    %get3A_2500 = arith.constant 178 : index
    %get3A_2501 = arith.constant 0 : index
    %get3A_2502 = vector.load %arg2[%get3A_2500, %get3A_2501] : memref<207x128xf32, #tpu.memory_space<vmem>>, vector<1x128xf32>
    %get3A_2503 = vector.shape_cast %get3A_2502 : vector<1x128xf32> to vector<128xf32>
    %broadcast_in_dim3A_2504 = vector.shape_cast %get3A_2503 : vector<128xf32> to vector<1x128xf32>
    %add3A_2505 = vector.broadcast %broadcast_in_dim3A_2504 : vector<1x128xf32> to vector<64x128xf32>
    %add3A_2506 = arith.addf %add3A_9, %add3A_2505 : vector<64x128xf32>
    %swap3A_2507 = arith.constant 0 : index
    %swap3A_2508 = arith.constant 178 : index
    %swap3A_2509 = arith.constant 0 : index
    %swap3A_2510 = arith.constant 0 : index
    %swap3A_2511 = vector.load %arg3[%swap3A_2507, %swap3A_2508, %swap3A_2509, %swap3A_2510] : memref<1x207x64x128xf32, #tpu.memory_space<vmem>>, vector<1x1x64x128xf32>
    %swap3A_2512 = vector.shape_cast %swap3A_2511 : vector<1x1x64x128xf32> to vector<64x128xf32>
    %swap3A_2513 = vector.shape_cast %add3A_2506 : vector<64x128xf32> to vector<1x1x64x128xf32>
    tpu.vector_store %arg3[%swap3A_2507, %swap3A_2508, %swap3A_2509, %swap3A_2510], %swap3A_2513 {strides = array<i32>} : memref<1x207x64x128xf32, #tpu.memory_space<vmem>>, vector<1x1x64x128xf32>,
    %get3A_2514 = arith.constant 179 : index
    %get3A_2515 = arith.constant 0 : index
    %get3A_2516 = vector.load %arg2[%get3A_2514, %get3A_2515] : memref<207x128xf32, #tpu.memory_space<vmem>>, vector<1x128xf32>
    %get3A_2517 = vector.shape_cast %get3A_2516 : vector<1x128xf32> to vector<128xf32>
    %broadcast_in_dim3A_2518 = vector.shape_cast %get3A_2517 : vector<128xf32> to vector<1x128xf32>
    %add3A_2519 = vector.broadcast %broadcast_in_dim3A_2518 : vector<1x128xf32> to vector<64x128xf32>
    %add3A_2520 = arith.addf %add3A_9, %add3A_2519 : vector<64x128xf32>
    %swap3A_2521 = arith.constant 0 : index
    %swap3A_2522 = arith.constant 179 : index
    %swap3A_2523 = arith.constant 0 : index
    %swap3A_2524 = arith.constant 0 : index
    %swap3A_2525 = vector.load %arg3[%swap3A_2521, %swap3A_2522, %swap3A_2523, %swap3A_2524] : memref<1x207x64x128xf32, #tpu.memory_space<vmem>>, vector<1x1x64x128xf32>
    %swap3A_2526 = vector.shape_cast %swap3A_2525 : vector<1x1x64x128xf32> to vector<64x128xf32>
    %swap3A_2527 = vector.shape_cast %add3A_2520 : vector<64x128xf32> to vector<1x1x64x128xf32>
    tpu.vector_store %arg3[%swap3A_2521, %swap3A_2522, %swap3A_2523, %swap3A_2524], %swap3A_2527 {strides = array<i32>} : memref<1x207x64x128xf32, #tpu.memory_space<vmem>>, vector<1x1x64x128xf32>,
    %get3A_2528 = arith.constant 180 : index
    %get3A_2529 = arith.constant 0 : index
    %get3A_2530 = vector.load %arg2[%get3A_2528, %get3A_2529] : memref<207x128xf32, #tpu.memory_space<vmem>>, vector<1x128xf32>
    %get3A_2531 = vector.shape_cast %get3A_2530 : vector<1x128xf32> to vector<128xf32>
    %broadcast_in_dim3A_2532 = vector.shape_cast %get3A_2531 : vector<128xf32> to vector<1x128xf32>
    %add3A_2533 = vector.broadcast %broadcast_in_dim3A_2532 : vector<1x128xf32> to vector<64x128xf32>
    %add3A_2534 = arith.addf %add3A_9, %add3A_2533 : vector<64x128xf32>
    %swap3A_2535 = arith.constant 0 : index
    %swap3A_2536 = arith.constant 180 : index
    %swap3A_2537 = arith.constant 0 : index
    %swap3A_2538 = arith.constant 0 : index
    %swap3A_2539 = vector.load %arg3[%swap3A_2535, %swap3A_2536, %swap3A_2537, %swap3A_2538] : memref<1x207x64x128xf32, #tpu.memory_space<vmem>>, vector<1x1x64x128xf32>
    %swap3A_2540 = vector.shape_cast %swap3A_2539 : vector<1x1x64x128xf32> to vector<64x128xf32>
    %swap3A_2541 = vector.shape_cast %add3A_2534 : vector<64x128xf32> to vector<1x1x64x128xf32>
    tpu.vector_store %arg3[%swap3A_2535, %swap3A_2536, %swap3A_2537, %swap3A_2538], %swap3A_2541 {strides = array<i32>} : memref<1x207x64x128xf32, #tpu.memory_space<vmem>>, vector<1x1x64x128xf32>,
    %get3A_2542 = arith.constant 181 : index
    %get3A_2543 = arith.constant 0 : index
    %get3A_2544 = vector.load %arg2[%get3A_2542, %get3A_2543] : memref<207x128xf32, #tpu.memory_space<vmem>>, vector<1x128xf32>
    %get3A_2545 = vector.shape_cast %get3A_2544 : vector<1x128xf32> to vector<128xf32>
    %broadcast_in_dim3A_2546 = vector.shape_cast %get3A_2545 : vector<128xf32> to vector<1x128xf32>
    %add3A_2547 = vector.broadcast %broadcast_in_dim3A_2546 : vector<1x128xf32> to vector<64x128xf32>
    %add3A_2548 = arith.addf %add3A_9, %add3A_2547 : vector<64x128xf32>
    %swap3A_2549 = arith.constant 0 : index
    %swap3A_2550 = arith.constant 181 : index
    %swap3A_2551 = arith.constant 0 : index
    %swap3A_2552 = arith.constant 0 : index
    %swap3A_2553 = vector.load %arg3[%swap3A_2549, %swap3A_2550, %swap3A_2551, %swap3A_2552] : memref<1x207x64x128xf32, #tpu.memory_space<vmem>>, vector<1x1x64x128xf32>
    %swap3A_2554 = vector.shape_cast %swap3A_2553 : vector<1x1x64x128xf32> to vector<64x128xf32>
    %swap3A_2555 = vector.shape_cast %add3A_2548 : vector<64x128xf32> to vector<1x1x64x128xf32>
    tpu.vector_store %arg3[%swap3A_2549, %swap3A_2550, %swap3A_2551, %swap3A_2552], %swap3A_2555 {strides = array<i32>} : memref<1x207x64x128xf32, #tpu.memory_space<vmem>>, vector<1x1x64x128xf32>,
    %get3A_2556 = arith.constant 182 : index
    %get3A_2557 = arith.constant 0 : index
    %get3A_2558 = vector.load %arg2[%get3A_2556, %get3A_2557] : memref<207x128xf32, #tpu.memory_space<vmem>>, vector<1x128xf32>
    %get3A_2559 = vector.shape_cast %get3A_2558 : vector<1x128xf32> to vector<128xf32>
    %broadcast_in_dim3A_2560 = vector.shape_cast %get3A_2559 : vector<128xf32> to vector<1x128xf32>
    %add3A_2561 = vector.broadcast %broadcast_in_dim3A_2560 : vector<1x128xf32> to vector<64x128xf32>
    %add3A_2562 = arith.addf %add3A_9, %add3A_2561 : vector<64x128xf32>
    %swap3A_2563 = arith.constant 0 : index
    %swap3A_2564 = arith.constant 182 : index
    %swap3A_2565 = arith.constant 0 : index
    %swap3A_2566 = arith.constant 0 : index
    %swap3A_2567 = vector.load %arg3[%swap3A_2563, %swap3A_2564, %swap3A_2565, %swap3A_2566] : memref<1x207x64x128xf32, #tpu.memory_space<vmem>>, vector<1x1x64x128xf32>
    %swap3A_2568 = vector.shape_cast %swap3A_2567 : vector<1x1x64x128xf32> to vector<64x128xf32>
    %swap3A_2569 = vector.shape_cast %add3A_2562 : vector<64x128xf32> to vector<1x1x64x128xf32>
    tpu.vector_store %arg3[%swap3A_2563, %swap3A_2564, %swap3A_2565, %swap3A_2566], %swap3A_2569 {strides = array<i32>} : memref<1x207x64x128xf32, #tpu.memory_space<vmem>>, vector<1x1x64x128xf32>,
    %get3A_2570 = arith.constant 183 : index
    %get3A_2571 = arith.constant 0 : index
    %get3A_2572 = vector.load %arg2[%get3A_2570, %get3A_2571] : memref<207x128xf32, #tpu.memory_space<vmem>>, vector<1x128xf32>
    %get3A_2573 = vector.shape_cast %get3A_2572 : vector<1x128xf32> to vector<128xf32>
    %broadcast_in_dim3A_2574 = vector.shape_cast %get3A_2573 : vector<128xf32> to vector<1x128xf32>
    %add3A_2575 = vector.broadcast %broadcast_in_dim3A_2574 : vector<1x128xf32> to vector<64x128xf32>
    %add3A_2576 = arith.addf %add3A_9, %add3A_2575 : vector<64x128xf32>
    %swap3A_2577 = arith.constant 0 : index
    %swap3A_2578 = arith.constant 183 : index
    %swap3A_2579 = arith.constant 0 : index
    %swap3A_2580 = arith.constant 0 : index
    %swap3A_2581 = vector.load %arg3[%swap3A_2577, %swap3A_2578, %swap3A_2579, %swap3A_2580] : memref<1x207x64x128xf32, #tpu.memory_space<vmem>>, vector<1x1x64x128xf32>
    %swap3A_2582 = vector.shape_cast %swap3A_2581 : vector<1x1x64x128xf32> to vector<64x128xf32>
    %swap3A_2583 = vector.shape_cast %add3A_2576 : vector<64x128xf32> to vector<1x1x64x128xf32>
    tpu.vector_store %arg3[%swap3A_2577, %swap3A_2578, %swap3A_2579, %swap3A_2580], %swap3A_2583 {strides = array<i32>} : memref<1x207x64x128xf32, #tpu.memory_space<vmem>>, vector<1x1x64x128xf32>,
    %get3A_2584 = arith.constant 184 : index
    %get3A_2585 = arith.constant 0 : index
    %get3A_2586 = vector.load %arg2[%get3A_2584, %get3A_2585] : memref<207x128xf32, #tpu.memory_space<vmem>>, vector<1x128xf32>
    %get3A_2587 = vector.shape_cast %get3A_2586 : vector<1x128xf32> to vector<128xf32>
    %broadcast_in_dim3A_2588 = vector.shape_cast %get3A_2587 : vector<128xf32> to vector<1x128xf32>
    %add3A_2589 = vector.broadcast %broadcast_in_dim3A_2588 : vector<1x128xf32> to vector<64x128xf32>
    %add3A_2590 = arith.addf %add3A_9, %add3A_2589 : vector<64x128xf32>
    %swap3A_2591 = arith.constant 0 : index
    %swap3A_2592 = arith.constant 184 : index
    %swap3A_2593 = arith.constant 0 : index
    %swap3A_2594 = arith.constant 0 : index
    %swap3A_2595 = vector.load %arg3[%swap3A_2591, %swap3A_2592, %swap3A_2593, %swap3A_2594] : memref<1x207x64x128xf32, #tpu.memory_space<vmem>>, vector<1x1x64x128xf32>
    %swap3A_2596 = vector.shape_cast %swap3A_2595 : vector<1x1x64x128xf32> to vector<64x128xf32>
    %swap3A_2597 = vector.shape_cast %add3A_2590 : vector<64x128xf32> to vector<1x1x64x128xf32>
    tpu.vector_store %arg3[%swap3A_2591, %swap3A_2592, %swap3A_2593, %swap3A_2594], %swap3A_2597 {strides = array<i32>} : memref<1x207x64x128xf32, #tpu.memory_space<vmem>>, vector<1x1x64x128xf32>,
    %get3A_2598 = arith.constant 185 : index
    %get3A_2599 = arith.constant 0 : index
    %get3A_2600 = vector.load %arg2[%get3A_2598, %get3A_2599] : memref<207x128xf32, #tpu.memory_space<vmem>>, vector<1x128xf32>
    %get3A_2601 = vector.shape_cast %get3A_2600 : vector<1x128xf32> to vector<128xf32>
    %broadcast_in_dim3A_2602 = vector.shape_cast %get3A_2601 : vector<128xf32> to vector<1x128xf32>
    %add3A_2603 = vector.broadcast %broadcast_in_dim3A_2602 : vector<1x128xf32> to vector<64x128xf32>
    %add3A_2604 = arith.addf %add3A_9, %add3A_2603 : vector<64x128xf32>
    %swap3A_2605 = arith.constant 0 : index
    %swap3A_2606 = arith.constant 185 : index
    %swap3A_2607 = arith.constant 0 : index
    %swap3A_2608 = arith.constant 0 : index
    %swap3A_2609 = vector.load %arg3[%swap3A_2605, %swap3A_2606, %swap3A_2607, %swap3A_2608] : memref<1x207x64x128xf32, #tpu.memory_space<vmem>>, vector<1x1x64x128xf32>
    %swap3A_2610 = vector.shape_cast %swap3A_2609 : vector<1x1x64x128xf32> to vector<64x128xf32>
    %swap3A_2611 = vector.shape_cast %add3A_2604 : vector<64x128xf32> to vector<1x1x64x128xf32>
    tpu.vector_store %arg3[%swap3A_2605, %swap3A_2606, %swap3A_2607, %swap3A_2608], %swap3A_2611 {strides = array<i32>} : memref<1x207x64x128xf32, #tpu.memory_space<vmem>>, vector<1x1x64x128xf32>,
    %get3A_2612 = arith.constant 186 : index
    %get3A_2613 = arith.constant 0 : index
    %get3A_2614 = vector.load %arg2[%get3A_2612, %get3A_2613] : memref<207x128xf32, #tpu.memory_space<vmem>>, vector<1x128xf32>
    %get3A_2615 = vector.shape_cast %get3A_2614 : vector<1x128xf32> to vector<128xf32>
    %broadcast_in_dim3A_2616 = vector.shape_cast %get3A_2615 : vector<128xf32> to vector<1x128xf32>
    %add3A_2617 = vector.broadcast %broadcast_in_dim3A_2616 : vector<1x128xf32> to vector<64x128xf32>
    %add3A_2618 = arith.addf %add3A_9, %add3A_2617 : vector<64x128xf32>
    %swap3A_2619 = arith.constant 0 : index
    %swap3A_2620 = arith.constant 186 : index
    %swap3A_2621 = arith.constant 0 : index
    %swap3A_2622 = arith.constant 0 : index
    %swap3A_2623 = vector.load %arg3[%swap3A_2619, %swap3A_2620, %swap3A_2621, %swap3A_2622] : memref<1x207x64x128xf32, #tpu.memory_space<vmem>>, vector<1x1x64x128xf32>
    %swap3A_2624 = vector.shape_cast %swap3A_2623 : vector<1x1x64x128xf32> to vector<64x128xf32>
    %swap3A_2625 = vector.shape_cast %add3A_2618 : vector<64x128xf32> to vector<1x1x64x128xf32>
    tpu.vector_store %arg3[%swap3A_2619, %swap3A_2620, %swap3A_2621, %swap3A_2622], %swap3A_2625 {strides = array<i32>} : memref<1x207x64x128xf32, #tpu.memory_space<vmem>>, vector<1x1x64x128xf32>,
    %get3A_2626 = arith.constant 187 : index
    %get3A_2627 = arith.constant 0 : index
    %get3A_2628 = vector.load %arg2[%get3A_2626, %get3A_2627] : memref<207x128xf32, #tpu.memory_space<vmem>>, vector<1x128xf32>
    %get3A_2629 = vector.shape_cast %get3A_2628 : vector<1x128xf32> to vector<128xf32>
    %broadcast_in_dim3A_2630 = vector.shape_cast %get3A_2629 : vector<128xf32> to vector<1x128xf32>
    %add3A_2631 = vector.broadcast %broadcast_in_dim3A_2630 : vector<1x128xf32> to vector<64x128xf32>
    %add3A_2632 = arith.addf %add3A_9, %add3A_2631 : vector<64x128xf32>
    %swap3A_2633 = arith.constant 0 : index
    %swap3A_2634 = arith.constant 187 : index
    %swap3A_2635 = arith.constant 0 : index
    %swap3A_2636 = arith.constant 0 : index
    %swap3A_2637 = vector.load %arg3[%swap3A_2633, %swap3A_2634, %swap3A_2635, %swap3A_2636] : memref<1x207x64x128xf32, #tpu.memory_space<vmem>>, vector<1x1x64x128xf32>
    %swap3A_2638 = vector.shape_cast %swap3A_2637 : vector<1x1x64x128xf32> to vector<64x128xf32>
    %swap3A_2639 = vector.shape_cast %add3A_2632 : vector<64x128xf32> to vector<1x1x64x128xf32>
    tpu.vector_store %arg3[%swap3A_2633, %swap3A_2634, %swap3A_2635, %swap3A_2636], %swap3A_2639 {strides = array<i32>} : memref<1x207x64x128xf32, #tpu.memory_space<vmem>>, vector<1x1x64x128xf32>,
    %get3A_2640 = arith.constant 188 : index
    %get3A_2641 = arith.constant 0 : index
    %get3A_2642 = vector.load %arg2[%get3A_2640, %get3A_2641] : memref<207x128xf32, #tpu.memory_space<vmem>>, vector<1x128xf32>
    %get3A_2643 = vector.shape_cast %get3A_2642 : vector<1x128xf32> to vector<128xf32>
    %broadcast_in_dim3A_2644 = vector.shape_cast %get3A_2643 : vector<128xf32> to vector<1x128xf32>
    %add3A_2645 = vector.broadcast %broadcast_in_dim3A_2644 : vector<1x128xf32> to vector<64x128xf32>
    %add3A_2646 = arith.addf %add3A_9, %add3A_2645 : vector<64x128xf32>
    %swap3A_2647 = arith.constant 0 : index
    %swap3A_2648 = arith.constant 188 : index
    %swap3A_2649 = arith.constant 0 : index
    %swap3A_2650 = arith.constant 0 : index
    %swap3A_2651 = vector.load %arg3[%swap3A_2647, %swap3A_2648, %swap3A_2649, %swap3A_2650] : memref<1x207x64x128xf32, #tpu.memory_space<vmem>>, vector<1x1x64x128xf32>
    %swap3A_2652 = vector.shape_cast %swap3A_2651 : vector<1x1x64x128xf32> to vector<64x128xf32>
    %swap3A_2653 = vector.shape_cast %add3A_2646 : vector<64x128xf32> to vector<1x1x64x128xf32>
    tpu.vector_store %arg3[%swap3A_2647, %swap3A_2648, %swap3A_2649, %swap3A_2650], %swap3A_2653 {strides = array<i32>} : memref<1x207x64x128xf32, #tpu.memory_space<vmem>>, vector<1x1x64x128xf32>,
    %get3A_2654 = arith.constant 189 : index
    %get3A_2655 = arith.constant 0 : index
    %get3A_2656 = vector.load %arg2[%get3A_2654, %get3A_2655] : memref<207x128xf32, #tpu.memory_space<vmem>>, vector<1x128xf32>
    %get3A_2657 = vector.shape_cast %get3A_2656 : vector<1x128xf32> to vector<128xf32>
    %broadcast_in_dim3A_2658 = vector.shape_cast %get3A_2657 : vector<128xf32> to vector<1x128xf32>
    %add3A_2659 = vector.broadcast %broadcast_in_dim3A_2658 : vector<1x128xf32> to vector<64x128xf32>
    %add3A_2660 = arith.addf %add3A_9, %add3A_2659 : vector<64x128xf32>
    %swap3A_2661 = arith.constant 0 : index
    %swap3A_2662 = arith.constant 189 : index
    %swap3A_2663 = arith.constant 0 : index
    %swap3A_2664 = arith.constant 0 : index
    %swap3A_2665 = vector.load %arg3[%swap3A_2661, %swap3A_2662, %swap3A_2663, %swap3A_2664] : memref<1x207x64x128xf32, #tpu.memory_space<vmem>>, vector<1x1x64x128xf32>
    %swap3A_2666 = vector.shape_cast %swap3A_2665 : vector<1x1x64x128xf32> to vector<64x128xf32>
    %swap3A_2667 = vector.shape_cast %add3A_2660 : vector<64x128xf32> to vector<1x1x64x128xf32>
    tpu.vector_store %arg3[%swap3A_2661, %swap3A_2662, %swap3A_2663, %swap3A_2664], %swap3A_2667 {strides = array<i32>} : memref<1x207x64x128xf32, #tpu.memory_space<vmem>>, vector<1x1x64x128xf32>,
    %get3A_2668 = arith.constant 190 : index
    %get3A_2669 = arith.constant 0 : index
    %get3A_2670 = vector.load %arg2[%get3A_2668, %get3A_2669] : memref<207x128xf32, #tpu.memory_space<vmem>>, vector<1x128xf32>
    %get3A_2671 = vector.shape_cast %get3A_2670 : vector<1x128xf32> to vector<128xf32>
    %broadcast_in_dim3A_2672 = vector.shape_cast %get3A_2671 : vector<128xf32> to vector<1x128xf32>
    %add3A_2673 = vector.broadcast %broadcast_in_dim3A_2672 : vector<1x128xf32> to vector<64x128xf32>
    %add3A_2674 = arith.addf %add3A_9, %add3A_2673 : vector<64x128xf32>
    %swap3A_2675 = arith.constant 0 : index
    %swap3A_2676 = arith.constant 190 : index
    %swap3A_2677 = arith.constant 0 : index
    %swap3A_2678 = arith.constant 0 : index
    %swap3A_2679 = vector.load %arg3[%swap3A_2675, %swap3A_2676, %swap3A_2677, %swap3A_2678] : memref<1x207x64x128xf32, #tpu.memory_space<vmem>>, vector<1x1x64x128xf32>
    %swap3A_2680 = vector.shape_cast %swap3A_2679 : vector<1x1x64x128xf32> to vector<64x128xf32>
    %swap3A_2681 = vector.shape_cast %add3A_2674 : vector<64x128xf32> to vector<1x1x64x128xf32>
    tpu.vector_store %arg3[%swap3A_2675, %swap3A_2676, %swap3A_2677, %swap3A_2678], %swap3A_2681 {strides = array<i32>} : memref<1x207x64x128xf32, #tpu.memory_space<vmem>>, vector<1x1x64x128xf32>,
    %get3A_2682 = arith.constant 191 : index
    %get3A_2683 = arith.constant 0 : index
    %get3A_2684 = vector.load %arg2[%get3A_2682, %get3A_2683] : memref<207x128xf32, #tpu.memory_space<vmem>>, vector<1x128xf32>
    %get3A_2685 = vector.shape_cast %get3A_2684 : vector<1x128xf32> to vector<128xf32>
    %broadcast_in_dim3A_2686 = vector.shape_cast %get3A_2685 : vector<128xf32> to vector<1x128xf32>
    %add3A_2687 = vector.broadcast %broadcast_in_dim3A_2686 : vector<1x128xf32> to vector<64x128xf32>
    %add3A_2688 = arith.addf %add3A_9, %add3A_2687 : vector<64x128xf32>
    %swap3A_2689 = arith.constant 0 : index
    %swap3A_2690 = arith.constant 191 : index
    %swap3A_2691 = arith.constant 0 : index
    %swap3A_2692 = arith.constant 0 : index
    %swap3A_2693 = vector.load %arg3[%swap3A_2689, %swap3A_2690, %swap3A_2691, %swap3A_2692] : memref<1x207x64x128xf32, #tpu.memory_space<vmem>>, vector<1x1x64x128xf32>
    %swap3A_2694 = vector.shape_cast %swap3A_2693 : vector<1x1x64x128xf32> to vector<64x128xf32>
    %swap3A_2695 = vector.shape_cast %add3A_2688 : vector<64x128xf32> to vector<1x1x64x128xf32>
    tpu.vector_store %arg3[%swap3A_2689, %swap3A_2690, %swap3A_2691, %swap3A_2692], %swap3A_2695 {strides = array<i32>} : memref<1x207x64x128xf32, #tpu.memory_space<vmem>>, vector<1x1x64x128xf32>,
    %get3A_2696 = arith.constant 192 : index
    %get3A_2697 = arith.constant 0 : index
    %get3A_2698 = vector.load %arg2[%get3A_2696, %get3A_2697] : memref<207x128xf32, #tpu.memory_space<vmem>>, vector<1x128xf32>
    %get3A_2699 = vector.shape_cast %get3A_2698 : vector<1x128xf32> to vector<128xf32>
    %broadcast_in_dim3A_2700 = vector.shape_cast %get3A_2699 : vector<128xf32> to vector<1x128xf32>
    %add3A_2701 = vector.broadcast %broadcast_in_dim3A_2700 : vector<1x128xf32> to vector<64x128xf32>
    %add3A_2702 = arith.addf %add3A_9, %add3A_2701 : vector<64x128xf32>
    %swap3A_2703 = arith.constant 0 : index
    %swap3A_2704 = arith.constant 192 : index
    %swap3A_2705 = arith.constant 0 : index
    %swap3A_2706 = arith.constant 0 : index
    %swap3A_2707 = vector.load %arg3[%swap3A_2703, %swap3A_2704, %swap3A_2705, %swap3A_2706] : memref<1x207x64x128xf32, #tpu.memory_space<vmem>>, vector<1x1x64x128xf32>
    %swap3A_2708 = vector.shape_cast %swap3A_2707 : vector<1x1x64x128xf32> to vector<64x128xf32>
    %swap3A_2709 = vector.shape_cast %add3A_2702 : vector<64x128xf32> to vector<1x1x64x128xf32>
    tpu.vector_store %arg3[%swap3A_2703, %swap3A_2704, %swap3A_2705, %swap3A_2706], %swap3A_2709 {strides = array<i32>} : memref<1x207x64x128xf32, #tpu.memory_space<vmem>>, vector<1x1x64x128xf32>,
    %get3A_2710 = arith.constant 193 : index
    %get3A_2711 = arith.constant 0 : index
    %get3A_2712 = vector.load %arg2[%get3A_2710, %get3A_2711] : memref<207x128xf32, #tpu.memory_space<vmem>>, vector<1x128xf32>
    %get3A_2713 = vector.shape_cast %get3A_2712 : vector<1x128xf32> to vector<128xf32>
    %broadcast_in_dim3A_2714 = vector.shape_cast %get3A_2713 : vector<128xf32> to vector<1x128xf32>
    %add3A_2715 = vector.broadcast %broadcast_in_dim3A_2714 : vector<1x128xf32> to vector<64x128xf32>
    %add3A_2716 = arith.addf %add3A_9, %add3A_2715 : vector<64x128xf32>
    %swap3A_2717 = arith.constant 0 : index
    %swap3A_2718 = arith.constant 193 : index
    %swap3A_2719 = arith.constant 0 : index
    %swap3A_2720 = arith.constant 0 : index
    %swap3A_2721 = vector.load %arg3[%swap3A_2717, %swap3A_2718, %swap3A_2719, %swap3A_2720] : memref<1x207x64x128xf32, #tpu.memory_space<vmem>>, vector<1x1x64x128xf32>
    %swap3A_2722 = vector.shape_cast %swap3A_2721 : vector<1x1x64x128xf32> to vector<64x128xf32>
    %swap3A_2723 = vector.shape_cast %add3A_2716 : vector<64x128xf32> to vector<1x1x64x128xf32>
    tpu.vector_store %arg3[%swap3A_2717, %swap3A_2718, %swap3A_2719, %swap3A_2720], %swap3A_2723 {strides = array<i32>} : memref<1x207x64x128xf32, #tpu.memory_space<vmem>>, vector<1x1x64x128xf32>,
    %get3A_2724 = arith.constant 194 : index
    %get3A_2725 = arith.constant 0 : index
    %get3A_2726 = vector.load %arg2[%get3A_2724, %get3A_2725] : memref<207x128xf32, #tpu.memory_space<vmem>>, vector<1x128xf32>
    %get3A_2727 = vector.shape_cast %get3A_2726 : vector<1x128xf32> to vector<128xf32>
    %broadcast_in_dim3A_2728 = vector.shape_cast %get3A_2727 : vector<128xf32> to vector<1x128xf32>
    %add3A_2729 = vector.broadcast %broadcast_in_dim3A_2728 : vector<1x128xf32> to vector<64x128xf32>
    %add3A_2730 = arith.addf %add3A_9, %add3A_2729 : vector<64x128xf32>
    %swap3A_2731 = arith.constant 0 : index
    %swap3A_2732 = arith.constant 194 : index
    %swap3A_2733 = arith.constant 0 : index
    %swap3A_2734 = arith.constant 0 : index
    %swap3A_2735 = vector.load %arg3[%swap3A_2731, %swap3A_2732, %swap3A_2733, %swap3A_2734] : memref<1x207x64x128xf32, #tpu.memory_space<vmem>>, vector<1x1x64x128xf32>
    %swap3A_2736 = vector.shape_cast %swap3A_2735 : vector<1x1x64x128xf32> to vector<64x128xf32>
    %swap3A_2737 = vector.shape_cast %add3A_2730 : vector<64x128xf32> to vector<1x1x64x128xf32>
    tpu.vector_store %arg3[%swap3A_2731, %swap3A_2732, %swap3A_2733, %swap3A_2734], %swap3A_2737 {strides = array<i32>} : memref<1x207x64x128xf32, #tpu.memory_space<vmem>>, vector<1x1x64x128xf32>,
    %get3A_2738 = arith.constant 195 : index
    %get3A_2739 = arith.constant 0 : index
    %get3A_2740 = vector.load %arg2[%get3A_2738, %get3A_2739] : memref<207x128xf32, #tpu.memory_space<vmem>>, vector<1x128xf32>
    %get3A_2741 = vector.shape_cast %get3A_2740 : vector<1x128xf32> to vector<128xf32>
    %broadcast_in_dim3A_2742 = vector.shape_cast %get3A_2741 : vector<128xf32> to vector<1x128xf32>
    %add3A_2743 = vector.broadcast %broadcast_in_dim3A_2742 : vector<1x128xf32> to vector<64x128xf32>
    %add3A_2744 = arith.addf %add3A_9, %add3A_2743 : vector<64x128xf32>
    %swap3A_2745 = arith.constant 0 : index
    %swap3A_2746 = arith.constant 195 : index
    %swap3A_2747 = arith.constant 0 : index
    %swap3A_2748 = arith.constant 0 : index
    %swap3A_2749 = vector.load %arg3[%swap3A_2745, %swap3A_2746, %swap3A_2747, %swap3A_2748] : memref<1x207x64x128xf32, #tpu.memory_space<vmem>>, vector<1x1x64x128xf32>
    %swap3A_2750 = vector.shape_cast %swap3A_2749 : vector<1x1x64x128xf32> to vector<64x128xf32>
    %swap3A_2751 = vector.shape_cast %add3A_2744 : vector<64x128xf32> to vector<1x1x64x128xf32>
    tpu.vector_store %arg3[%swap3A_2745, %swap3A_2746, %swap3A_2747, %swap3A_2748], %swap3A_2751 {strides = array<i32>} : memref<1x207x64x128xf32, #tpu.memory_space<vmem>>, vector<1x1x64x128xf32>,
    %get3A_2752 = arith.constant 196 : index
    %get3A_2753 = arith.constant 0 : index
    %get3A_2754 = vector.load %arg2[%get3A_2752, %get3A_2753] : memref<207x128xf32, #tpu.memory_space<vmem>>, vector<1x128xf32>
    %get3A_2755 = vector.shape_cast %get3A_2754 : vector<1x128xf32> to vector<128xf32>
    %broadcast_in_dim3A_2756 = vector.shape_cast %get3A_2755 : vector<128xf32> to vector<1x128xf32>
    %add3A_2757 = vector.broadcast %broadcast_in_dim3A_2756 : vector<1x128xf32> to vector<64x128xf32>
    %add3A_2758 = arith.addf %add3A_9, %add3A_2757 : vector<64x128xf32>
    %swap3A_2759 = arith.constant 0 : index
    %swap3A_2760 = arith.constant 196 : index
    %swap3A_2761 = arith.constant 0 : index
    %swap3A_2762 = arith.constant 0 : index
    %swap3A_2763 = vector.load %arg3[%swap3A_2759, %swap3A_2760, %swap3A_2761, %swap3A_2762] : memref<1x207x64x128xf32, #tpu.memory_space<vmem>>, vector<1x1x64x128xf32>
    %swap3A_2764 = vector.shape_cast %swap3A_2763 : vector<1x1x64x128xf32> to vector<64x128xf32>
    %swap3A_2765 = vector.shape_cast %add3A_2758 : vector<64x128xf32> to vector<1x1x64x128xf32>
    tpu.vector_store %arg3[%swap3A_2759, %swap3A_2760, %swap3A_2761, %swap3A_2762], %swap3A_2765 {strides = array<i32>} : memref<1x207x64x128xf32, #tpu.memory_space<vmem>>, vector<1x1x64x128xf32>,
    %get3A_2766 = arith.constant 197 : index
    %get3A_2767 = arith.constant 0 : index
    %get3A_2768 = vector.load %arg2[%get3A_2766, %get3A_2767] : memref<207x128xf32, #tpu.memory_space<vmem>>, vector<1x128xf32>
    %get3A_2769 = vector.shape_cast %get3A_2768 : vector<1x128xf32> to vector<128xf32>
    %broadcast_in_dim3A_2770 = vector.shape_cast %get3A_2769 : vector<128xf32> to vector<1x128xf32>
    %add3A_2771 = vector.broadcast %broadcast_in_dim3A_2770 : vector<1x128xf32> to vector<64x128xf32>
    %add3A_2772 = arith.addf %add3A_9, %add3A_2771 : vector<64x128xf32>
    %swap3A_2773 = arith.constant 0 : index
    %swap3A_2774 = arith.constant 197 : index
    %swap3A_2775 = arith.constant 0 : index
    %swap3A_2776 = arith.constant 0 : index
    %swap3A_2777 = vector.load %arg3[%swap3A_2773, %swap3A_2774, %swap3A_2775, %swap3A_2776] : memref<1x207x64x128xf32, #tpu.memory_space<vmem>>, vector<1x1x64x128xf32>
    %swap3A_2778 = vector.shape_cast %swap3A_2777 : vector<1x1x64x128xf32> to vector<64x128xf32>
    %swap3A_2779 = vector.shape_cast %add3A_2772 : vector<64x128xf32> to vector<1x1x64x128xf32>
    tpu.vector_store %arg3[%swap3A_2773, %swap3A_2774, %swap3A_2775, %swap3A_2776], %swap3A_2779 {strides = array<i32>} : memref<1x207x64x128xf32, #tpu.memory_space<vmem>>, vector<1x1x64x128xf32>,
    %get3A_2780 = arith.constant 198 : index
    %get3A_2781 = arith.constant 0 : index
    %get3A_2782 = vector.load %arg2[%get3A_2780, %get3A_2781] : memref<207x128xf32, #tpu.memory_space<vmem>>, vector<1x128xf32>
    %get3A_2783 = vector.shape_cast %get3A_2782 : vector<1x128xf32> to vector<128xf32>
    %broadcast_in_dim3A_2784 = vector.shape_cast %get3A_2783 : vector<128xf32> to vector<1x128xf32>
    %add3A_2785 = vector.broadcast %broadcast_in_dim3A_2784 : vector<1x128xf32> to vector<64x128xf32>
    %add3A_2786 = arith.addf %add3A_9, %add3A_2785 : vector<64x128xf32>
    %swap3A_2787 = arith.constant 0 : index
    %swap3A_2788 = arith.constant 198 : index
    %swap3A_2789 = arith.constant 0 : index
    %swap3A_2790 = arith.constant 0 : index
    %swap3A_2791 = vector.load %arg3[%swap3A_2787, %swap3A_2788, %swap3A_2789, %swap3A_2790] : memref<1x207x64x128xf32, #tpu.memory_space<vmem>>, vector<1x1x64x128xf32>
    %swap3A_2792 = vector.shape_cast %swap3A_2791 : vector<1x1x64x128xf32> to vector<64x128xf32>
    %swap3A_2793 = vector.shape_cast %add3A_2786 : vector<64x128xf32> to vector<1x1x64x128xf32>
    tpu.vector_store %arg3[%swap3A_2787, %swap3A_2788, %swap3A_2789, %swap3A_2790], %swap3A_2793 {strides = array<i32>} : memref<1x207x64x128xf32, #tpu.memory_space<vmem>>, vector<1x1x64x128xf32>,
    %get3A_2794 = arith.constant 199 : index
    %get3A_2795 = arith.constant 0 : index
    %get3A_2796 = vector.load %arg2[%get3A_2794, %get3A_2795] : memref<207x128xf32, #tpu.memory_space<vmem>>, vector<1x128xf32>
    %get3A_2797 = vector.shape_cast %get3A_2796 : vector<1x128xf32> to vector<128xf32>
    %broadcast_in_dim3A_2798 = vector.shape_cast %get3A_2797 : vector<128xf32> to vector<1x128xf32>
    %add3A_2799 = vector.broadcast %broadcast_in_dim3A_2798 : vector<1x128xf32> to vector<64x128xf32>
    %add3A_2800 = arith.addf %add3A_9, %add3A_2799 : vector<64x128xf32>
    %swap3A_2801 = arith.constant 0 : index
    %swap3A_2802 = arith.constant 199 : index
    %swap3A_2803 = arith.constant 0 : index
    %swap3A_2804 = arith.constant 0 : index
    %swap3A_2805 = vector.load %arg3[%swap3A_2801, %swap3A_2802, %swap3A_2803, %swap3A_2804] : memref<1x207x64x128xf32, #tpu.memory_space<vmem>>, vector<1x1x64x128xf32>
    %swap3A_2806 = vector.shape_cast %swap3A_2805 : vector<1x1x64x128xf32> to vector<64x128xf32>
    %swap3A_2807 = vector.shape_cast %add3A_2800 : vector<64x128xf32> to vector<1x1x64x128xf32>
    tpu.vector_store %arg3[%swap3A_2801, %swap3A_2802, %swap3A_2803, %swap3A_2804], %swap3A_2807 {strides = array<i32>} : memref<1x207x64x128xf32, #tpu.memory_space<vmem>>, vector<1x1x64x128xf32>,
    %get3A_2808 = arith.constant 200 : index
    %get3A_2809 = arith.constant 0 : index
    %get3A_2810 = vector.load %arg2[%get3A_2808, %get3A_2809] : memref<207x128xf32, #tpu.memory_space<vmem>>, vector<1x128xf32>
    %get3A_2811 = vector.shape_cast %get3A_2810 : vector<1x128xf32> to vector<128xf32>
    %broadcast_in_dim3A_2812 = vector.shape_cast %get3A_2811 : vector<128xf32> to vector<1x128xf32>
    %add3A_2813 = vector.broadcast %broadcast_in_dim3A_2812 : vector<1x128xf32> to vector<64x128xf32>
    %add3A_2814 = arith.addf %add3A_9, %add3A_2813 : vector<64x128xf32>
    %swap3A_2815 = arith.constant 0 : index
    %swap3A_2816 = arith.constant 200 : index
    %swap3A_2817 = arith.constant 0 : index
    %swap3A_2818 = arith.constant 0 : index
    %swap3A_2819 = vector.load %arg3[%swap3A_2815, %swap3A_2816, %swap3A_2817, %swap3A_2818] : memref<1x207x64x128xf32, #tpu.memory_space<vmem>>, vector<1x1x64x128xf32>
    %swap3A_2820 = vector.shape_cast %swap3A_2819 : vector<1x1x64x128xf32> to vector<64x128xf32>
    %swap3A_2821 = vector.shape_cast %add3A_2814 : vector<64x128xf32> to vector<1x1x64x128xf32>
    tpu.vector_store %arg3[%swap3A_2815, %swap3A_2816, %swap3A_2817, %swap3A_2818], %swap3A_2821 {strides = array<i32>} : memref<1x207x64x128xf32, #tpu.memory_space<vmem>>, vector<1x1x64x128xf32>,
    %get3A_2822 = arith.constant 201 : index
    %get3A_2823 = arith.constant 0 : index
    %get3A_2824 = vector.load %arg2[%get3A_2822, %get3A_2823] : memref<207x128xf32, #tpu.memory_space<vmem>>, vector<1x128xf32>
    %get3A_2825 = vector.shape_cast %get3A_2824 : vector<1x128xf32> to vector<128xf32>
    %broadcast_in_dim3A_2826 = vector.shape_cast %get3A_2825 : vector<128xf32> to vector<1x128xf32>
    %add3A_2827 = vector.broadcast %broadcast_in_dim3A_2826 : vector<1x128xf32> to vector<64x128xf32>
    %add3A_2828 = arith.addf %add3A_9, %add3A_2827 : vector<64x128xf32>
    %swap3A_2829 = arith.constant 0 : index
    %swap3A_2830 = arith.constant 201 : index
    %swap3A_2831 = arith.constant 0 : index
    %swap3A_2832 = arith.constant 0 : index
    %swap3A_2833 = vector.load %arg3[%swap3A_2829, %swap3A_2830, %swap3A_2831, %swap3A_2832] : memref<1x207x64x128xf32, #tpu.memory_space<vmem>>, vector<1x1x64x128xf32>
    %swap3A_2834 = vector.shape_cast %swap3A_2833 : vector<1x1x64x128xf32> to vector<64x128xf32>
    %swap3A_2835 = vector.shape_cast %add3A_2828 : vector<64x128xf32> to vector<1x1x64x128xf32>
    tpu.vector_store %arg3[%swap3A_2829, %swap3A_2830, %swap3A_2831, %swap3A_2832], %swap3A_2835 {strides = array<i32>} : memref<1x207x64x128xf32, #tpu.memory_space<vmem>>, vector<1x1x64x128xf32>,
    %get3A_2836 = arith.constant 202 : index
    %get3A_2837 = arith.constant 0 : index
    %get3A_2838 = vector.load %arg2[%get3A_2836, %get3A_2837] : memref<207x128xf32, #tpu.memory_space<vmem>>, vector<1x128xf32>
    %get3A_2839 = vector.shape_cast %get3A_2838 : vector<1x128xf32> to vector<128xf32>
    %broadcast_in_dim3A_2840 = vector.shape_cast %get3A_2839 : vector<128xf32> to vector<1x128xf32>
    %add3A_2841 = vector.broadcast %broadcast_in_dim3A_2840 : vector<1x128xf32> to vector<64x128xf32>
    %add3A_2842 = arith.addf %add3A_9, %add3A_2841 : vector<64x128xf32>
    %swap3A_2843 = arith.constant 0 : index
    %swap3A_2844 = arith.constant 202 : index
    %swap3A_2845 = arith.constant 0 : index
    %swap3A_2846 = arith.constant 0 : index
    %swap3A_2847 = vector.load %arg3[%swap3A_2843, %swap3A_2844, %swap3A_2845, %swap3A_2846] : memref<1x207x64x128xf32, #tpu.memory_space<vmem>>, vector<1x1x64x128xf32>
    %swap3A_2848 = vector.shape_cast %swap3A_2847 : vector<1x1x64x128xf32> to vector<64x128xf32>
    %swap3A_2849 = vector.shape_cast %add3A_2842 : vector<64x128xf32> to vector<1x1x64x128xf32>
    tpu.vector_store %arg3[%swap3A_2843, %swap3A_2844, %swap3A_2845, %swap3A_2846], %swap3A_2849 {strides = array<i32>} : memref<1x207x64x128xf32, #tpu.memory_space<vmem>>, vector<1x1x64x128xf32>,
    %get3A_2850 = arith.constant 203 : index
    %get3A_2851 = arith.constant 0 : index
    %get3A_2852 = vector.load %arg2[%get3A_2850, %get3A_2851] : memref<207x128xf32, #tpu.memory_space<vmem>>, vector<1x128xf32>
    %get3A_2853 = vector.shape_cast %get3A_2852 : vector<1x128xf32> to vector<128xf32>
    %broadcast_in_dim3A_2854 = vector.shape_cast %get3A_2853 : vector<128xf32> to vector<1x128xf32>
    %add3A_2855 = vector.broadcast %broadcast_in_dim3A_2854 : vector<1x128xf32> to vector<64x128xf32>
    %add3A_2856 = arith.addf %add3A_9, %add3A_2855 : vector<64x128xf32>
    %swap3A_2857 = arith.constant 0 : index
    %swap3A_2858 = arith.constant 203 : index
    %swap3A_2859 = arith.constant 0 : index
    %swap3A_2860 = arith.constant 0 : index
    %swap3A_2861 = vector.load %arg3[%swap3A_2857, %swap3A_2858, %swap3A_2859, %swap3A_2860] : memref<1x207x64x128xf32, #tpu.memory_space<vmem>>, vector<1x1x64x128xf32>
    %swap3A_2862 = vector.shape_cast %swap3A_2861 : vector<1x1x64x128xf32> to vector<64x128xf32>
    %swap3A_2863 = vector.shape_cast %add3A_2856 : vector<64x128xf32> to vector<1x1x64x128xf32>
    tpu.vector_store %arg3[%swap3A_2857, %swap3A_2858, %swap3A_2859, %swap3A_2860], %swap3A_2863 {strides = array<i32>} : memref<1x207x64x128xf32, #tpu.memory_space<vmem>>, vector<1x1x64x128xf32>,
    %get3A_2864 = arith.constant 204 : index
    %get3A_2865 = arith.constant 0 : index
    %get3A_2866 = vector.load %arg2[%get3A_2864, %get3A_2865] : memref<207x128xf32, #tpu.memory_space<vmem>>, vector<1x128xf32>
    %get3A_2867 = vector.shape_cast %get3A_2866 : vector<1x128xf32> to vector<128xf32>
    %broadcast_in_dim3A_2868 = vector.shape_cast %get3A_2867 : vector<128xf32> to vector<1x128xf32>
    %add3A_2869 = vector.broadcast %broadcast_in_dim3A_2868 : vector<1x128xf32> to vector<64x128xf32>
    %add3A_2870 = arith.addf %add3A_9, %add3A_2869 : vector<64x128xf32>
    %swap3A_2871 = arith.constant 0 : index
    %swap3A_2872 = arith.constant 204 : index
    %swap3A_2873 = arith.constant 0 : index
    %swap3A_2874 = arith.constant 0 : index
    %swap3A_2875 = vector.load %arg3[%swap3A_2871, %swap3A_2872, %swap3A_2873, %swap3A_2874] : memref<1x207x64x128xf32, #tpu.memory_space<vmem>>, vector<1x1x64x128xf32>
    %swap3A_2876 = vector.shape_cast %swap3A_2875 : vector<1x1x64x128xf32> to vector<64x128xf32>
    %swap3A_2877 = vector.shape_cast %add3A_2870 : vector<64x128xf32> to vector<1x1x64x128xf32>
    tpu.vector_store %arg3[%swap3A_2871, %swap3A_2872, %swap3A_2873, %swap3A_2874], %swap3A_2877 {strides = array<i32>} : memref<1x207x64x128xf32, #tpu.memory_space<vmem>>, vector<1x1x64x128xf32>,
    %get3A_2878 = arith.constant 205 : index
    %get3A_2879 = arith.constant 0 : index
    %get3A_2880 = vector.load %arg2[%get3A_2878, %get3A_2879] : memref<207x128xf32, #tpu.memory_space<vmem>>, vector<1x128xf32>
    %get3A_2881 = vector.shape_cast %get3A_2880 : vector<1x128xf32> to vector<128xf32>
    %broadcast_in_dim3A_2882 = vector.shape_cast %get3A_2881 : vector<128xf32> to vector<1x128xf32>
    %add3A_2883 = vector.broadcast %broadcast_in_dim3A_2882 : vector<1x128xf32> to vector<64x128xf32>
    %add3A_2884 = arith.addf %add3A_9, %add3A_2883 : vector<64x128xf32>
    %swap3A_2885 = arith.constant 0 : index
    %swap3A_2886 = arith.constant 205 : index
    %swap3A_2887 = arith.constant 0 : index
    %swap3A_2888 = arith.constant 0 : index
    %swap3A_2889 = vector.load %arg3[%swap3A_2885, %swap3A_2886, %swap3A_2887, %swap3A_2888] : memref<1x207x64x128xf32, #tpu.memory_space<vmem>>, vector<1x1x64x128xf32>
    %swap3A_2890 = vector.shape_cast %swap3A_2889 : vector<1x1x64x128xf32> to vector<64x128xf32>
    %swap3A_2891 = vector.shape_cast %add3A_2884 : vector<64x128xf32> to vector<1x1x64x128xf32>
    tpu.vector_store %arg3[%swap3A_2885, %swap3A_2886, %swap3A_2887, %swap3A_2888], %swap3A_2891 {strides = array<i32>} : memref<1x207x64x128xf32, #tpu.memory_space<vmem>>, vector<1x1x64x128xf32>,
    %get3A_2892 = arith.constant 206 : index
    %get3A_2893 = arith.constant 0 : index
    %get3A_2894 = vector.load %arg2[%get3A_2892, %get3A_2893] : memref<207x128xf32, #tpu.memory_space<vmem>>, vector<1x128xf32>
    %get3A_2895 = vector.shape_cast %get3A_2894 : vector<1x128xf32> to vector<128xf32>
    %broadcast_in_dim3A_2896 = vector.shape_cast %get3A_2895 : vector<128xf32> to vector<1x128xf32>
    %add3A_2897 = vector.broadcast %broadcast_in_dim3A_2896 : vector<1x128xf32> to vector<64x128xf32>
    %add3A_2898 = arith.addf %add3A_9, %add3A_2897 : vector<64x128xf32>
    %swap3A_2899 = arith.constant 0 : index
    %swap3A_2900 = arith.constant 206 : index
    %swap3A_2901 = arith.constant 0 : index
    %swap3A_2902 = arith.constant 0 : index
    %swap3A_2903 = vector.load %arg3[%swap3A_2899, %swap3A_2900, %swap3A_2901, %swap3A_2902] : memref<1x207x64x128xf32, #tpu.memory_space<vmem>>, vector<1x1x64x128xf32>
    %swap3A_2904 = vector.shape_cast %swap3A_2903 : vector<1x1x64x128xf32> to vector<64x128xf32>
    %swap3A_2905 = vector.shape_cast %add3A_2898 : vector<64x128xf32> to vector<1x1x64x128xf32>
    tpu.vector_store %arg3[%swap3A_2899, %swap3A_2900, %swap3A_2901, %swap3A_2902], %swap3A_2905 {strides = array<i32>} : memref<1x207x64x128xf32, #tpu.memory_space<vmem>>, vector<1x1x64x128xf32>,
    return
  }
  func.func @transform_0(%arg0: i32) -> (i32, i32) {
    %c0_i32 = arith.constant 0 : i32
    %c0_i32_0 = arith.constant 0 : i32
    %c0_i32_1 = arith.constant 0 : i32
    return %c0_i32, %c0_i32_0 : i32, i32
  }
  func.func @transform_1(%arg0: i32) -> (i32, i32) {
    %c0_i32 = arith.constant 0 : i32
    %c0_i32_0 = arith.constant 0 : i32
    %c0_i32_1 = arith.constant 0 : i32
    return %c0_i32, %c0_i32_0 : i32, i32
  }
  func.func @transform_2(%arg0: i32) -> (i32, i32, i32, i32) {
    %c0_i32 = arith.constant 0 : i32
    %c0_i32_0 = arith.constant 0 : i32
    %c0_i32_1 = arith.constant 0 : i32
    %c0_i32_2 = arith.constant 0 : i32
    return %arg0, %c0_i32, %c0_i32_0, %c0_i32_1 : i32, i32, i32, i32
  }
}

</mosaic_0001>

<sc_bundles>
// kernel: kernel.5.cloned.1.call-start
scs
__scs_entry_jumppad:
0x0: {  	(pc) =	sbr.rel $0x88, $3  }
0x1: {  	(tag) =	ssettag $0x0;
	lr =	simm.s32 $0x1  }
0x2: {  	[smem:$0x3F99] =	sst lr;
	_ =	strace $0xD0000000  }
0x3: {  	_ = 	snop  }
0x4: {  	_ = 	snop  }
0x5: {  	_ = 	snop  }
0x6: {  	_ = 	snop  }
0x7: {  	_ = 	snop  }
__scs_overlays_trampoline_lowered:
0x8: {  	[smem:$0x3FA8] =	sst s0  }
0x9: {  	[smem:$0x3FA9] =	sst s1  }
0xa: {  	[smem:$0x3FAA] =	sst s2  }
0xb: {  	[smem:$0x3FAB] =	sst s3  }
0xc: {  	[smem:$0x3FAC] =	sst s4  }
0xd: {  	[smem:$0x3FAD] =	sst s5  }
0xe: {  	[smem:$0x3FAE] =	sst s6  }
0xf: {  	[smem:$0x3FAF] =	sst s7  }
0x10: {  	[smem:$0x3FB0] =	sst s8  }
0x11: {  	[smem:$0x3FB1] =	sst s9;
	s0 =	simm.s32 @!p0 $0x0  }
0x12: {  	s1 =	sld [smem:$0x3F97];
	s0 =	simm.s32 @p0 $0x1  }
0x13: {  	[smem:$0x3FB2] =	sst s0;
	s0 =	simm.s32 @!p1 $0x0  }
0x14: {  	s2 =	sld [smem:$0x3F96];
	s0 =	simm.s32 @p1 $0x1  }
0x15: {  	[smem:$0x3FB3] =	sst s0;
	s0 =	simm.s32 @!p2 $0x0  }
0x16: {  	s3 =	sld [smem:$0x3FDB];
	s0 =	simm.s32 @p2 $0x1  }
0x17: {  	s4 =	simm.s32 $0x1BF5;
	[smem:$0x3FB5] =	sst s0  }
0x18: {  	s0 =	sld [smem:$0x3F98];
	_ =	swait.ge [sflag:s4], $0x0  }
0x19: {  	s7 =	sld [smem:$0x3F99]  }
0x1a: {  	s8 =	sadd.s32 $0xFFFFE003, lr  }
0x1b: {  	s9 =	sadd.s32 $0xFFFFFEF7, lr;
	s5 =	simm.s32 $0xFFFFFFFF;
	p2 =	slt.u32 s8, $0xFFFFF086  }
0x1c: {  	p1 =	slt.u32 s9, $0xF7A;
	s5 =	simm.s32 @!p2 $0x0  }
0x1d: {  	s5 =	simm.s32 @p1 $0x1;
	p0 =	seq.s32 s7, s2  }
0x1e: {  	s7 =	smul.u32 @!p0 $0xF7A, s2;
	p2 =	seq.s32 @!p0 s5, $0x0  }
0x1f: {  	s9 =	smul.u32 $0xF7A, s1;
	s8 =	simm.s32 @!p0 $0x1BF5;
	p2 =	por !p2, p0  }
0x20: {  	[sflag:s8] =	ssyncset.s32 @!p0 $0xFFFFF086;
	s6 =	sadd.s32 @!p0 s3, s7;
	s7 =	simm.s32 @!p0 $0x108  }
0x21: {  	s3 =	sadd.s32 s3, s9;
	s6 =	sadd.s32 @!p0 $0x88, s6;
	s7 =	simm.s32 @p2 $0x1082  }
0x22: {  	[simem:s7], [sflag:s8] =	dma.local @!p0 [hbm:s6], $0xF7A  }
0x23: {  	s9 =	sor.u32 $0xD0000000, s2;
	s6 =	simm.s32 $0x108;
	_ =	swait.ge @!p0 [sflag:s8], $0x0  }
0x24: {  	s3 =	sadd.s32 $0x88, s3;
	s6 =	simm.s32 @!p1 $0x1082;
	[sflag:s4] =	ssyncset.s32 $0xFFFFF086  }
0x25: {  	[simem:s6], [sflag:s4] =	dma.local [hbm:s3], $0xF7A  }
0x26: {  	[smem:$0x3F99] =	sst s1;
	(tag) =	ssettag s2;
	_ =	strace s9  }
0x27: {  	s1 =	sld [smem:$0x3FA9]  }
0x28: {  	s2 =	sld [smem:$0x3FAA]  }
0x29: {  	s4 =	sld [smem:$0x3FAC]  }
0x2a: {  	p0 =	seq.s32 s5, $0x0;
	s5 =	sld [smem:$0x3FAD]  }
0x2b: {  	s6 =	sld [smem:$0x3FAE]  }
0x2c: {  	s7 =	sld [smem:$0x3FAF]  }
0x2d: {  	s3 =	simm.s32 $0x108;
	s8 =	sld [smem:$0x3FB0]  }
0x2e: {  	s3 =	simm.s32 @!p0 $0x1082;
	s9 =	sld [smem:$0x3FB1]  }
0x2f: {  	lr =	sadd.s32 s0, s3;
	s0 =	sld [smem:$0x3FA8]  }
0x30: {  	s3 =	sld [smem:$0x3FAB]  }
0x31: {  	[smem:$0x3FB4] =	sst s10  }
0x32: {  	s10 =	sld [smem:$0x3FB2];
	_ =	sdelay $0x3  }
0x33: {  	p0 =	seq.s32 s10, $0x1;
	s10 =	sld [smem:$0x3FB4];
	_ =	sdelay $0x3  }
0x34: {  	[smem:$0x3FB4] =	sst s10  }
0x35: {  	s10 =	sld [smem:$0x3FB3];
	_ =	sdelay $0x3  }
0x36: {  	p1 =	seq.s32 s10, $0x1;
	s10 =	sld [smem:$0x3FB4];
	_ =	sdelay $0x3  }
0x37: {  	[smem:$0x3FB4] =	sst s10  }
0x38: {  	s10 =	sld [smem:$0x3FB5]  }
0x39: {  	_ = 	snop;
	(pc) =	sbr.ind lr, $3  }
0x3a: {  	_ = 	snop  }
0x3b: {  	_ = 	snop  }
0x3c: {  	p2 =	seq.s32 s10, $0x1;
	s10 =	sld [smem:$0x3FB4]  }
0x3d: {  	_ =	shalt  }
0x3e: {  	_ =	shalt  }
0x3f: {  	_ =	shalt  }
0x40: {  	_ =	shalt  }
0x41: {  	_ =	shalt  }
0x42: {  	_ =	shalt  }
0x43: {  	_ =	shalt  }
0x44: {  	_ =	shalt  }
0x45: {  	_ =	shalt  }
0x46: {  	_ =	shalt  }
0x47: {  	_ =	shalt  }
0x48: {  	_ =	shalt  }
0x49: {  	_ =	shalt  }
0x4a: {  	_ =	shalt  }
0x4b: {  	_ =	shalt  }
0x4c: {  	_ =	shalt  }
0x4d: {  	_ =	shalt  }
0x4e: {  	_ =	shalt  }
0x4f: {  	_ =	shalt  }
0x50: {  	_ =	shalt  }
0x51: {  	_ =	shalt  }
0x52: {  	_ =	shalt  }
0x53: {  	_ =	shalt  }
0x54: {  	_ =	shalt  }
0x55: {  	_ =	shalt  }
0x56: {  	_ =	shalt  }
0x57: {  	_ =	shalt  }
0x58: {  	_ =	shalt  }
0x59: {  	_ =	shalt  }
0x5a: {  	_ =	shalt  }
0x5b: {  	_ =	shalt  }
0x5c: {  	_ =	shalt  }
0x5d: {  	_ =	shalt  }
0x5e: {  	_ =	shalt  }
0x5f: {  	_ =	shalt  }
0x60: {  	_ =	shalt  }
0x61: {  	_ =	shalt  }
0x62: {  	_ =	shalt  }
0x63: {  	_ =	shalt  }
0x64: {  	_ =	shalt  }
0x65: {  	_ =	shalt  }
0x66: {  	_ =	shalt  }
0x67: {  	_ =	shalt  }
0x68: {  	_ =	shalt  }
0x69: {  	_ =	shalt  }
0x6a: {  	_ =	shalt  }
0x6b: {  	_ =	shalt  }
0x6c: {  	_ =	shalt  }
0x6d: {  	_ =	shalt  }
0x6e: {  	_ =	shalt  }
0x6f: {  	_ =	shalt  }
0x70: {  	_ =	shalt  }
0x71: {  	_ =	shalt  }
0x72: {  	_ =	shalt  }
0x73: {  	_ =	shalt  }
0x74: {  	_ =	shalt  }
0x75: {  	_ =	shalt  }
0x76: {  	_ =	shalt  }
0x77: {  	_ =	shalt  }
0x78: {  	_ =	shalt  }
0x79: {  	_ =	shalt  }
0x7a: {  	_ =	shalt  }
0x7b: {  	_ =	shalt  }
0x7c: {  	_ =	shalt  }
0x7d: {  	_ =	shalt  }
0x7e: {  	_ =	shalt  }
0x7f: {  	_ =	shalt  }
0x80: {  	_ =	shalt  }
0x81: {  	_ =	shalt  }
0x82: {  	_ =	shalt  }
0x83: {  	_ =	shalt  }
0x84: {  	_ =	shalt  }
0x85: {  	_ =	shalt  }
0x86: {  	_ =	shalt  }
0x87: {  	_ =	shalt  }
.Lfunc_end0:
.L_simem_size_0:
called_computation_lowered:
.L_overlay_start_0:
0x88: {  	s2 =	sld [smem:$0x3FD9]  }
0x89: {  	s3 =	sld [smem:$0x3FFE];
	_ =	sdelay $0x1  }
0x8a: {  	s1 =	srdreg.scid  }
0x8b: {  	s0 =	sand.u32 $0x1, s1  }
0x8c: {  	s17 =	sshll.u32 s0, $0xA;
	s2 =	sadd.s32 s3, s2  }
0x8d: {  	s2 =	sadd.s32 s2, s17  }
0x8e: {  	[smem:$0x3FC0] =	sst s2  }
0x8f: {  	_ = 	snop  }
0x90: {  	s2 =	sld [smem:$0x3FD0];
	(tm) =	ssettm $0x1  }
0x91: {  	s18 =	sld [smem:$0x3FFB];
	_ =	sdelay $0x3  }
0x92: {  	_ =	strace s18  }
0x93: {  	s3 =	sld [smem:$0x3FFC];
	_ =	sdelay $0x3  }
0x94: {  	_ =	strace s3  }
0x95: {  	s3 =	sld [smem:$0x3FFD];
	_ =	sdelay $0x3  }
0x96: {  	_ =	strace s3  }
0x97: {  	_ =	strace $0x8FFFFFFF  }
0x98: {  	s19 =	sld [smem:$0x3FDB];
	_ =	sdelay $0x1  }
0x99: {  	s4 =	simm.s32 $_scs_section_size  }
0x9a: {  	s5 =	simm.s32 $_size__tile_overlayer_lowered;
	s6 =	simm.s32 $_tile_overlayer_lowered  }
0x9b: {  	s22 =	simm.s32 $0x1BFF;
	s21 =	sshll.u32 s6, $0x1;
	s3 =	sadd.s32 s4, s19  }
0x9c: {  	s7 =	simm.s32 $0x0;
	s20 =	sshll.u32 s5, $0x1;
	s5 =	sadd.s32 s21, s3  }
0x9d: {  	[timem:s7], [sflag:s22] =	dma.local [hbm:s5], s20  }
0x9e: {  	_ =	swait.ge [sflag:s22], s20  }
0x9f: {  	s4 =	ssub.s32 $0x0, s20;
	[sflag:s22] =	ssyncset.done $0x0  }
0xa0: {  	[sflag:s22] =	ssyncadd.s32 s4;
	_ =	sdelay $0x1  }
0xa1: {  	s23 =	simm.s32 $0x1B8B  }
0xa2: {  	_ =	swait.ge [sflag:s23], $0x1  }
0xa3: {  	[sflag:s23] =	ssyncset.done $0x0  }
0xa4: {  	s25 =	simm.s32 $0x1B8E;
	s24 =	sld [smem:$0x3FFE];
	[sflag:s23] =	ssyncadd.s32 $0xFFFFFFFF  }
0xa5: {  	s26 =	simm.s32 $execute0_lowered;
	[smem:$0x3FD2] =	sst s25  }
0xa6: {  	s5 =	sshll.u32 s26, $0x1;
	_ =	strace $0x80000046;
	[dreg:$0x1] =	wrdreg $0xFFFFFFFF  }
0xa7: {  	s28 =	simm.s32 $_size_execute0_lowered;
	s3 =	sadd.s32 s3, s5;
	[dreg:$0x0] =	wrdreg $0x0  }
0xa8: {  	s5 =	sshll.u32 s28, $0x1;
	[dreg:$0x2] =	wrdreg s3  }
0xa9: {  	[dreg:$0x3] =	wrdreg s5  }
0xaa: {  	[dreg:$0x4] =	wrdreg $0xC0  }
0xab: {  	_ =	task [dreg:s7], $0x5FFFF  }
0xac: {  	[dreg:$0x1] =	wrdreg $0xFFFFFFFF  }
0xad: {  	[dreg:$0x0] =	wrdreg $0x60  }
0xae: {  	[dreg:$0x2] =	wrdreg s24  }
0xaf: {  	[dreg:$0x3] =	wrdreg s2  }
0xb0: {  	[dreg:$0x4] =	wrdreg $0x9  }
0xb1: {  	_ =	task.clear_ibuf [dreg:s7], $0x5FFFF;
	_ =	strace $0x90000046  }
0xb2: {  	s29 =	simm.s32 $0x9;
	_ =	strace $0x80000048  }
0xb3: {  	_ =	swait.ge [sflag:s29], $0x1  }
0xb4: {  	[sflag:s29] =	ssyncadd.s32 $0xFFFFFFFF  }
0xb5: {  	_ =	strace $0x90000048  }
0xb6: {  	_ =	sfence  }
0xb7: {  	s30 =	sld [smem:$0x0];
	_ =	sdelay $0x2  }
0xb8: {  	s31 =	sshll.u32 s1, $0xD;
	s1 =	sshrl.u32 s1, $0x2  }
0xb9: {  	s3 =	sand.u32 $0x4000, s31;
	s1 =	sadd.s32 s1, s30  }
0xba: {  	s0 =	sor.u32 s3, s0;
	s1 =	sshll.u32 s1, $0x11  }
0xbb: {  	s0 =	sor.u32 s1, s0  }
0xbc: {  	s0 =	sadd.s32 $0x8F2B, s0  }
0xbd: {  	[sflag:s0] =	ssyncadd.remote.s32 $0x1  }
0xbe: {  	_ =	sfence.sel $0xFFFF  }
0xbf: {  	[dreg:$0x0] =	wrdreg $0xFFFFFFFF;
	(pc) =	sbr.abs _section_cstart, $3  }
0xc0: {  	[dreg:$0x1] =	wrdreg $0xFFFFFFFF  }
0xc1: {  	_ =	task.clear_ibuf [dreg:s7], $0x2FFFF;
	_ =	strace $0x9FFFFFFF  }
0xc2: {  	(tm) =	ssettm $0x7FFFFFFF  }
0xc3: {  	_ =	shalt  }
tec
execute0_lowered:
.L_overlay_start_1:
0x0: {  	(tag) =	ssettag $0x1  }
0x1: {  	s1 =	srdreg.scid;
	s0 =	stileid.u32  }
0x2: {  	s14 =	sand.u32 $0x1, s1;
	s28 =	sshll.u32 s0, $0x1  }
0x3: {  	s10 =	rddreg [dreg:$0x0];
	s15 =	sor.u32 s14, s28  }
0x4: {  	s16 =	rddreg [dreg:$0x1];
	s5 =	smul.u32 $0x18, s15  }
0x5: {  	s2 =	simm.s32 $0x0;
	s1 =	rddreg [dreg:$0x2]  }
0x6: {  	[smem:$0x7FF] =	sst s2;
	s6 =	sadd.s32 $0x1A00, s10;
	s3 =	sshrl.u32 s5, $0x3  }
0x7: {  	_ =	strace $0x80000047;
	s4 =	sadd.s32 s6, s3;
	s3 =	simm.s32 $0x3  }
0x8: {  	[tilespmem:s2], [sflag:$0x3] =	stream.linear.gather [hbm4b:s4+s2], $0x18, $0x38;
	[tilespmem:$0x1900] =	vst v63  }
0x9: {  	s17 =	sadd.s32 $0x300, s5;
	_ =	swait.ge [sflag:s3], $0x18  }
0xa: {  	s5 =	sshrl.u32 s17, $0x3;
	[sflag:s3] =	ssyncset.done $0x0  }
0xb: {  	s5 =	sadd.s32 s6, s5;
	s6 =	simm.s32 $0x80;
	[sflag:s3] =	ssyncadd.s32 $0xFFFFFFE8  }
0xc: {  	[tilespmem:s6], [sflag:$0x3] =	stream.linear.gather [hbm4b:s5+s2], $0x18, $0x38;
	[tilespmem:$0x1900] =	vst v63  }
0xd: {  	_ =	swait.ge [sflag:s3], $0x18  }
0xe: {  	s8 =	simm.s32 $0x18;
	[sflag:s3] =	ssyncset.done $0x0  }
0xf: {  	s9 =	simm.s32 $0x100;
	s7 =	sadd.s32 $0x1C00, s10;
	[sflag:s3] =	ssyncadd.s32 $0xFFFFFFE8  }
0x10: {  	[tilespmem:s9], [sflag:$0x1] =	stream.indirect.gather [hbm4b:s7+s8], $0x80, s2, s8, $0xb8;
	[tilespmem:$0x1900] =	vst v63  }
0x11: {  	s11 =	simm.s32 $0xD00;
	s12 =	simm.s32 $0x1;
	s10 =	sadd.s32 $0x2E00, s10  }
0x12: {  	[tilespmem:s11], [sflag:$0x2] =	stream.indirect.gather [hbm4b:s10+s8], $0x80, s6, s8, $0xb8;
	[tilespmem:$0x1900] =	vst v63  }
0x13: {  	_ =	swait.ge [sflag:s12], $0xC00  }
0x14: {  	[sflag:s12] =	ssyncset.done $0x0  }
0x15: {  	s13 =	simm.s32 $0x2;
	s18 =	ssub.s32 $0x2, s14;
	[sflag:s12] =	ssyncadd.s32 $0xFFFFF400  }
0x16: {  	s15 =	smul.u32 $0x180, s15;
	s29 =	sshrl.u32 s18, $0x1;
	_ =	swait.ge [sflag:s13], $0xC00  }
0x17: {  	s18 =	ssub.s32 s18, s29;
	[sflag:s13] =	ssyncset.done $0x0  }
0x18: {  	s14 =	sadd.s32 s16, s15;
	s31 =	smax.u32 s18, $0x1;
	[sflag:s13] =	ssyncadd.s32 $0xFFFFF400  }
0x19: {  	[hbm4b:s14+s2] =	stream.linear.scatter [tilespmem:s9], [sflag:$0x3], $0xC00, $0x38;
	[tilespmem:$0x1900] =	vst v63  }
0x1a: {  	p0 =	sne.s32 s31, $0x1;
	_ =	swait.ge [sflag:s3], $0xC00  }
.Ltmp0:
0x1b: {  	s30 =	sshll.u32 s17, $0x4;
	[sflag:s3] =	ssyncset.done $0x0;
	(pc) =	sbr.rel @!p0 .LBB2_2-.Ltmp0, $4  }
0x1c: {  	s15 =	sadd.s32 s16, s30;
	[sflag:s3] =	ssyncadd.s32 $0xFFFFF400  }
0x1d: {  	[hbm4b:s15+s2] =	stream.linear.scatter [tilespmem:s11], [sflag:$0x3], $0xC00, $0x38;
	[tilespmem:$0x1900] =	vst v63  }
0x1e: {  	_ =	swait.ge [sflag:s3], $0xC00  }
0x1f: {  	s16 =	sadd.s32 $0xFFFFFFFF, s31;
	[sflag:s3] =	ssyncset.done $0x0  }
.LBB2_1:
0x20: {  	p0 =	sne.s32 s16, $0x1;
	s16 =	sadd.s32 $0xFFFFFFFF, s16;
	[sflag:s3] =	ssyncadd.s32 $0xFFFFF400  }
0x21: {  	[tilespmem:s2], [sflag:$0x3] =	stream.linear.gather [hbm4b:s4+s2], $0x18, $0x38;
	[tilespmem:$0x1900] =	vst v63  }
0x22: {  	_ =	swait.ge [sflag:s3], $0x18  }
0x23: {  	[sflag:s3] =	ssyncset.done $0x0  }
0x24: {  	[sflag:s3] =	ssyncadd.s32 $0xFFFFFFE8  }
0x25: {  	[tilespmem:s6], [sflag:$0x3] =	stream.linear.gather [hbm4b:s5+s2], $0x18, $0x38;
	[tilespmem:$0x1900] =	vst v63  }
0x26: {  	_ =	swait.ge [sflag:s3], $0x18  }
0x27: {  	[sflag:s3] =	ssyncset.done $0x0  }
0x28: {  	[sflag:s3] =	ssyncadd.s32 $0xFFFFFFE8  }
0x29: {  	[tilespmem:s9], [sflag:$0x1] =	stream.indirect.gather [hbm4b:s7+s8], $0x80, s2, s8, $0xb8;
	[tilespmem:$0x1900] =	vst v63  }
0x2a: {  	_ = 	snop  }
0x2b: {  	[tilespmem:s11], [sflag:$0x2] =	stream.indirect.gather [hbm4b:s10+s8], $0x80, s6, s8, $0xb8;
	[tilespmem:$0x1900] =	vst v63  }
0x2c: {  	_ =	swait.ge [sflag:s12], $0xC00  }
0x2d: {  	[sflag:s12] =	ssyncset.done $0x0  }
0x2e: {  	[sflag:s12] =	ssyncadd.s32 $0xFFFFF400  }
0x2f: {  	_ =	swait.ge [sflag:s13], $0xC00  }
0x30: {  	[sflag:s13] =	ssyncset.done $0x0  }
0x31: {  	[sflag:s13] =	ssyncadd.s32 $0xFFFFF400  }
0x32: {  	[hbm4b:s14+s2] =	stream.linear.scatter [tilespmem:s9], [sflag:$0x3], $0xC00, $0x38;
	[tilespmem:$0x1900] =	vst v63  }
0x33: {  	_ =	swait.ge [sflag:s3], $0xC00  }
.Ltmp1:
0x34: {  	[sflag:s3] =	ssyncset.done $0x0;
	(pc) =	sbr.rel @p0 .LBB2_1-.Ltmp1, $4  }
0x35: {  	[sflag:s3] =	ssyncadd.s32 $0xFFFFF400  }
0x36: {  	[hbm4b:s15+s2] =	stream.linear.scatter [tilespmem:s11], [sflag:$0x3], $0xC00, $0x38;
	[tilespmem:$0x1900] =	vst v63  }
0x37: {  	_ =	swait.ge [sflag:s3], $0xC00  }
0x38: {  	[sflag:s3] =	ssyncset.done $0x0  }
.LBB2_2:
0x39: {  	[sflag:s3] =	ssyncadd.s32 $0xFFFFF400  }
0x3a: {  	_ =	sfence.sel $0x180000  }
0x3b: {  	[bflag:$0x0] =	sbarrier.arrive $0xFFFF  }
0x3c: {  	p0 =	sne.s32 s0, $0x0;
	_ =	strace $0x90000047  }
0x3d: {  	s0 =	sadd.s32 @!p0 $0x100000, s1;
	[bflag:$0x2] =	sbarrier.arrive $0xFFFF  }
0x3e: {  	[sflag:s0] =	ssyncadd.tile.s32 @!p0 $0x1;
	_ =	shalt  }
.Lfunc_end2:
_tile_overlayer_lowered:
.L_overlay_start_2:
0x3f: {  	(tag) =	ssettag $0x2  }
0x40: {  	s0 =	rddreg [dreg:$0x0];
	s2 =	stileid.u32  }
0x41: {  	s1 =	rddreg [dreg:$0x1];
	p0 =	sne.s32 s2, $0x0  }
0x42: {  	s3 =	rddreg [dreg:$0x2];
	[bflag:$0x3] =	sbarrier.arrive $0xFFFF;
	s2 =	simm.s32 @!p0 $0x1C03  }
0x43: {  	[timem:s3], [sflag:s2] =	dma.local @!p0 [hbm:s0], s1  }
0x44: {  	s0 =	simm.s32 @!p0 $0x3  }
0x45: {  	_ =	swait.ge @!p0 [sflag:s0], s1  }
0x46: {  	s1 =	ssub.s32 @!p0 $0x0, s1;
	[sflag:s0] =	ssyncset.done @!p0 $0x0  }
0x47: {  	[sflag:s0] =	ssyncadd.s32 @!p0 s1  }
0x48: {  	[bflag:$0x3] =	sbarrier.arrive $0xFFFF  }
0x49: {  	_ =	shalt  }

</sc_bundles>
